<compile_context>
chip_gen: v7x
topology: tpu7x:2x2x1
jax: 0.10.2.dev20260603
libtpu: 0.0.44.dev20260713+nightly
codegen_flags: <defaults>
</compile_context>

<pallas_src>
import functools

import jax
import jax.numpy as jnp
from jax import lax
from jax.experimental import pallas as pl
from jax.experimental.pallas import tpu as pltpu
from jax.experimental.pallas import tpu_sc as plsc

N = 10000
E = 320000
D = 128
EPS = 1e-5

NC = 2
NS = 16
NW = NC * NS
CHUNK = 120
CH_PER_W = 86
E_PAD = NW * CH_PER_W * CHUNK
STRIDE = 632
N_PAD = NS * STRIDE

_MESH = plsc.VectorSubcoreMesh(core_axis_name="c", subcore_axis_name="s")


def _sc_body(with_deg, *refs):
    if with_deg:
        (h_hbm, src_hbm, dst_hbm, zrow_hbm, zdeg_hbm, ones_hbm,
         agg_out, deg_out, agg_s, deg_s,
         src0, src1, src2, dst0, dst1, dst2,
         rows0, rows1, rows2, ones_v, deg_v,
         semi0, semi1, semi2, semg0, semg1, semg2,
         sems0, sems1, sems2) = refs
    else:
        (h_hbm, src_hbm, dst_hbm, zrow_hbm,
         agg_out, agg_s,
         src0, src1, src2, dst0, dst1, dst2,
         rows0, rows1, rows2,
         semi0, semi1, semi2, semg0, semg1, semg2,
         sems0, sems1, sems2) = refs
    srcv = (src0, src1, src2)
    dstv = (dst0, dst1, dst2)
    rowsb = (rows0, rows1, rows2)
    semi = (semi0, semi1, semi2)
    semg = (semg0, semg1, semg2)
    sems = (sems0, sems1, sems2)

    c = lax.axis_index("c")
    s = lax.axis_index("s")
    w = s * NC + c

    pltpu.sync_copy(zrow_hbm.at[pl.ds(s * STRIDE, STRIDE)],
                    agg_s.at[pl.ds(s * STRIDE, STRIDE)])
    if with_deg:
        pltpu.sync_copy(zdeg_hbm.at[pl.ds(s * STRIDE, STRIDE)], deg_v)
        pltpu.sync_copy(deg_v, deg_s.at[pl.ds(s * STRIDE, STRIDE)])
        pltpu.sync_copy(ones_hbm, ones_v)
    plsc.subcore_barrier()

    def start_idx(k, b):
        off = (w * CH_PER_W + k) * CHUNK
        pltpu.async_copy(src_hbm.at[pl.ds(off, CHUNK)], srcv[b], semi[b])
        pltpu.async_copy(dst_hbm.at[pl.ds(off, CHUNK)], dstv[b], semi[b])

    def wait_idx(b):
        pltpu.make_async_copy(src_hbm.at[pl.ds(0, CHUNK)], srcv[b],
                              semi[b]).wait()
        pltpu.make_async_copy(dst_hbm.at[pl.ds(0, CHUNK)], dstv[b],
                              semi[b]).wait()

    def start_gather(b):
        pltpu.async_copy(h_hbm.at[srcv[b]], rowsb[b], semg[b])

    def wait_gather(b):
        pltpu.make_async_copy(h_hbm.at[srcv[b]], rowsb[b], semg[b]).wait()

    def start_scatter(b):
        pltpu.async_copy(rowsb[b], agg_s.at[dstv[b]], sems[b], add=True)
        if with_deg:
            pltpu.async_copy(ones_v, deg_s.at[dstv[b]], sems[b], add=True)

    def wait_scatter(b):
        pltpu.make_async_copy(rowsb[b], agg_s.at[dstv[b]], sems[b]).wait()
        if with_deg:
            pltpu.make_async_copy(ones_v, deg_s.at[dstv[b]], sems[b]).wait()

    def steady(k, b, first=False, last=False):
        bp = (b + 2) % 3
        bn = (b + 1) % 3
        wait_idx(b)
        start_gather(b)
        wait_gather(bp)
        start_scatter(bp)
        if not first:
            wait_scatter(bn)
        if not last:
            start_idx(k + 1, bn)

    start_idx(0, 0)
    start_idx(1, 1)
    wait_idx(0)
    start_gather(0)
    steady(1, 1, first=True)

    def triple_body(j, carry):
        steady(3 * j + 2, 2)
        steady(3 * j + 3, 0)
        steady(3 * j + 4, 1)
        return carry

    lax.fori_loop(0, (CH_PER_W - 2) // 3 - 1, triple_body, 0)
    steady(CH_PER_W - 3, 2)
    steady(CH_PER_W - 2, 0)
    steady(CH_PER_W - 1, 1, last=True)
    wait_gather(1)
    start_scatter(1)
    wait_scatter(0)
    wait_scatter(1)

    plsc.subcore_barrier()

    pltpu.sync_copy(agg_s.at[pl.ds(s * STRIDE, STRIDE)],
                    agg_out.at[c, pl.ds(s * STRIDE, STRIDE)])
    if with_deg:
        pltpu.sync_copy(deg_s.at[pl.ds(s * STRIDE, STRIDE)], deg_v)
        pltpu.sync_copy(deg_v,
                        deg_out.at[pl.ds(c * N_PAD + s * STRIDE, STRIDE)])


_sc_agg_deg = pl.kernel(
    functools.partial(_sc_body, True),
    out_type=(jax.ShapeDtypeStruct((NC, N_PAD, D), jnp.float32),
              jax.ShapeDtypeStruct((NC * N_PAD,), jnp.float32)),
    mesh=_MESH,
    scratch_types=[
        pltpu.VMEM_SHARED((N_PAD, D), jnp.float32),
        pltpu.VMEM_SHARED((N_PAD,), jnp.float32),
        pltpu.VMEM((CHUNK,), jnp.int32),
        pltpu.VMEM((CHUNK,), jnp.int32),
        pltpu.VMEM((CHUNK,), jnp.int32),
        pltpu.VMEM((CHUNK,), jnp.int32),
        pltpu.VMEM((CHUNK,), jnp.int32),
        pltpu.VMEM((CHUNK,), jnp.int32),
        pltpu.VMEM((CHUNK, D), jnp.float32),
        pltpu.VMEM((CHUNK, D), jnp.float32),
        pltpu.VMEM((CHUNK, D), jnp.float32),
        pltpu.VMEM((CHUNK,), jnp.float32),
        pltpu.VMEM((STRIDE,), jnp.float32),
    ] + [pltpu.SemaphoreType.DMA] * 9,
)

_sc_agg = pl.kernel(
    functools.partial(_sc_body, False),
    out_type=jax.ShapeDtypeStruct((NC, N_PAD, D), jnp.float32),
    mesh=_MESH,
    scratch_types=[
        pltpu.VMEM_SHARED((N_PAD, D), jnp.float32),
        pltpu.VMEM((CHUNK,), jnp.int32),
        pltpu.VMEM((CHUNK,), jnp.int32),
        pltpu.VMEM((CHUNK,), jnp.int32),
        pltpu.VMEM((CHUNK,), jnp.int32),
        pltpu.VMEM((CHUNK,), jnp.int32),
        pltpu.VMEM((CHUNK,), jnp.int32),
        pltpu.VMEM((CHUNK, D), jnp.float32),
        pltpu.VMEM((CHUNK, D), jnp.float32),
        pltpu.VMEM((CHUNK, D), jnp.float32),
    ] + [pltpu.SemaphoreType.DMA] * 9,
)


def _neigh(a_ref, d_ref):
    deg = jnp.maximum(d_ref[:N] + d_ref[N_PAD:N_PAD + N], 1.0)
    return (a_ref[0, :N] + a_ref[1, :N]) / deg[:, None]


def _tc_mid_body(h_ref, a_ref, d_ref, ws_ref, wn_ref, b_ref, g_ref, be_ref,
                 o_ref):
    hn = _neigh(a_ref, d_ref)
    z = (jnp.dot(h_ref[...], ws_ref[...], preferred_element_type=jnp.float32)
         + jnp.dot(hn, wn_ref[...], preferred_element_type=jnp.float32)
         + b_ref[...][None, :])
    mu = jnp.mean(z, axis=0)
    var = jnp.mean(z * z, axis=0) - mu * mu
    zn = (z - mu[None, :]) * lax.rsqrt(var + EPS)[None, :]
    zn = zn * g_ref[...][None, :] + be_ref[...][None, :]
    o_ref[...] = jnp.maximum(zn, 0.0)


def _tc_final_body(h_ref, a_ref, d_ref, ws_ref, wn_ref, b_ref, o_ref):
    hn = _neigh(a_ref, d_ref)
    z = (jnp.dot(h_ref[...], ws_ref[...], preferred_element_type=jnp.float32)
         + jnp.dot(hn, wn_ref[...], preferred_element_type=jnp.float32)
         + b_ref[...][None, :])
    m = jnp.max(z, axis=1, keepdims=True)
    lse = jnp.log(jnp.sum(jnp.exp(z - m), axis=1, keepdims=True)) + m
    o_ref[...] = z - lse


def _tc_mid(h, aggp, degp, Ws, Wn, b, g, be):
    return pl.pallas_call(
        _tc_mid_body,
        out_shape=jax.ShapeDtypeStruct((N, D), jnp.float32),
    )(h, aggp, degp, Ws, Wn, b, g, be)


def _tc_final(h, aggp, degp, Ws, Wn, b):
    return pl.pallas_call(
        _tc_final_body,
        out_shape=jax.ShapeDtypeStruct((N, D), jnp.float32),
    )(h, aggp, degp, Ws, Wn, b)


def kernel(x, edge_index, Ws0, Wn0, b0, g0, be0, Ws1, Wn1, b1, g1, be1,
           Ws2, Wn2, b2):
    pad = E_PAD - E
    iota = jnp.arange(pad, dtype=jnp.int32)
    src = jnp.concatenate([edge_index[0], iota % N])
    dst = jnp.concatenate([edge_index[1], N + iota % (N_PAD - N)])
    zrow = jnp.zeros((N_PAD, D), jnp.float32)
    zdeg = jnp.zeros((N_PAD,), jnp.float32)
    ones = jnp.ones((CHUNK,), jnp.float32)

    aggp0, degp = _sc_agg_deg(x, src, dst, zrow, zdeg, ones)
    h1 = _tc_mid(x, aggp0, degp, Ws0, Wn0, b0, g0, be0)
    aggp1 = _sc_agg(h1, src, dst, zrow)
    h2 = _tc_mid(h1, aggp1, degp, Ws1, Wn1, b1, g1, be1)
    aggp2 = _sc_agg(h2, src, dst, zrow)
    return _tc_final(h2, aggp2, degp, Ws2, Wn2, b2)

# --- scband reference (transcript-rebuilt; emitter-appended) ---
"""Pipeline reference for scband-sage-51462298140964 (READ-ONLY COPY).

The authoritative reference and input builder live on the scoring server;
editing this copy changes nothing except your own understanding.
"""

import jax, jax.numpy as jnp
import numpy as np

N = 10000
E = 320000
D = 128
H = 128
O = 128
EPS = 1e-5


def setup_inputs(seed: int = 0) -> dict:
    key = jax.random.key(seed)
    ks = jax.random.split(key, 16)
    inp = {}
    inp["x"] = jax.random.normal(ks[0], (N, D), dtype=jnp.float32)
    inp["edge_index"] = jax.random.randint(ks[1], (2, E), 0, N, dtype=jnp.int32)
    s0 = 1.0 / np.sqrt(D)
    s1 = 1.0 / np.sqrt(H)
    inp["Ws0"] = jax.random.uniform(ks[2], (D, H), jnp.float32, -s0, s0)
    inp["Wn0"] = jax.random.uniform(ks[3], (D, H), jnp.float32, -s0, s0)
    inp["b0"] = jnp.zeros((H,), jnp.float32)
    inp["g0"] = jnp.ones((H,), jnp.float32)
    inp["be0"] = jnp.zeros((H,), jnp.float32)
    inp["Ws1"] = jax.random.uniform(ks[4], (H, H), jnp.float32, -s1, s1)
    inp["Wn1"] = jax.random.uniform(ks[5], (H, H), jnp.float32, -s1, s1)
    inp["b1"] = jnp.zeros((H,), jnp.float32)
    inp["g1"] = jnp.ones((H,), jnp.float32)
    inp["be1"] = jnp.zeros((H,), jnp.float32)
    inp["Ws2"] = jax.random.uniform(ks[6], (H, O), jnp.float32, -s1, s1)
    inp["Wn2"] = jax.random.uniform(ks[7], (H, O), jnp.float32, -s1, s1)
    inp["b2"] = jnp.zeros((O,), jnp.float32)
    return inp


def _sage_layer(x, src, dst, Ws, Wn, b):
    # DGL SAGEConv aggregator_type='mean': rst = fc_self(h_self) + fc_neigh(mean_{j in N(i)} h_j) + bias
    m = x[src]
    agg = jax.ops.segment_sum(m, dst, num_segments=N)
    deg = jax.ops.segment_sum(jnp.ones((src.shape[0], 1), dtype=x.dtype), dst, num_segments=N)
    h_neigh = agg / jnp.clip(deg, 1.0)
    return x @ Ws + h_neigh @ Wn + b


def _bn(h, gamma, beta):
    mu = jnp.mean(h, axis=0)
    var = jnp.var(h, axis=0)
    return (h - mu) / jnp.sqrt(var + EPS) * gamma + beta


def reference(x, edge_index, Ws0, Wn0, b0, g0, be0, Ws1, Wn1, b1, g1, be1, Ws2, Wn2, b2):
    src = edge_index[0]
    dst = edge_index[1]
    h = _sage_layer(x, src, dst, Ws0, Wn0, b0)
    h = _bn(h, g0, be0)
    h = jax.nn.relu(h)
    # dropout is identity in deterministic/eval reference
    h = _sage_layer(h, src, dst, Ws1, Wn1, b1)
    h = _bn(h, g1, be1)
    h = jax.nn.relu(h)
    h = _sage_layer(h, src, dst, Ws2, Wn2, b2)
    return jax.nn.log_softmax(h, axis=-1)

if __name__ == "__main__":
    import jax
    _d = setup_inputs()
    print(jax.jit(kernel)(*tuple(_d.values())))

</pallas_src>

<mosaic_0001>
#map = affine_map<(d0, d1) -> (0, 0)>
#map1 = affine_map<(d0, d1) -> (0)>
#map2 = affine_map<(d0, d1) -> (0, 0, 0)>
module attributes {stable_mosaic.version = 14 : i64} {
  func.func @_sc_body(%arg0: i32, %arg1: i32, %arg2: memref<10000x128xf32, #tpu.memory_space<hbm>>, %arg3: memref<330240xi32, #tpu.memory_space<hbm>>, %arg4: memref<330240xi32, #tpu.memory_space<hbm>>, %arg5: memref<10112x128xf32, #tpu.memory_space<hbm>>, %arg6: memref<10112xf32, #tpu.memory_space<hbm>>, %arg7: memref<120xf32, #tpu.memory_space<hbm>>, %arg8: memref<2x10112x128xf32, #tpu.memory_space<hbm>>, %arg9: memref<20224xf32, #tpu.memory_space<hbm>>, %arg10: memref<10112x128xf32, #tpu.memory_space<vmem_shared>>, %arg11: memref<10112xf32, #tpu.memory_space<vmem_shared>>, %arg12: memref<120xi32, #tpu.memory_space<vmem>>, %arg13: memref<120xi32, #tpu.memory_space<vmem>>, %arg14: memref<120xi32, #tpu.memory_space<vmem>>, %arg15: memref<120xi32, #tpu.memory_space<vmem>>, %arg16: memref<120xi32, #tpu.memory_space<vmem>>, %arg17: memref<120xi32, #tpu.memory_space<vmem>>, %arg18: memref<120x128xf32, #tpu.memory_space<vmem>>, %arg19: memref<120x128xf32, #tpu.memory_space<vmem>>, %arg20: memref<120x128xf32, #tpu.memory_space<vmem>>, %arg21: memref<120xf32, #tpu.memory_space<vmem>>, %arg22: memref<632xf32, #tpu.memory_space<vmem>>, %arg23: memref<!tpu.dma_semaphore, #tpu.memory_space<semaphore_mem>>, %arg24: memref<!tpu.dma_semaphore, #tpu.memory_space<semaphore_mem>>, %arg25: memref<!tpu.dma_semaphore, #tpu.memory_space<semaphore_mem>>, %arg26: memref<!tpu.dma_semaphore, #tpu.memory_space<semaphore_mem>>, %arg27: memref<!tpu.dma_semaphore, #tpu.memory_space<semaphore_mem>>, %arg28: memref<!tpu.dma_semaphore, #tpu.memory_space<semaphore_mem>>, %arg29: memref<!tpu.dma_semaphore, #tpu.memory_space<semaphore_mem>>, %arg30: memref<!tpu.dma_semaphore, #tpu.memory_space<semaphore_mem>>, %arg31: memref<!tpu.dma_semaphore, #tpu.memory_space<semaphore_mem>>) attributes {dimension_semantics = [#tpu.dimension_semantics<core_parallel>, #tpu.dimension_semantics<subcore_parallel>], iteration_bounds = array<i64: 2, 16>, scalar_prefetch = 0 : i64, scratch_operands = 22 : i64, tpu.core_type = #tpu.core_type<sc_vector_subcore>, window_params = [{transform_indices = #map}, {transform_indices = #map1}, {transform_indices = #map1}, {transform_indices = #map}, {transform_indices = #map1}, {transform_indices = #map1}, {transform_indices = #map2}, {transform_indices = #map1}]} {
    %mul3A = arith.constant 2 : i32
    %mul3A_0 = arith.muli %arg1, %mul3A : i32
    %add3A = arith.addi %mul3A_0, %arg0 : i32
    %mul3A_1 = arith.constant 632 : i32
    %mul3A_2 = arith.muli %arg1, %mul3A_1 : i32
    %mul3A_3 = arith.constant 632 : i32
    %mul3A_4 = arith.muli %arg1, %mul3A_3 : i32
    "tpu.region"() ({
      %run_scoped3A = tpu.sem_alloc : memref<!tpu.dma_semaphore, #tpu.memory_space<semaphore_mem>>
      %dma_start3A_194 = arith.constant 0 : i32
      %dma_start3A_195 = tpu.memref_slice %arg10[%mul3A_4, %dma_start3A_194] : memref<10112x128xf32, #tpu.memory_space<vmem_shared>> -> memref<632x128xf32, #tpu.memory_space<vmem_shared>>
      %dma_start3A_196 = arith.constant 0 : i32
      %dma_start3A_197 = tpu.memref_slice %arg5[%mul3A_2, %dma_start3A_196] : memref<10112x128xf32, #tpu.memory_space<hbm>> -> memref<632x128xf32, #tpu.memory_space<hbm>>
      tpu.enqueue_dma source(%dma_start3A_197 : memref<632x128xf32, #tpu.memory_space<hbm>>) target(%dma_start3A_195 : memref<632x128xf32, #tpu.memory_space<vmem_shared>>) target_semaphore(%run_scoped3A : memref<!tpu.dma_semaphore, #tpu.memory_space<semaphore_mem>>)
      %dma_wait3A_198 = arith.constant 0 : i32
      %dma_wait3A_199 = tpu.memref_slice %arg10[%mul3A_4, %dma_wait3A_198] : memref<10112x128xf32, #tpu.memory_space<vmem_shared>> -> memref<632x128xf32, #tpu.memory_space<vmem_shared>>
      %dma_wait3A_200 = arith.constant 0 : i32
      %dma_wait3A_201 = tpu.memref_slice %arg5[%mul3A_2, %dma_wait3A_200] : memref<10112x128xf32, #tpu.memory_space<hbm>> -> memref<632x128xf32, #tpu.memory_space<hbm>>
      tpu.wait_dma2 semaphore(%run_scoped3A : memref<!tpu.dma_semaphore, #tpu.memory_space<semaphore_mem>>) src(%dma_wait3A_201 : memref<632x128xf32, #tpu.memory_space<hbm>>) dst(%dma_wait3A_199 : memref<632x128xf32, #tpu.memory_space<vmem_shared>>)
      tpu.yield
    }) : () -> ()
    %mul3A_5 = arith.constant 632 : i32
    %mul3A_6 = arith.muli %arg1, %mul3A_5 : i32
    "tpu.region"() ({
      %run_scoped3A = tpu.sem_alloc : memref<!tpu.dma_semaphore, #tpu.memory_space<semaphore_mem>>
      %dma_start3A_194 = tpu.memref_slice %arg6[%mul3A_6] : memref<10112xf32, #tpu.memory_space<hbm>> -> memref<632xf32, #tpu.memory_space<hbm>>
      %dma_start3A_195 = tpu.memref_slice %arg6[%mul3A_6] : memref<10112xf32, #tpu.memory_space<hbm>> -> memref<632xf32, #tpu.memory_space<hbm>>
      tpu.enqueue_dma source(%dma_start3A_195 : memref<632xf32, #tpu.memory_space<hbm>>) target(%arg22 : memref<632xf32, #tpu.memory_space<vmem>>) target_semaphore(%run_scoped3A : memref<!tpu.dma_semaphore, #tpu.memory_space<semaphore_mem>>)
      %dma_wait3A_196 = tpu.memref_slice %arg6[%mul3A_6] : memref<10112xf32, #tpu.memory_space<hbm>> -> memref<632xf32, #tpu.memory_space<hbm>>
      %dma_wait3A_197 = tpu.memref_slice %arg6[%mul3A_6] : memref<10112xf32, #tpu.memory_space<hbm>> -> memref<632xf32, #tpu.memory_space<hbm>>
      tpu.wait_dma2 semaphore(%run_scoped3A : memref<!tpu.dma_semaphore, #tpu.memory_space<semaphore_mem>>) src(%dma_wait3A_197 : memref<632xf32, #tpu.memory_space<hbm>>) dst(%arg22 : memref<632xf32, #tpu.memory_space<vmem>>)
      tpu.yield
    }) : () -> ()
    %mul3A_7 = arith.constant 632 : i32
    %mul3A_8 = arith.muli %arg1, %mul3A_7 : i32
    "tpu.region"() ({
      %run_scoped3A = tpu.sem_alloc : memref<!tpu.dma_semaphore, #tpu.memory_space<semaphore_mem>>
      %dma_start3A_194 = tpu.memref_slice %arg11[%mul3A_8] : memref<10112xf32, #tpu.memory_space<vmem_shared>> -> memref<632xf32, #tpu.memory_space<vmem_shared>>
      %dma_start3A_195 = tpu.memref_slice %arg11[%mul3A_8] : memref<10112xf32, #tpu.memory_space<vmem_shared>> -> memref<632xf32, #tpu.memory_space<vmem_shared>>
      tpu.enqueue_dma source(%arg22 : memref<632xf32, #tpu.memory_space<vmem>>) target(%dma_start3A_195 : memref<632xf32, #tpu.memory_space<vmem_shared>>) target_semaphore(%run_scoped3A : memref<!tpu.dma_semaphore, #tpu.memory_space<semaphore_mem>>)
      %dma_wait3A_196 = tpu.memref_slice %arg11[%mul3A_8] : memref<10112xf32, #tpu.memory_space<vmem_shared>> -> memref<632xf32, #tpu.memory_space<vmem_shared>>
      %dma_wait3A_197 = tpu.memref_slice %arg11[%mul3A_8] : memref<10112xf32, #tpu.memory_space<vmem_shared>> -> memref<632xf32, #tpu.memory_space<vmem_shared>>
      tpu.wait_dma2 semaphore(%run_scoped3A : memref<!tpu.dma_semaphore, #tpu.memory_space<semaphore_mem>>) src(%arg22 : memref<632xf32, #tpu.memory_space<vmem>>) dst(%dma_wait3A_197 : memref<632xf32, #tpu.memory_space<vmem_shared>>)
      tpu.yield
    }) : () -> ()
    "tpu.region"() ({
      %run_scoped3A = tpu.sem_alloc : memref<!tpu.dma_semaphore, #tpu.memory_space<semaphore_mem>>
      tpu.enqueue_dma source(%arg7 : memref<120xf32, #tpu.memory_space<hbm>>) target(%arg21 : memref<120xf32, #tpu.memory_space<vmem>>) target_semaphore(%run_scoped3A : memref<!tpu.dma_semaphore, #tpu.memory_space<semaphore_mem>>)
      tpu.wait_dma2 semaphore(%run_scoped3A : memref<!tpu.dma_semaphore, #tpu.memory_space<semaphore_mem>>) src(%arg7 : memref<120xf32, #tpu.memory_space<hbm>>) dst(%arg21 : memref<120xf32, #tpu.memory_space<vmem>>)
      tpu.yield
    }) : () -> ()
    %barrier3A = arith.constant 0 : index
    tpu.barrier barrier_id(%barrier3A)
    %mul3A_9 = arith.constant 86 : i32
    %mul3A_10 = arith.muli %add3A, %mul3A_9 : i32
    %add3A_11 = arith.constant 0 : i32
    %add3A_12 = arith.addi %mul3A_10, %add3A_11 : i32
    %mul3A_13 = arith.constant 120 : i32
    %mul3A_14 = arith.muli %add3A_12, %mul3A_13 : i32
    %dma_start3A = tpu.memref_slice %arg3[%mul3A_14] : memref<330240xi32, #tpu.memory_space<hbm>> -> memref<120xi32, #tpu.memory_space<hbm>>
    %dma_start3A_15 = tpu.memref_slice %arg3[%mul3A_14] : memref<330240xi32, #tpu.memory_space<hbm>> -> memref<120xi32, #tpu.memory_space<hbm>>
    tpu.enqueue_dma source(%dma_start3A_15 : memref<120xi32, #tpu.memory_space<hbm>>) target(%arg12 : memref<120xi32, #tpu.memory_space<vmem>>) target_semaphore(%arg23 : memref<!tpu.dma_semaphore, #tpu.memory_space<semaphore_mem>>)
    %dma_start3A_16 = tpu.memref_slice %arg4[%mul3A_14] : memref<330240xi32, #tpu.memory_space<hbm>> -> memref<120xi32, #tpu.memory_space<hbm>>
    %dma_start3A_17 = tpu.memref_slice %arg4[%mul3A_14] : memref<330240xi32, #tpu.memory_space<hbm>> -> memref<120xi32, #tpu.memory_space<hbm>>
    tpu.enqueue_dma source(%dma_start3A_17 : memref<120xi32, #tpu.memory_space<hbm>>) target(%arg15 : memref<120xi32, #tpu.memory_space<vmem>>) target_semaphore(%arg23 : memref<!tpu.dma_semaphore, #tpu.memory_space<semaphore_mem>>)
    %mul3A_18 = arith.constant 86 : i32
    %mul3A_19 = arith.muli %add3A, %mul3A_18 : i32
    %add3A_20 = arith.constant 1 : i32
    %add3A_21 = arith.addi %mul3A_19, %add3A_20 : i32
    %mul3A_22 = arith.constant 120 : i32
    %mul3A_23 = arith.muli %add3A_21, %mul3A_22 : i32
    %dma_start3A_24 = tpu.memref_slice %arg3[%mul3A_23] : memref<330240xi32, #tpu.memory_space<hbm>> -> memref<120xi32, #tpu.memory_space<hbm>>
    %dma_start3A_25 = tpu.memref_slice %arg3[%mul3A_23] : memref<330240xi32, #tpu.memory_space<hbm>> -> memref<120xi32, #tpu.memory_space<hbm>>
    tpu.enqueue_dma source(%dma_start3A_25 : memref<120xi32, #tpu.memory_space<hbm>>) target(%arg13 : memref<120xi32, #tpu.memory_space<vmem>>) target_semaphore(%arg24 : memref<!tpu.dma_semaphore, #tpu.memory_space<semaphore_mem>>)
    %dma_start3A_26 = tpu.memref_slice %arg4[%mul3A_23] : memref<330240xi32, #tpu.memory_space<hbm>> -> memref<120xi32, #tpu.memory_space<hbm>>
    %dma_start3A_27 = tpu.memref_slice %arg4[%mul3A_23] : memref<330240xi32, #tpu.memory_space<hbm>> -> memref<120xi32, #tpu.memory_space<hbm>>
    tpu.enqueue_dma source(%dma_start3A_27 : memref<120xi32, #tpu.memory_space<hbm>>) target(%arg16 : memref<120xi32, #tpu.memory_space<vmem>>) target_semaphore(%arg24 : memref<!tpu.dma_semaphore, #tpu.memory_space<semaphore_mem>>)
    %dma_wait3A = arith.constant 0 : i32
    %dma_wait3A_28 = tpu.memref_slice %arg3[%dma_wait3A] : memref<330240xi32, #tpu.memory_space<hbm>> -> memref<120xi32, #tpu.memory_space<hbm>>
    %dma_wait3A_29 = arith.constant 0 : i32
    %dma_wait3A_30 = tpu.memref_slice %arg3[%dma_wait3A_29] : memref<330240xi32, #tpu.memory_space<hbm>> -> memref<120xi32, #tpu.memory_space<hbm>>
    tpu.wait_dma2 semaphore(%arg23 : memref<!tpu.dma_semaphore, #tpu.memory_space<semaphore_mem>>) src(%dma_wait3A_30 : memref<120xi32, #tpu.memory_space<hbm>>) dst(%arg12 : memref<120xi32, #tpu.memory_space<vmem>>)
    %dma_wait3A_31 = arith.constant 0 : i32
    %dma_wait3A_32 = tpu.memref_slice %arg4[%dma_wait3A_31] : memref<330240xi32, #tpu.memory_space<hbm>> -> memref<120xi32, #tpu.memory_space<hbm>>
    %dma_wait3A_33 = arith.constant 0 : i32
    %dma_wait3A_34 = tpu.memref_slice %arg4[%dma_wait3A_33] : memref<330240xi32, #tpu.memory_space<hbm>> -> memref<120xi32, #tpu.memory_space<hbm>>
    tpu.wait_dma2 semaphore(%arg23 : memref<!tpu.dma_semaphore, #tpu.memory_space<semaphore_mem>>) src(%dma_wait3A_34 : memref<120xi32, #tpu.memory_space<hbm>>) dst(%arg15 : memref<120xi32, #tpu.memory_space<vmem>>)
    %dma_start3A_35 = arith.constant 0 : i32
    %dma_start3A_36 = arith.constant 0 : i32
    %dma_start3A_37 = tpu.memref_slice %arg2[%dma_start3A_35, %dma_start3A_36] : memref<10000x128xf32, #tpu.memory_space<hbm>> -> memref<10000x128xf32, #tpu.memory_space<hbm>>
    tpu.enqueue_indirect_dma source(%dma_start3A_37 : memref<10000x128xf32, #tpu.memory_space<hbm>>) target(%arg18 : memref<120x128xf32, #tpu.memory_space<vmem>>) offsets(%arg12 : memref<120xi32, #tpu.memory_space<vmem>>) semaphore(%arg26 : memref<!tpu.dma_semaphore, #tpu.memory_space<semaphore_mem>>)
    %dma_wait3A_38 = arith.constant 0 : i32
    %dma_wait3A_39 = tpu.memref_slice %arg3[%dma_wait3A_38] : memref<330240xi32, #tpu.memory_space<hbm>> -> memref<120xi32, #tpu.memory_space<hbm>>
    %dma_wait3A_40 = arith.constant 0 : i32
    %dma_wait3A_41 = tpu.memref_slice %arg3[%dma_wait3A_40] : memref<330240xi32, #tpu.memory_space<hbm>> -> memref<120xi32, #tpu.memory_space<hbm>>
    tpu.wait_dma2 semaphore(%arg24 : memref<!tpu.dma_semaphore, #tpu.memory_space<semaphore_mem>>) src(%dma_wait3A_41 : memref<120xi32, #tpu.memory_space<hbm>>) dst(%arg13 : memref<120xi32, #tpu.memory_space<vmem>>)
    %dma_wait3A_42 = arith.constant 0 : i32
    %dma_wait3A_43 = tpu.memref_slice %arg4[%dma_wait3A_42] : memref<330240xi32, #tpu.memory_space<hbm>> -> memref<120xi32, #tpu.memory_space<hbm>>
    %dma_wait3A_44 = arith.constant 0 : i32
    %dma_wait3A_45 = tpu.memref_slice %arg4[%dma_wait3A_44] : memref<330240xi32, #tpu.memory_space<hbm>> -> memref<120xi32, #tpu.memory_space<hbm>>
    tpu.wait_dma2 semaphore(%arg24 : memref<!tpu.dma_semaphore, #tpu.memory_space<semaphore_mem>>) src(%dma_wait3A_45 : memref<120xi32, #tpu.memory_space<hbm>>) dst(%arg16 : memref<120xi32, #tpu.memory_space<vmem>>)
    %dma_start3A_46 = arith.constant 0 : i32
    %dma_start3A_47 = arith.constant 0 : i32
    %dma_start3A_48 = tpu.memref_slice %arg2[%dma_start3A_46, %dma_start3A_47] : memref<10000x128xf32, #tpu.memory_space<hbm>> -> memref<10000x128xf32, #tpu.memory_space<hbm>>
    tpu.enqueue_indirect_dma source(%dma_start3A_48 : memref<10000x128xf32, #tpu.memory_space<hbm>>) target(%arg19 : memref<120x128xf32, #tpu.memory_space<vmem>>) offsets(%arg13 : memref<120xi32, #tpu.memory_space<vmem>>) semaphore(%arg27 : memref<!tpu.dma_semaphore, #tpu.memory_space<semaphore_mem>>)
    %dma_wait3A_49 = arith.constant 0 : i32
    %dma_wait3A_50 = arith.constant 0 : i32
    %dma_wait3A_51 = tpu.memref_slice %arg2[%dma_wait3A_49, %dma_wait3A_50] : memref<10000x128xf32, #tpu.memory_space<hbm>> -> memref<10000x128xf32, #tpu.memory_space<hbm>>
    tpu.wait_indirect_dma semaphore(%arg26 : memref<!tpu.dma_semaphore, #tpu.memory_space<semaphore_mem>>) src(%dma_wait3A_51 : memref<10000x128xf32, #tpu.memory_space<hbm>>) dst(%arg18 : memref<120x128xf32, #tpu.memory_space<vmem>>)
    %dma_start3A_52 = arith.constant 0 : i32
    %dma_start3A_53 = arith.constant 0 : i32
    %dma_start3A_54 = tpu.memref_slice %arg10[%dma_start3A_52, %dma_start3A_53] : memref<10112x128xf32, #tpu.memory_space<vmem_shared>> -> memref<10112x128xf32, #tpu.memory_space<vmem_shared>>
    tpu.enqueue_indirect_dma source(%arg18 : memref<120x128xf32, #tpu.memory_space<vmem>>) target(%dma_start3A_54 : memref<10112x128xf32, #tpu.memory_space<vmem_shared>>) offsets(%arg15 : memref<120xi32, #tpu.memory_space<vmem>>) semaphore(%arg29 : memref<!tpu.dma_semaphore, #tpu.memory_space<semaphore_mem>>) {add = true}
    %dma_start3A_55 = arith.constant 0 : i32
    %dma_start3A_56 = tpu.memref_slice %arg11[%dma_start3A_55] : memref<10112xf32, #tpu.memory_space<vmem_shared>> -> memref<10112xf32, #tpu.memory_space<vmem_shared>>
    tpu.enqueue_indirect_dma source(%arg21 : memref<120xf32, #tpu.memory_space<vmem>>) target(%dma_start3A_56 : memref<10112xf32, #tpu.memory_space<vmem_shared>>) offsets(%arg15 : memref<120xi32, #tpu.memory_space<vmem>>) semaphore(%arg29 : memref<!tpu.dma_semaphore, #tpu.memory_space<semaphore_mem>>) {add = true}
    %mul3A_57 = arith.constant 86 : i32
    %mul3A_58 = arith.muli %add3A, %mul3A_57 : i32
    %add3A_59 = arith.constant 2 : i32
    %add3A_60 = arith.addi %mul3A_58, %add3A_59 : i32
    %mul3A_61 = arith.constant 120 : i32
    %mul3A_62 = arith.muli %add3A_60, %mul3A_61 : i32
    %dma_start3A_63 = tpu.memref_slice %arg3[%mul3A_62] : memref<330240xi32, #tpu.memory_space<hbm>> -> memref<120xi32, #tpu.memory_space<hbm>>
    %dma_start3A_64 = tpu.memref_slice %arg3[%mul3A_62] : memref<330240xi32, #tpu.memory_space<hbm>> -> memref<120xi32, #tpu.memory_space<hbm>>
    tpu.enqueue_dma source(%dma_start3A_64 : memref<120xi32, #tpu.memory_space<hbm>>) target(%arg14 : memref<120xi32, #tpu.memory_space<vmem>>) target_semaphore(%arg25 : memref<!tpu.dma_semaphore, #tpu.memory_space<semaphore_mem>>)
    %dma_start3A_65 = tpu.memref_slice %arg4[%mul3A_62] : memref<330240xi32, #tpu.memory_space<hbm>> -> memref<120xi32, #tpu.memory_space<hbm>>
    %dma_start3A_66 = tpu.memref_slice %arg4[%mul3A_62] : memref<330240xi32, #tpu.memory_space<hbm>> -> memref<120xi32, #tpu.memory_space<hbm>>
    tpu.enqueue_dma source(%dma_start3A_66 : memref<120xi32, #tpu.memory_space<hbm>>) target(%arg17 : memref<120xi32, #tpu.memory_space<vmem>>) target_semaphore(%arg25 : memref<!tpu.dma_semaphore, #tpu.memory_space<semaphore_mem>>)
    %scan3A = arith.constant 0 : i32
    %scan3A_67 = arith.constant 0 : i32
    %scan3A_68 = arith.constant 27 : i32
    %scan3A_69 = arith.addi %scan3A_67, %scan3A_68 : i32
    %scan3A_70 = arith.constant 1 : i32
    scf.for %scan3A_194 = %scan3A_67 to %scan3A_69 step %scan3A_70  : i32 {
      %mul3A_195 = arith.constant 3 : i32
      %mul3A_196 = arith.muli %mul3A_195, %scan3A_194 : i32
      %add3A_197 = arith.constant 2 : i32
      %add3A_198 = arith.addi %mul3A_196, %add3A_197 : i32
      %dma_wait3A_199 = arith.constant 0 : i32
      %dma_wait3A_200 = tpu.memref_slice %arg3[%dma_wait3A_199] : memref<330240xi32, #tpu.memory_space<hbm>> -> memref<120xi32, #tpu.memory_space<hbm>>
      %dma_wait3A_201 = arith.constant 0 : i32
      %dma_wait3A_202 = tpu.memref_slice %arg3[%dma_wait3A_201] : memref<330240xi32, #tpu.memory_space<hbm>> -> memref<120xi32, #tpu.memory_space<hbm>>
      tpu.wait_dma2 semaphore(%arg25 : memref<!tpu.dma_semaphore, #tpu.memory_space<semaphore_mem>>) src(%dma_wait3A_202 : memref<120xi32, #tpu.memory_space<hbm>>) dst(%arg14 : memref<120xi32, #tpu.memory_space<vmem>>)
      %dma_wait3A_203 = arith.constant 0 : i32
      %dma_wait3A_204 = tpu.memref_slice %arg4[%dma_wait3A_203] : memref<330240xi32, #tpu.memory_space<hbm>> -> memref<120xi32, #tpu.memory_space<hbm>>
      %dma_wait3A_205 = arith.constant 0 : i32
      %dma_wait3A_206 = tpu.memref_slice %arg4[%dma_wait3A_205] : memref<330240xi32, #tpu.memory_space<hbm>> -> memref<120xi32, #tpu.memory_space<hbm>>
      tpu.wait_dma2 semaphore(%arg25 : memref<!tpu.dma_semaphore, #tpu.memory_space<semaphore_mem>>) src(%dma_wait3A_206 : memref<120xi32, #tpu.memory_space<hbm>>) dst(%arg17 : memref<120xi32, #tpu.memory_space<vmem>>)
      %dma_start3A_207 = arith.constant 0 : i32
      %dma_start3A_208 = arith.constant 0 : i32
      %dma_start3A_209 = tpu.memref_slice %arg2[%dma_start3A_207, %dma_start3A_208] : memref<10000x128xf32, #tpu.memory_space<hbm>> -> memref<10000x128xf32, #tpu.memory_space<hbm>>
      tpu.enqueue_indirect_dma source(%dma_start3A_209 : memref<10000x128xf32, #tpu.memory_space<hbm>>) target(%arg20 : memref<120x128xf32, #tpu.memory_space<vmem>>) offsets(%arg14 : memref<120xi32, #tpu.memory_space<vmem>>) semaphore(%arg28 : memref<!tpu.dma_semaphore, #tpu.memory_space<semaphore_mem>>)
      %dma_wait3A_210 = arith.constant 0 : i32
      %dma_wait3A_211 = arith.constant 0 : i32
      %dma_wait3A_212 = tpu.memref_slice %arg2[%dma_wait3A_210, %dma_wait3A_211] : memref<10000x128xf32, #tpu.memory_space<hbm>> -> memref<10000x128xf32, #tpu.memory_space<hbm>>
      tpu.wait_indirect_dma semaphore(%arg27 : memref<!tpu.dma_semaphore, #tpu.memory_space<semaphore_mem>>) src(%dma_wait3A_212 : memref<10000x128xf32, #tpu.memory_space<hbm>>) dst(%arg19 : memref<120x128xf32, #tpu.memory_space<vmem>>)
      %dma_start3A_213 = arith.constant 0 : i32
      %dma_start3A_214 = arith.constant 0 : i32
      %dma_start3A_215 = tpu.memref_slice %arg10[%dma_start3A_213, %dma_start3A_214] : memref<10112x128xf32, #tpu.memory_space<vmem_shared>> -> memref<10112x128xf32, #tpu.memory_space<vmem_shared>>
      tpu.enqueue_indirect_dma source(%arg19 : memref<120x128xf32, #tpu.memory_space<vmem>>) target(%dma_start3A_215 : memref<10112x128xf32, #tpu.memory_space<vmem_shared>>) offsets(%arg16 : memref<120xi32, #tpu.memory_space<vmem>>) semaphore(%arg30 : memref<!tpu.dma_semaphore, #tpu.memory_space<semaphore_mem>>) {add = true}
      %dma_start3A_216 = arith.constant 0 : i32
      %dma_start3A_217 = tpu.memref_slice %arg11[%dma_start3A_216] : memref<10112xf32, #tpu.memory_space<vmem_shared>> -> memref<10112xf32, #tpu.memory_space<vmem_shared>>
      tpu.enqueue_indirect_dma source(%arg21 : memref<120xf32, #tpu.memory_space<vmem>>) target(%dma_start3A_217 : memref<10112xf32, #tpu.memory_space<vmem_shared>>) offsets(%arg16 : memref<120xi32, #tpu.memory_space<vmem>>) semaphore(%arg30 : memref<!tpu.dma_semaphore, #tpu.memory_space<semaphore_mem>>) {add = true}
      %dma_wait3A_218 = arith.constant 0 : i32
      %dma_wait3A_219 = arith.constant 0 : i32
      %dma_wait3A_220 = tpu.memref_slice %arg10[%dma_wait3A_218, %dma_wait3A_219] : memref<10112x128xf32, #tpu.memory_space<vmem_shared>> -> memref<10112x128xf32, #tpu.memory_space<vmem_shared>>
      tpu.wait_indirect_dma semaphore(%arg29 : memref<!tpu.dma_semaphore, #tpu.memory_space<semaphore_mem>>) src(%arg18 : memref<120x128xf32, #tpu.memory_space<vmem>>) dst(%dma_wait3A_220 : memref<10112x128xf32, #tpu.memory_space<vmem_shared>>)
      %dma_wait3A_221 = arith.constant 0 : i32
      %dma_wait3A_222 = tpu.memref_slice %arg11[%dma_wait3A_221] : memref<10112xf32, #tpu.memory_space<vmem_shared>> -> memref<10112xf32, #tpu.memory_space<vmem_shared>>
      tpu.wait_indirect_dma semaphore(%arg29 : memref<!tpu.dma_semaphore, #tpu.memory_space<semaphore_mem>>) src(%arg21 : memref<120xf32, #tpu.memory_space<vmem>>) dst(%dma_wait3A_222 : memref<10112xf32, #tpu.memory_space<vmem_shared>>)
      %add3A_223 = arith.constant 1 : i32
      %add3A_224 = arith.addi %add3A_198, %add3A_223 : i32
      %mul3A_225 = arith.constant 86 : i32
      %mul3A_226 = arith.muli %add3A, %mul3A_225 : i32
      %add3A_227 = arith.addi %mul3A_226, %add3A_224 : i32
      %mul3A_228 = arith.constant 120 : i32
      %mul3A_229 = arith.muli %add3A_227, %mul3A_228 : i32
      %dma_start3A_230 = tpu.memref_slice %arg3[%mul3A_229] : memref<330240xi32, #tpu.memory_space<hbm>> -> memref<120xi32, #tpu.memory_space<hbm>>
      %dma_start3A_231 = tpu.memref_slice %arg3[%mul3A_229] : memref<330240xi32, #tpu.memory_space<hbm>> -> memref<120xi32, #tpu.memory_space<hbm>>
      tpu.enqueue_dma source(%dma_start3A_231 : memref<120xi32, #tpu.memory_space<hbm>>) target(%arg12 : memref<120xi32, #tpu.memory_space<vmem>>) target_semaphore(%arg23 : memref<!tpu.dma_semaphore, #tpu.memory_space<semaphore_mem>>)
      %dma_start3A_232 = tpu.memref_slice %arg4[%mul3A_229] : memref<330240xi32, #tpu.memory_space<hbm>> -> memref<120xi32, #tpu.memory_space<hbm>>
      %dma_start3A_233 = tpu.memref_slice %arg4[%mul3A_229] : memref<330240xi32, #tpu.memory_space<hbm>> -> memref<120xi32, #tpu.memory_space<hbm>>
      tpu.enqueue_dma source(%dma_start3A_233 : memref<120xi32, #tpu.memory_space<hbm>>) target(%arg15 : memref<120xi32, #tpu.memory_space<vmem>>) target_semaphore(%arg23 : memref<!tpu.dma_semaphore, #tpu.memory_space<semaphore_mem>>)
      %mul3A_234 = arith.constant 3 : i32
      %mul3A_235 = arith.muli %mul3A_234, %scan3A_194 : i32
      %add3A_236 = arith.constant 3 : i32
      %add3A_237 = arith.addi %mul3A_235, %add3A_236 : i32
      %dma_wait3A_238 = arith.constant 0 : i32
      %dma_wait3A_239 = tpu.memref_slice %arg3[%dma_wait3A_238] : memref<330240xi32, #tpu.memory_space<hbm>> -> memref<120xi32, #tpu.memory_space<hbm>>
      %dma_wait3A_240 = arith.constant 0 : i32
      %dma_wait3A_241 = tpu.memref_slice %arg3[%dma_wait3A_240] : memref<330240xi32, #tpu.memory_space<hbm>> -> memref<120xi32, #tpu.memory_space<hbm>>
      tpu.wait_dma2 semaphore(%arg23 : memref<!tpu.dma_semaphore, #tpu.memory_space<semaphore_mem>>) src(%dma_wait3A_241 : memref<120xi32, #tpu.memory_space<hbm>>) dst(%arg12 : memref<120xi32, #tpu.memory_space<vmem>>)
      %dma_wait3A_242 = arith.constant 0 : i32
      %dma_wait3A_243 = tpu.memref_slice %arg4[%dma_wait3A_242] : memref<330240xi32, #tpu.memory_space<hbm>> -> memref<120xi32, #tpu.memory_space<hbm>>
      %dma_wait3A_244 = arith.constant 0 : i32
      %dma_wait3A_245 = tpu.memref_slice %arg4[%dma_wait3A_244] : memref<330240xi32, #tpu.memory_space<hbm>> -> memref<120xi32, #tpu.memory_space<hbm>>
      tpu.wait_dma2 semaphore(%arg23 : memref<!tpu.dma_semaphore, #tpu.memory_space<semaphore_mem>>) src(%dma_wait3A_245 : memref<120xi32, #tpu.memory_space<hbm>>) dst(%arg15 : memref<120xi32, #tpu.memory_space<vmem>>)
      %dma_start3A_246 = arith.constant 0 : i32
      %dma_start3A_247 = arith.constant 0 : i32
      %dma_start3A_248 = tpu.memref_slice %arg2[%dma_start3A_246, %dma_start3A_247] : memref<10000x128xf32, #tpu.memory_space<hbm>> -> memref<10000x128xf32, #tpu.memory_space<hbm>>
      tpu.enqueue_indirect_dma source(%dma_start3A_248 : memref<10000x128xf32, #tpu.memory_space<hbm>>) target(%arg18 : memref<120x128xf32, #tpu.memory_space<vmem>>) offsets(%arg12 : memref<120xi32, #tpu.memory_space<vmem>>) semaphore(%arg26 : memref<!tpu.dma_semaphore, #tpu.memory_space<semaphore_mem>>)
      %dma_wait3A_249 = arith.constant 0 : i32
      %dma_wait3A_250 = arith.constant 0 : i32
      %dma_wait3A_251 = tpu.memref_slice %arg2[%dma_wait3A_249, %dma_wait3A_250] : memref<10000x128xf32, #tpu.memory_space<hbm>> -> memref<10000x128xf32, #tpu.memory_space<hbm>>
      tpu.wait_indirect_dma semaphore(%arg28 : memref<!tpu.dma_semaphore, #tpu.memory_space<semaphore_mem>>) src(%dma_wait3A_251 : memref<10000x128xf32, #tpu.memory_space<hbm>>) dst(%arg20 : memref<120x128xf32, #tpu.memory_space<vmem>>)
      %dma_start3A_252 = arith.constant 0 : i32
      %dma_start3A_253 = arith.constant 0 : i32
      %dma_start3A_254 = tpu.memref_slice %arg10[%dma_start3A_252, %dma_start3A_253] : memref<10112x128xf32, #tpu.memory_space<vmem_shared>> -> memref<10112x128xf32, #tpu.memory_space<vmem_shared>>
      tpu.enqueue_indirect_dma source(%arg20 : memref<120x128xf32, #tpu.memory_space<vmem>>) target(%dma_start3A_254 : memref<10112x128xf32, #tpu.memory_space<vmem_shared>>) offsets(%arg17 : memref<120xi32, #tpu.memory_space<vmem>>) semaphore(%arg31 : memref<!tpu.dma_semaphore, #tpu.memory_space<semaphore_mem>>) {add = true}
      %dma_start3A_255 = arith.constant 0 : i32
      %dma_start3A_256 = tpu.memref_slice %arg11[%dma_start3A_255] : memref<10112xf32, #tpu.memory_space<vmem_shared>> -> memref<10112xf32, #tpu.memory_space<vmem_shared>>
      tpu.enqueue_indirect_dma source(%arg21 : memref<120xf32, #tpu.memory_space<vmem>>) target(%dma_start3A_256 : memref<10112xf32, #tpu.memory_space<vmem_shared>>) offsets(%arg17 : memref<120xi32, #tpu.memory_space<vmem>>) semaphore(%arg31 : memref<!tpu.dma_semaphore, #tpu.memory_space<semaphore_mem>>) {add = true}
      %dma_wait3A_257 = arith.constant 0 : i32
      %dma_wait3A_258 = arith.constant 0 : i32
      %dma_wait3A_259 = tpu.memref_slice %arg10[%dma_wait3A_257, %dma_wait3A_258] : memref<10112x128xf32, #tpu.memory_space<vmem_shared>> -> memref<10112x128xf32, #tpu.memory_space<vmem_shared>>
      tpu.wait_indirect_dma semaphore(%arg30 : memref<!tpu.dma_semaphore, #tpu.memory_space<semaphore_mem>>) src(%arg19 : memref<120x128xf32, #tpu.memory_space<vmem>>) dst(%dma_wait3A_259 : memref<10112x128xf32, #tpu.memory_space<vmem_shared>>)
      %dma_wait3A_260 = arith.constant 0 : i32
      %dma_wait3A_261 = tpu.memref_slice %arg11[%dma_wait3A_260] : memref<10112xf32, #tpu.memory_space<vmem_shared>> -> memref<10112xf32, #tpu.memory_space<vmem_shared>>
      tpu.wait_indirect_dma semaphore(%arg30 : memref<!tpu.dma_semaphore, #tpu.memory_space<semaphore_mem>>) src(%arg21 : memref<120xf32, #tpu.memory_space<vmem>>) dst(%dma_wait3A_261 : memref<10112xf32, #tpu.memory_space<vmem_shared>>)
      %add3A_262 = arith.constant 1 : i32
      %add3A_263 = arith.addi %add3A_237, %add3A_262 : i32
      %mul3A_264 = arith.constant 86 : i32
      %mul3A_265 = arith.muli %add3A, %mul3A_264 : i32
      %add3A_266 = arith.addi %mul3A_265, %add3A_263 : i32
      %mul3A_267 = arith.constant 120 : i32
      %mul3A_268 = arith.muli %add3A_266, %mul3A_267 : i32
      %dma_start3A_269 = tpu.memref_slice %arg3[%mul3A_268] : memref<330240xi32, #tpu.memory_space<hbm>> -> memref<120xi32, #tpu.memory_space<hbm>>
      %dma_start3A_270 = tpu.memref_slice %arg3[%mul3A_268] : memref<330240xi32, #tpu.memory_space<hbm>> -> memref<120xi32, #tpu.memory_space<hbm>>
      tpu.enqueue_dma source(%dma_start3A_270 : memref<120xi32, #tpu.memory_space<hbm>>) target(%arg13 : memref<120xi32, #tpu.memory_space<vmem>>) target_semaphore(%arg24 : memref<!tpu.dma_semaphore, #tpu.memory_space<semaphore_mem>>)
      %dma_start3A_271 = tpu.memref_slice %arg4[%mul3A_268] : memref<330240xi32, #tpu.memory_space<hbm>> -> memref<120xi32, #tpu.memory_space<hbm>>
      %dma_start3A_272 = tpu.memref_slice %arg4[%mul3A_268] : memref<330240xi32, #tpu.memory_space<hbm>> -> memref<120xi32, #tpu.memory_space<hbm>>
      tpu.enqueue_dma source(%dma_start3A_272 : memref<120xi32, #tpu.memory_space<hbm>>) target(%arg16 : memref<120xi32, #tpu.memory_space<vmem>>) target_semaphore(%arg24 : memref<!tpu.dma_semaphore, #tpu.memory_space<semaphore_mem>>)
      %mul3A_273 = arith.constant 3 : i32
      %mul3A_274 = arith.muli %mul3A_273, %scan3A_194 : i32
      %add3A_275 = arith.constant 4 : i32
      %add3A_276 = arith.addi %mul3A_274, %add3A_275 : i32
      %dma_wait3A_277 = arith.constant 0 : i32
      %dma_wait3A_278 = tpu.memref_slice %arg3[%dma_wait3A_277] : memref<330240xi32, #tpu.memory_space<hbm>> -> memref<120xi32, #tpu.memory_space<hbm>>
      %dma_wait3A_279 = arith.constant 0 : i32
      %dma_wait3A_280 = tpu.memref_slice %arg3[%dma_wait3A_279] : memref<330240xi32, #tpu.memory_space<hbm>> -> memref<120xi32, #tpu.memory_space<hbm>>
      tpu.wait_dma2 semaphore(%arg24 : memref<!tpu.dma_semaphore, #tpu.memory_space<semaphore_mem>>) src(%dma_wait3A_280 : memref<120xi32, #tpu.memory_space<hbm>>) dst(%arg13 : memref<120xi32, #tpu.memory_space<vmem>>)
      %dma_wait3A_281 = arith.constant 0 : i32
      %dma_wait3A_282 = tpu.memref_slice %arg4[%dma_wait3A_281] : memref<330240xi32, #tpu.memory_space<hbm>> -> memref<120xi32, #tpu.memory_space<hbm>>
      %dma_wait3A_283 = arith.constant 0 : i32
      %dma_wait3A_284 = tpu.memref_slice %arg4[%dma_wait3A_283] : memref<330240xi32, #tpu.memory_space<hbm>> -> memref<120xi32, #tpu.memory_space<hbm>>
      tpu.wait_dma2 semaphore(%arg24 : memref<!tpu.dma_semaphore, #tpu.memory_space<semaphore_mem>>) src(%dma_wait3A_284 : memref<120xi32, #tpu.memory_space<hbm>>) dst(%arg16 : memref<120xi32, #tpu.memory_space<vmem>>)
      %dma_start3A_285 = arith.constant 0 : i32
      %dma_start3A_286 = arith.constant 0 : i32
      %dma_start3A_287 = tpu.memref_slice %arg2[%dma_start3A_285, %dma_start3A_286] : memref<10000x128xf32, #tpu.memory_space<hbm>> -> memref<10000x128xf32, #tpu.memory_space<hbm>>
      tpu.enqueue_indirect_dma source(%dma_start3A_287 : memref<10000x128xf32, #tpu.memory_space<hbm>>) target(%arg19 : memref<120x128xf32, #tpu.memory_space<vmem>>) offsets(%arg13 : memref<120xi32, #tpu.memory_space<vmem>>) semaphore(%arg27 : memref<!tpu.dma_semaphore, #tpu.memory_space<semaphore_mem>>)
      %dma_wait3A_288 = arith.constant 0 : i32
      %dma_wait3A_289 = arith.constant 0 : i32
      %dma_wait3A_290 = tpu.memref_slice %arg2[%dma_wait3A_288, %dma_wait3A_289] : memref<10000x128xf32, #tpu.memory_space<hbm>> -> memref<10000x128xf32, #tpu.memory_space<hbm>>
      tpu.wait_indirect_dma semaphore(%arg26 : memref<!tpu.dma_semaphore, #tpu.memory_space<semaphore_mem>>) src(%dma_wait3A_290 : memref<10000x128xf32, #tpu.memory_space<hbm>>) dst(%arg18 : memref<120x128xf32, #tpu.memory_space<vmem>>)
      %dma_start3A_291 = arith.constant 0 : i32
      %dma_start3A_292 = arith.constant 0 : i32
      %dma_start3A_293 = tpu.memref_slice %arg10[%dma_start3A_291, %dma_start3A_292] : memref<10112x128xf32, #tpu.memory_space<vmem_shared>> -> memref<10112x128xf32, #tpu.memory_space<vmem_shared>>
      tpu.enqueue_indirect_dma source(%arg18 : memref<120x128xf32, #tpu.memory_space<vmem>>) target(%dma_start3A_293 : memref<10112x128xf32, #tpu.memory_space<vmem_shared>>) offsets(%arg15 : memref<120xi32, #tpu.memory_space<vmem>>) semaphore(%arg29 : memref<!tpu.dma_semaphore, #tpu.memory_space<semaphore_mem>>) {add = true}
      %dma_start3A_294 = arith.constant 0 : i32
      %dma_start3A_295 = tpu.memref_slice %arg11[%dma_start3A_294] : memref<10112xf32, #tpu.memory_space<vmem_shared>> -> memref<10112xf32, #tpu.memory_space<vmem_shared>>
      tpu.enqueue_indirect_dma source(%arg21 : memref<120xf32, #tpu.memory_space<vmem>>) target(%dma_start3A_295 : memref<10112xf32, #tpu.memory_space<vmem_shared>>) offsets(%arg15 : memref<120xi32, #tpu.memory_space<vmem>>) semaphore(%arg29 : memref<!tpu.dma_semaphore, #tpu.memory_space<semaphore_mem>>) {add = true}
      %dma_wait3A_296 = arith.constant 0 : i32
      %dma_wait3A_297 = arith.constant 0 : i32
      %dma_wait3A_298 = tpu.memref_slice %arg10[%dma_wait3A_296, %dma_wait3A_297] : memref<10112x128xf32, #tpu.memory_space<vmem_shared>> -> memref<10112x128xf32, #tpu.memory_space<vmem_shared>>
      tpu.wait_indirect_dma semaphore(%arg31 : memref<!tpu.dma_semaphore, #tpu.memory_space<semaphore_mem>>) src(%arg20 : memref<120x128xf32, #tpu.memory_space<vmem>>) dst(%dma_wait3A_298 : memref<10112x128xf32, #tpu.memory_space<vmem_shared>>)
      %dma_wait3A_299 = arith.constant 0 : i32
      %dma_wait3A_300 = tpu.memref_slice %arg11[%dma_wait3A_299] : memref<10112xf32, #tpu.memory_space<vmem_shared>> -> memref<10112xf32, #tpu.memory_space<vmem_shared>>
      tpu.wait_indirect_dma semaphore(%arg31 : memref<!tpu.dma_semaphore, #tpu.memory_space<semaphore_mem>>) src(%arg21 : memref<120xf32, #tpu.memory_space<vmem>>) dst(%dma_wait3A_300 : memref<10112xf32, #tpu.memory_space<vmem_shared>>)
      %add3A_301 = arith.constant 1 : i32
      %add3A_302 = arith.addi %add3A_276, %add3A_301 : i32
      %mul3A_303 = arith.constant 86 : i32
      %mul3A_304 = arith.muli %add3A, %mul3A_303 : i32
      %add3A_305 = arith.addi %mul3A_304, %add3A_302 : i32
      %mul3A_306 = arith.constant 120 : i32
      %mul3A_307 = arith.muli %add3A_305, %mul3A_306 : i32
      %dma_start3A_308 = tpu.memref_slice %arg3[%mul3A_307] : memref<330240xi32, #tpu.memory_space<hbm>> -> memref<120xi32, #tpu.memory_space<hbm>>
      %dma_start3A_309 = tpu.memref_slice %arg3[%mul3A_307] : memref<330240xi32, #tpu.memory_space<hbm>> -> memref<120xi32, #tpu.memory_space<hbm>>
      tpu.enqueue_dma source(%dma_start3A_309 : memref<120xi32, #tpu.memory_space<hbm>>) target(%arg14 : memref<120xi32, #tpu.memory_space<vmem>>) target_semaphore(%arg25 : memref<!tpu.dma_semaphore, #tpu.memory_space<semaphore_mem>>)
      %dma_start3A_310 = tpu.memref_slice %arg4[%mul3A_307] : memref<330240xi32, #tpu.memory_space<hbm>> -> memref<120xi32, #tpu.memory_space<hbm>>
      %dma_start3A_311 = tpu.memref_slice %arg4[%mul3A_307] : memref<330240xi32, #tpu.memory_space<hbm>> -> memref<120xi32, #tpu.memory_space<hbm>>
      tpu.enqueue_dma source(%dma_start3A_311 : memref<120xi32, #tpu.memory_space<hbm>>) target(%arg17 : memref<120xi32, #tpu.memory_space<vmem>>) target_semaphore(%arg25 : memref<!tpu.dma_semaphore, #tpu.memory_space<semaphore_mem>>)
    }
    %scan3A_71 = arith.constant 27 : i32
    %dma_wait3A_72 = arith.constant 0 : i32
    %dma_wait3A_73 = tpu.memref_slice %arg3[%dma_wait3A_72] : memref<330240xi32, #tpu.memory_space<hbm>> -> memref<120xi32, #tpu.memory_space<hbm>>
    %dma_wait3A_74 = arith.constant 0 : i32
    %dma_wait3A_75 = tpu.memref_slice %arg3[%dma_wait3A_74] : memref<330240xi32, #tpu.memory_space<hbm>> -> memref<120xi32, #tpu.memory_space<hbm>>
    tpu.wait_dma2 semaphore(%arg25 : memref<!tpu.dma_semaphore, #tpu.memory_space<semaphore_mem>>) src(%dma_wait3A_75 : memref<120xi32, #tpu.memory_space<hbm>>) dst(%arg14 : memref<120xi32, #tpu.memory_space<vmem>>)
    %dma_wait3A_76 = arith.constant 0 : i32
    %dma_wait3A_77 = tpu.memref_slice %arg4[%dma_wait3A_76] : memref<330240xi32, #tpu.memory_space<hbm>> -> memref<120xi32, #tpu.memory_space<hbm>>
    %dma_wait3A_78 = arith.constant 0 : i32
    %dma_wait3A_79 = tpu.memref_slice %arg4[%dma_wait3A_78] : memref<330240xi32, #tpu.memory_space<hbm>> -> memref<120xi32, #tpu.memory_space<hbm>>
    tpu.wait_dma2 semaphore(%arg25 : memref<!tpu.dma_semaphore, #tpu.memory_space<semaphore_mem>>) src(%dma_wait3A_79 : memref<120xi32, #tpu.memory_space<hbm>>) dst(%arg17 : memref<120xi32, #tpu.memory_space<vmem>>)
    %dma_start3A_80 = arith.constant 0 : i32
    %dma_start3A_81 = arith.constant 0 : i32
    %dma_start3A_82 = tpu.memref_slice %arg2[%dma_start3A_80, %dma_start3A_81] : memref<10000x128xf32, #tpu.memory_space<hbm>> -> memref<10000x128xf32, #tpu.memory_space<hbm>>
    tpu.enqueue_indirect_dma source(%dma_start3A_82 : memref<10000x128xf32, #tpu.memory_space<hbm>>) target(%arg20 : memref<120x128xf32, #tpu.memory_space<vmem>>) offsets(%arg14 : memref<120xi32, #tpu.memory_space<vmem>>) semaphore(%arg28 : memref<!tpu.dma_semaphore, #tpu.memory_space<semaphore_mem>>)
    %dma_wait3A_83 = arith.constant 0 : i32
    %dma_wait3A_84 = arith.constant 0 : i32
    %dma_wait3A_85 = tpu.memref_slice %arg2[%dma_wait3A_83, %dma_wait3A_84] : memref<10000x128xf32, #tpu.memory_space<hbm>> -> memref<10000x128xf32, #tpu.memory_space<hbm>>
    tpu.wait_indirect_dma semaphore(%arg27 : memref<!tpu.dma_semaphore, #tpu.memory_space<semaphore_mem>>) src(%dma_wait3A_85 : memref<10000x128xf32, #tpu.memory_space<hbm>>) dst(%arg19 : memref<120x128xf32, #tpu.memory_space<vmem>>)
    %dma_start3A_86 = arith.constant 0 : i32
    %dma_start3A_87 = arith.constant 0 : i32
    %dma_start3A_88 = tpu.memref_slice %arg10[%dma_start3A_86, %dma_start3A_87] : memref<10112x128xf32, #tpu.memory_space<vmem_shared>> -> memref<10112x128xf32, #tpu.memory_space<vmem_shared>>
    tpu.enqueue_indirect_dma source(%arg19 : memref<120x128xf32, #tpu.memory_space<vmem>>) target(%dma_start3A_88 : memref<10112x128xf32, #tpu.memory_space<vmem_shared>>) offsets(%arg16 : memref<120xi32, #tpu.memory_space<vmem>>) semaphore(%arg30 : memref<!tpu.dma_semaphore, #tpu.memory_space<semaphore_mem>>) {add = true}
    %dma_start3A_89 = arith.constant 0 : i32
    %dma_start3A_90 = tpu.memref_slice %arg11[%dma_start3A_89] : memref<10112xf32, #tpu.memory_space<vmem_shared>> -> memref<10112xf32, #tpu.memory_space<vmem_shared>>
    tpu.enqueue_indirect_dma source(%arg21 : memref<120xf32, #tpu.memory_space<vmem>>) target(%dma_start3A_90 : memref<10112xf32, #tpu.memory_space<vmem_shared>>) offsets(%arg16 : memref<120xi32, #tpu.memory_space<vmem>>) semaphore(%arg30 : memref<!tpu.dma_semaphore, #tpu.memory_space<semaphore_mem>>) {add = true}
    %dma_wait3A_91 = arith.constant 0 : i32
    %dma_wait3A_92 = arith.constant 0 : i32
    %dma_wait3A_93 = tpu.memref_slice %arg10[%dma_wait3A_91, %dma_wait3A_92] : memref<10112x128xf32, #tpu.memory_space<vmem_shared>> -> memref<10112x128xf32, #tpu.memory_space<vmem_shared>>
    tpu.wait_indirect_dma semaphore(%arg29 : memref<!tpu.dma_semaphore, #tpu.memory_space<semaphore_mem>>) src(%arg18 : memref<120x128xf32, #tpu.memory_space<vmem>>) dst(%dma_wait3A_93 : memref<10112x128xf32, #tpu.memory_space<vmem_shared>>)
    %dma_wait3A_94 = arith.constant 0 : i32
    %dma_wait3A_95 = tpu.memref_slice %arg11[%dma_wait3A_94] : memref<10112xf32, #tpu.memory_space<vmem_shared>> -> memref<10112xf32, #tpu.memory_space<vmem_shared>>
    tpu.wait_indirect_dma semaphore(%arg29 : memref<!tpu.dma_semaphore, #tpu.memory_space<semaphore_mem>>) src(%arg21 : memref<120xf32, #tpu.memory_space<vmem>>) dst(%dma_wait3A_95 : memref<10112xf32, #tpu.memory_space<vmem_shared>>)
    %mul3A_96 = arith.constant 86 : i32
    %mul3A_97 = arith.muli %add3A, %mul3A_96 : i32
    %add3A_98 = arith.constant 84 : i32
    %add3A_99 = arith.addi %mul3A_97, %add3A_98 : i32
    %mul3A_100 = arith.constant 120 : i32
    %mul3A_101 = arith.muli %add3A_99, %mul3A_100 : i32
    %dma_start3A_102 = tpu.memref_slice %arg3[%mul3A_101] : memref<330240xi32, #tpu.memory_space<hbm>> -> memref<120xi32, #tpu.memory_space<hbm>>
    %dma_start3A_103 = tpu.memref_slice %arg3[%mul3A_101] : memref<330240xi32, #tpu.memory_space<hbm>> -> memref<120xi32, #tpu.memory_space<hbm>>
    tpu.enqueue_dma source(%dma_start3A_103 : memref<120xi32, #tpu.memory_space<hbm>>) target(%arg12 : memref<120xi32, #tpu.memory_space<vmem>>) target_semaphore(%arg23 : memref<!tpu.dma_semaphore, #tpu.memory_space<semaphore_mem>>)
    %dma_start3A_104 = tpu.memref_slice %arg4[%mul3A_101] : memref<330240xi32, #tpu.memory_space<hbm>> -> memref<120xi32, #tpu.memory_space<hbm>>
    %dma_start3A_105 = tpu.memref_slice %arg4[%mul3A_101] : memref<330240xi32, #tpu.memory_space<hbm>> -> memref<120xi32, #tpu.memory_space<hbm>>
    tpu.enqueue_dma source(%dma_start3A_105 : memref<120xi32, #tpu.memory_space<hbm>>) target(%arg15 : memref<120xi32, #tpu.memory_space<vmem>>) target_semaphore(%arg23 : memref<!tpu.dma_semaphore, #tpu.memory_space<semaphore_mem>>)
    %dma_wait3A_106 = arith.constant 0 : i32
    %dma_wait3A_107 = tpu.memref_slice %arg3[%dma_wait3A_106] : memref<330240xi32, #tpu.memory_space<hbm>> -> memref<120xi32, #tpu.memory_space<hbm>>
    %dma_wait3A_108 = arith.constant 0 : i32
    %dma_wait3A_109 = tpu.memref_slice %arg3[%dma_wait3A_108] : memref<330240xi32, #tpu.memory_space<hbm>> -> memref<120xi32, #tpu.memory_space<hbm>>
    tpu.wait_dma2 semaphore(%arg23 : memref<!tpu.dma_semaphore, #tpu.memory_space<semaphore_mem>>) src(%dma_wait3A_109 : memref<120xi32, #tpu.memory_space<hbm>>) dst(%arg12 : memref<120xi32, #tpu.memory_space<vmem>>)
    %dma_wait3A_110 = arith.constant 0 : i32
    %dma_wait3A_111 = tpu.memref_slice %arg4[%dma_wait3A_110] : memref<330240xi32, #tpu.memory_space<hbm>> -> memref<120xi32, #tpu.memory_space<hbm>>
    %dma_wait3A_112 = arith.constant 0 : i32
    %dma_wait3A_113 = tpu.memref_slice %arg4[%dma_wait3A_112] : memref<330240xi32, #tpu.memory_space<hbm>> -> memref<120xi32, #tpu.memory_space<hbm>>
    tpu.wait_dma2 semaphore(%arg23 : memref<!tpu.dma_semaphore, #tpu.memory_space<semaphore_mem>>) src(%dma_wait3A_113 : memref<120xi32, #tpu.memory_space<hbm>>) dst(%arg15 : memref<120xi32, #tpu.memory_space<vmem>>)
    %dma_start3A_114 = arith.constant 0 : i32
    %dma_start3A_115 = arith.constant 0 : i32
    %dma_start3A_116 = tpu.memref_slice %arg2[%dma_start3A_114, %dma_start3A_115] : memref<10000x128xf32, #tpu.memory_space<hbm>> -> memref<10000x128xf32, #tpu.memory_space<hbm>>
    tpu.enqueue_indirect_dma source(%dma_start3A_116 : memref<10000x128xf32, #tpu.memory_space<hbm>>) target(%arg18 : memref<120x128xf32, #tpu.memory_space<vmem>>) offsets(%arg12 : memref<120xi32, #tpu.memory_space<vmem>>) semaphore(%arg26 : memref<!tpu.dma_semaphore, #tpu.memory_space<semaphore_mem>>)
    %dma_wait3A_117 = arith.constant 0 : i32
    %dma_wait3A_118 = arith.constant 0 : i32
    %dma_wait3A_119 = tpu.memref_slice %arg2[%dma_wait3A_117, %dma_wait3A_118] : memref<10000x128xf32, #tpu.memory_space<hbm>> -> memref<10000x128xf32, #tpu.memory_space<hbm>>
    tpu.wait_indirect_dma semaphore(%arg28 : memref<!tpu.dma_semaphore, #tpu.memory_space<semaphore_mem>>) src(%dma_wait3A_119 : memref<10000x128xf32, #tpu.memory_space<hbm>>) dst(%arg20 : memref<120x128xf32, #tpu.memory_space<vmem>>)
    %dma_start3A_120 = arith.constant 0 : i32
    %dma_start3A_121 = arith.constant 0 : i32
    %dma_start3A_122 = tpu.memref_slice %arg10[%dma_start3A_120, %dma_start3A_121] : memref<10112x128xf32, #tpu.memory_space<vmem_shared>> -> memref<10112x128xf32, #tpu.memory_space<vmem_shared>>
    tpu.enqueue_indirect_dma source(%arg20 : memref<120x128xf32, #tpu.memory_space<vmem>>) target(%dma_start3A_122 : memref<10112x128xf32, #tpu.memory_space<vmem_shared>>) offsets(%arg17 : memref<120xi32, #tpu.memory_space<vmem>>) semaphore(%arg31 : memref<!tpu.dma_semaphore, #tpu.memory_space<semaphore_mem>>) {add = true}
    %dma_start3A_123 = arith.constant 0 : i32
    %dma_start3A_124 = tpu.memref_slice %arg11[%dma_start3A_123] : memref<10112xf32, #tpu.memory_space<vmem_shared>> -> memref<10112xf32, #tpu.memory_space<vmem_shared>>
    tpu.enqueue_indirect_dma source(%arg21 : memref<120xf32, #tpu.memory_space<vmem>>) target(%dma_start3A_124 : memref<10112xf32, #tpu.memory_space<vmem_shared>>) offsets(%arg17 : memref<120xi32, #tpu.memory_space<vmem>>) semaphore(%arg31 : memref<!tpu.dma_semaphore, #tpu.memory_space<semaphore_mem>>) {add = true}
    %dma_wait3A_125 = arith.constant 0 : i32
    %dma_wait3A_126 = arith.constant 0 : i32
    %dma_wait3A_127 = tpu.memref_slice %arg10[%dma_wait3A_125, %dma_wait3A_126] : memref<10112x128xf32, #tpu.memory_space<vmem_shared>> -> memref<10112x128xf32, #tpu.memory_space<vmem_shared>>
    tpu.wait_indirect_dma semaphore(%arg30 : memref<!tpu.dma_semaphore, #tpu.memory_space<semaphore_mem>>) src(%arg19 : memref<120x128xf32, #tpu.memory_space<vmem>>) dst(%dma_wait3A_127 : memref<10112x128xf32, #tpu.memory_space<vmem_shared>>)
    %dma_wait3A_128 = arith.constant 0 : i32
    %dma_wait3A_129 = tpu.memref_slice %arg11[%dma_wait3A_128] : memref<10112xf32, #tpu.memory_space<vmem_shared>> -> memref<10112xf32, #tpu.memory_space<vmem_shared>>
    tpu.wait_indirect_dma semaphore(%arg30 : memref<!tpu.dma_semaphore, #tpu.memory_space<semaphore_mem>>) src(%arg21 : memref<120xf32, #tpu.memory_space<vmem>>) dst(%dma_wait3A_129 : memref<10112xf32, #tpu.memory_space<vmem_shared>>)
    %mul3A_130 = arith.constant 86 : i32
    %mul3A_131 = arith.muli %add3A, %mul3A_130 : i32
    %add3A_132 = arith.constant 85 : i32
    %add3A_133 = arith.addi %mul3A_131, %add3A_132 : i32
    %mul3A_134 = arith.constant 120 : i32
    %mul3A_135 = arith.muli %add3A_133, %mul3A_134 : i32
    %dma_start3A_136 = tpu.memref_slice %arg3[%mul3A_135] : memref<330240xi32, #tpu.memory_space<hbm>> -> memref<120xi32, #tpu.memory_space<hbm>>
    %dma_start3A_137 = tpu.memref_slice %arg3[%mul3A_135] : memref<330240xi32, #tpu.memory_space<hbm>> -> memref<120xi32, #tpu.memory_space<hbm>>
    tpu.enqueue_dma source(%dma_start3A_137 : memref<120xi32, #tpu.memory_space<hbm>>) target(%arg13 : memref<120xi32, #tpu.memory_space<vmem>>) target_semaphore(%arg24 : memref<!tpu.dma_semaphore, #tpu.memory_space<semaphore_mem>>)
    %dma_start3A_138 = tpu.memref_slice %arg4[%mul3A_135] : memref<330240xi32, #tpu.memory_space<hbm>> -> memref<120xi32, #tpu.memory_space<hbm>>
    %dma_start3A_139 = tpu.memref_slice %arg4[%mul3A_135] : memref<330240xi32, #tpu.memory_space<hbm>> -> memref<120xi32, #tpu.memory_space<hbm>>
    tpu.enqueue_dma source(%dma_start3A_139 : memref<120xi32, #tpu.memory_space<hbm>>) target(%arg16 : memref<120xi32, #tpu.memory_space<vmem>>) target_semaphore(%arg24 : memref<!tpu.dma_semaphore, #tpu.memory_space<semaphore_mem>>)
    %dma_wait3A_140 = arith.constant 0 : i32
    %dma_wait3A_141 = tpu.memref_slice %arg3[%dma_wait3A_140] : memref<330240xi32, #tpu.memory_space<hbm>> -> memref<120xi32, #tpu.memory_space<hbm>>
    %dma_wait3A_142 = arith.constant 0 : i32
    %dma_wait3A_143 = tpu.memref_slice %arg3[%dma_wait3A_142] : memref<330240xi32, #tpu.memory_space<hbm>> -> memref<120xi32, #tpu.memory_space<hbm>>
    tpu.wait_dma2 semaphore(%arg24 : memref<!tpu.dma_semaphore, #tpu.memory_space<semaphore_mem>>) src(%dma_wait3A_143 : memref<120xi32, #tpu.memory_space<hbm>>) dst(%arg13 : memref<120xi32, #tpu.memory_space<vmem>>)
    %dma_wait3A_144 = arith.constant 0 : i32
    %dma_wait3A_145 = tpu.memref_slice %arg4[%dma_wait3A_144] : memref<330240xi32, #tpu.memory_space<hbm>> -> memref<120xi32, #tpu.memory_space<hbm>>
    %dma_wait3A_146 = arith.constant 0 : i32
    %dma_wait3A_147 = tpu.memref_slice %arg4[%dma_wait3A_146] : memref<330240xi32, #tpu.memory_space<hbm>> -> memref<120xi32, #tpu.memory_space<hbm>>
    tpu.wait_dma2 semaphore(%arg24 : memref<!tpu.dma_semaphore, #tpu.memory_space<semaphore_mem>>) src(%dma_wait3A_147 : memref<120xi32, #tpu.memory_space<hbm>>) dst(%arg16 : memref<120xi32, #tpu.memory_space<vmem>>)
    %dma_start3A_148 = arith.constant 0 : i32
    %dma_start3A_149 = arith.constant 0 : i32
    %dma_start3A_150 = tpu.memref_slice %arg2[%dma_start3A_148, %dma_start3A_149] : memref<10000x128xf32, #tpu.memory_space<hbm>> -> memref<10000x128xf32, #tpu.memory_space<hbm>>
    tpu.enqueue_indirect_dma source(%dma_start3A_150 : memref<10000x128xf32, #tpu.memory_space<hbm>>) target(%arg19 : memref<120x128xf32, #tpu.memory_space<vmem>>) offsets(%arg13 : memref<120xi32, #tpu.memory_space<vmem>>) semaphore(%arg27 : memref<!tpu.dma_semaphore, #tpu.memory_space<semaphore_mem>>)
    %dma_wait3A_151 = arith.constant 0 : i32
    %dma_wait3A_152 = arith.constant 0 : i32
    %dma_wait3A_153 = tpu.memref_slice %arg2[%dma_wait3A_151, %dma_wait3A_152] : memref<10000x128xf32, #tpu.memory_space<hbm>> -> memref<10000x128xf32, #tpu.memory_space<hbm>>
    tpu.wait_indirect_dma semaphore(%arg26 : memref<!tpu.dma_semaphore, #tpu.memory_space<semaphore_mem>>) src(%dma_wait3A_153 : memref<10000x128xf32, #tpu.memory_space<hbm>>) dst(%arg18 : memref<120x128xf32, #tpu.memory_space<vmem>>)
    %dma_start3A_154 = arith.constant 0 : i32
    %dma_start3A_155 = arith.constant 0 : i32
    %dma_start3A_156 = tpu.memref_slice %arg10[%dma_start3A_154, %dma_start3A_155] : memref<10112x128xf32, #tpu.memory_space<vmem_shared>> -> memref<10112x128xf32, #tpu.memory_space<vmem_shared>>
    tpu.enqueue_indirect_dma source(%arg18 : memref<120x128xf32, #tpu.memory_space<vmem>>) target(%dma_start3A_156 : memref<10112x128xf32, #tpu.memory_space<vmem_shared>>) offsets(%arg15 : memref<120xi32, #tpu.memory_space<vmem>>) semaphore(%arg29 : memref<!tpu.dma_semaphore, #tpu.memory_space<semaphore_mem>>) {add = true}
    %dma_start3A_157 = arith.constant 0 : i32
    %dma_start3A_158 = tpu.memref_slice %arg11[%dma_start3A_157] : memref<10112xf32, #tpu.memory_space<vmem_shared>> -> memref<10112xf32, #tpu.memory_space<vmem_shared>>
    tpu.enqueue_indirect_dma source(%arg21 : memref<120xf32, #tpu.memory_space<vmem>>) target(%dma_start3A_158 : memref<10112xf32, #tpu.memory_space<vmem_shared>>) offsets(%arg15 : memref<120xi32, #tpu.memory_space<vmem>>) semaphore(%arg29 : memref<!tpu.dma_semaphore, #tpu.memory_space<semaphore_mem>>) {add = true}
    %dma_wait3A_159 = arith.constant 0 : i32
    %dma_wait3A_160 = arith.constant 0 : i32
    %dma_wait3A_161 = tpu.memref_slice %arg10[%dma_wait3A_159, %dma_wait3A_160] : memref<10112x128xf32, #tpu.memory_space<vmem_shared>> -> memref<10112x128xf32, #tpu.memory_space<vmem_shared>>
    tpu.wait_indirect_dma semaphore(%arg31 : memref<!tpu.dma_semaphore, #tpu.memory_space<semaphore_mem>>) src(%arg20 : memref<120x128xf32, #tpu.memory_space<vmem>>) dst(%dma_wait3A_161 : memref<10112x128xf32, #tpu.memory_space<vmem_shared>>)
    %dma_wait3A_162 = arith.constant 0 : i32
    %dma_wait3A_163 = tpu.memref_slice %arg11[%dma_wait3A_162] : memref<10112xf32, #tpu.memory_space<vmem_shared>> -> memref<10112xf32, #tpu.memory_space<vmem_shared>>
    tpu.wait_indirect_dma semaphore(%arg31 : memref<!tpu.dma_semaphore, #tpu.memory_space<semaphore_mem>>) src(%arg21 : memref<120xf32, #tpu.memory_space<vmem>>) dst(%dma_wait3A_163 : memref<10112xf32, #tpu.memory_space<vmem_shared>>)
    %dma_wait3A_164 = arith.constant 0 : i32
    %dma_wait3A_165 = arith.constant 0 : i32
    %dma_wait3A_166 = tpu.memref_slice %arg2[%dma_wait3A_164, %dma_wait3A_165] : memref<10000x128xf32, #tpu.memory_space<hbm>> -> memref<10000x128xf32, #tpu.memory_space<hbm>>
    tpu.wait_indirect_dma semaphore(%arg27 : memref<!tpu.dma_semaphore, #tpu.memory_space<semaphore_mem>>) src(%dma_wait3A_166 : memref<10000x128xf32, #tpu.memory_space<hbm>>) dst(%arg19 : memref<120x128xf32, #tpu.memory_space<vmem>>)
    %dma_start3A_167 = arith.constant 0 : i32
    %dma_start3A_168 = arith.constant 0 : i32
    %dma_start3A_169 = tpu.memref_slice %arg10[%dma_start3A_167, %dma_start3A_168] : memref<10112x128xf32, #tpu.memory_space<vmem_shared>> -> memref<10112x128xf32, #tpu.memory_space<vmem_shared>>
    tpu.enqueue_indirect_dma source(%arg19 : memref<120x128xf32, #tpu.memory_space<vmem>>) target(%dma_start3A_169 : memref<10112x128xf32, #tpu.memory_space<vmem_shared>>) offsets(%arg16 : memref<120xi32, #tpu.memory_space<vmem>>) semaphore(%arg30 : memref<!tpu.dma_semaphore, #tpu.memory_space<semaphore_mem>>) {add = true}
    %dma_start3A_170 = arith.constant 0 : i32
    %dma_start3A_171 = tpu.memref_slice %arg11[%dma_start3A_170] : memref<10112xf32, #tpu.memory_space<vmem_shared>> -> memref<10112xf32, #tpu.memory_space<vmem_shared>>
    tpu.enqueue_indirect_dma source(%arg21 : memref<120xf32, #tpu.memory_space<vmem>>) target(%dma_start3A_171 : memref<10112xf32, #tpu.memory_space<vmem_shared>>) offsets(%arg16 : memref<120xi32, #tpu.memory_space<vmem>>) semaphore(%arg30 : memref<!tpu.dma_semaphore, #tpu.memory_space<semaphore_mem>>) {add = true}
    %dma_wait3A_172 = arith.constant 0 : i32
    %dma_wait3A_173 = arith.constant 0 : i32
    %dma_wait3A_174 = tpu.memref_slice %arg10[%dma_wait3A_172, %dma_wait3A_173] : memref<10112x128xf32, #tpu.memory_space<vmem_shared>> -> memref<10112x128xf32, #tpu.memory_space<vmem_shared>>
    tpu.wait_indirect_dma semaphore(%arg29 : memref<!tpu.dma_semaphore, #tpu.memory_space<semaphore_mem>>) src(%arg18 : memref<120x128xf32, #tpu.memory_space<vmem>>) dst(%dma_wait3A_174 : memref<10112x128xf32, #tpu.memory_space<vmem_shared>>)
    %dma_wait3A_175 = arith.constant 0 : i32
    %dma_wait3A_176 = tpu.memref_slice %arg11[%dma_wait3A_175] : memref<10112xf32, #tpu.memory_space<vmem_shared>> -> memref<10112xf32, #tpu.memory_space<vmem_shared>>
    tpu.wait_indirect_dma semaphore(%arg29 : memref<!tpu.dma_semaphore, #tpu.memory_space<semaphore_mem>>) src(%arg21 : memref<120xf32, #tpu.memory_space<vmem>>) dst(%dma_wait3A_176 : memref<10112xf32, #tpu.memory_space<vmem_shared>>)
    %dma_wait3A_177 = arith.constant 0 : i32
    %dma_wait3A_178 = arith.constant 0 : i32
    %dma_wait3A_179 = tpu.memref_slice %arg10[%dma_wait3A_177, %dma_wait3A_178] : memref<10112x128xf32, #tpu.memory_space<vmem_shared>> -> memref<10112x128xf32, #tpu.memory_space<vmem_shared>>
    tpu.wait_indirect_dma semaphore(%arg30 : memref<!tpu.dma_semaphore, #tpu.memory_space<semaphore_mem>>) src(%arg19 : memref<120x128xf32, #tpu.memory_space<vmem>>) dst(%dma_wait3A_179 : memref<10112x128xf32, #tpu.memory_space<vmem_shared>>)
    %dma_wait3A_180 = arith.constant 0 : i32
    %dma_wait3A_181 = tpu.memref_slice %arg11[%dma_wait3A_180] : memref<10112xf32, #tpu.memory_space<vmem_shared>> -> memref<10112xf32, #tpu.memory_space<vmem_shared>>
    tpu.wait_indirect_dma semaphore(%arg30 : memref<!tpu.dma_semaphore, #tpu.memory_space<semaphore_mem>>) src(%arg21 : memref<120xf32, #tpu.memory_space<vmem>>) dst(%dma_wait3A_181 : memref<10112xf32, #tpu.memory_space<vmem_shared>>)
    %barrier3A_182 = arith.constant 0 : index
    tpu.barrier barrier_id(%barrier3A_182)
    %mul3A_183 = arith.constant 632 : i32
    %mul3A_184 = arith.muli %arg1, %mul3A_183 : i32
    %mul3A_185 = arith.constant 632 : i32
    %mul3A_186 = arith.muli %arg1, %mul3A_185 : i32
    "tpu.region"() ({
      %run_scoped3A = tpu.sem_alloc : memref<!tpu.dma_semaphore, #tpu.memory_space<semaphore_mem>>
      %dma_start3A_194 = arith.constant 0 : i32
      %dma_start3A_195 = tpu.memref_slice %arg8[%arg0, %mul3A_186, %dma_start3A_194] : memref<2x10112x128xf32, #tpu.memory_space<hbm>> -> memref<1x632x128xf32, #tpu.memory_space<hbm>>
      %dma_start3A_196 = tpu.memref_squeeze %dma_start3A_195 : memref<1x632x128xf32, #tpu.memory_space<hbm>> -> memref<632x128xf32, #tpu.memory_space<hbm>>
      %dma_start3A_197 = arith.constant 0 : i32
      %dma_start3A_198 = tpu.memref_slice %arg10[%mul3A_184, %dma_start3A_197] : memref<10112x128xf32, #tpu.memory_space<vmem_shared>> -> memref<632x128xf32, #tpu.memory_space<vmem_shared>>
      tpu.enqueue_dma source(%dma_start3A_198 : memref<632x128xf32, #tpu.memory_space<vmem_shared>>) target(%dma_start3A_196 : memref<632x128xf32, #tpu.memory_space<hbm>>) target_semaphore(%run_scoped3A : memref<!tpu.dma_semaphore, #tpu.memory_space<semaphore_mem>>)
      %dma_wait3A_199 = arith.constant 0 : i32
      %dma_wait3A_200 = tpu.memref_slice %arg8[%arg0, %mul3A_186, %dma_wait3A_199] : memref<2x10112x128xf32, #tpu.memory_space<hbm>> -> memref<1x632x128xf32, #tpu.memory_space<hbm>>
      %dma_wait3A_201 = tpu.memref_squeeze %dma_wait3A_200 : memref<1x632x128xf32, #tpu.memory_space<hbm>> -> memref<632x128xf32, #tpu.memory_space<hbm>>
      %dma_wait3A_202 = arith.constant 0 : i32
      %dma_wait3A_203 = tpu.memref_slice %arg10[%mul3A_184, %dma_wait3A_202] : memref<10112x128xf32, #tpu.memory_space<vmem_shared>> -> memref<632x128xf32, #tpu.memory_space<vmem_shared>>
      tpu.wait_dma2 semaphore(%run_scoped3A : memref<!tpu.dma_semaphore, #tpu.memory_space<semaphore_mem>>) src(%dma_wait3A_203 : memref<632x128xf32, #tpu.memory_space<vmem_shared>>) dst(%dma_wait3A_201 : memref<632x128xf32, #tpu.memory_space<hbm>>)
      tpu.yield
    }) : () -> ()
    %mul3A_187 = arith.constant 632 : i32
    %mul3A_188 = arith.muli %arg1, %mul3A_187 : i32
    "tpu.region"() ({
      %run_scoped3A = tpu.sem_alloc : memref<!tpu.dma_semaphore, #tpu.memory_space<semaphore_mem>>
      %dma_start3A_194 = tpu.memref_slice %arg11[%mul3A_188] : memref<10112xf32, #tpu.memory_space<vmem_shared>> -> memref<632xf32, #tpu.memory_space<vmem_shared>>
      %dma_start3A_195 = tpu.memref_slice %arg11[%mul3A_188] : memref<10112xf32, #tpu.memory_space<vmem_shared>> -> memref<632xf32, #tpu.memory_space<vmem_shared>>
      tpu.enqueue_dma source(%dma_start3A_195 : memref<632xf32, #tpu.memory_space<vmem_shared>>) target(%arg22 : memref<632xf32, #tpu.memory_space<vmem>>) target_semaphore(%run_scoped3A : memref<!tpu.dma_semaphore, #tpu.memory_space<semaphore_mem>>)
      %dma_wait3A_196 = tpu.memref_slice %arg11[%mul3A_188] : memref<10112xf32, #tpu.memory_space<vmem_shared>> -> memref<632xf32, #tpu.memory_space<vmem_shared>>
      %dma_wait3A_197 = tpu.memref_slice %arg11[%mul3A_188] : memref<10112xf32, #tpu.memory_space<vmem_shared>> -> memref<632xf32, #tpu.memory_space<vmem_shared>>
      tpu.wait_dma2 semaphore(%run_scoped3A : memref<!tpu.dma_semaphore, #tpu.memory_space<semaphore_mem>>) src(%dma_wait3A_197 : memref<632xf32, #tpu.memory_space<vmem_shared>>) dst(%arg22 : memref<632xf32, #tpu.memory_space<vmem>>)
      tpu.yield
    }) : () -> ()
    %mul3A_189 = arith.constant 10112 : i32
    %mul3A_190 = arith.muli %arg0, %mul3A_189 : i32
    %mul3A_191 = arith.constant 632 : i32
    %mul3A_192 = arith.muli %arg1, %mul3A_191 : i32
    %add3A_193 = arith.addi %mul3A_190, %mul3A_192 : i32
    "tpu.region"() ({
      %run_scoped3A = tpu.sem_alloc : memref<!tpu.dma_semaphore, #tpu.memory_space<semaphore_mem>>
      %dma_start3A_194 = tpu.memref_slice %arg9[%add3A_193] : memref<20224xf32, #tpu.memory_space<hbm>> -> memref<632xf32, #tpu.memory_space<hbm>>
      %dma_start3A_195 = tpu.memref_slice %arg9[%add3A_193] : memref<20224xf32, #tpu.memory_space<hbm>> -> memref<632xf32, #tpu.memory_space<hbm>>
      tpu.enqueue_dma source(%arg22 : memref<632xf32, #tpu.memory_space<vmem>>) target(%dma_start3A_195 : memref<632xf32, #tpu.memory_space<hbm>>) target_semaphore(%run_scoped3A : memref<!tpu.dma_semaphore, #tpu.memory_space<semaphore_mem>>)
      %dma_wait3A_196 = tpu.memref_slice %arg9[%add3A_193] : memref<20224xf32, #tpu.memory_space<hbm>> -> memref<632xf32, #tpu.memory_space<hbm>>
      %dma_wait3A_197 = tpu.memref_slice %arg9[%add3A_193] : memref<20224xf32, #tpu.memory_space<hbm>> -> memref<632xf32, #tpu.memory_space<hbm>>
      tpu.wait_dma2 semaphore(%run_scoped3A : memref<!tpu.dma_semaphore, #tpu.memory_space<semaphore_mem>>) src(%arg22 : memref<632xf32, #tpu.memory_space<vmem>>) dst(%dma_wait3A_197 : memref<632xf32, #tpu.memory_space<hbm>>)
      tpu.yield
    }) : () -> ()
    return
  }
}

#map = affine_map<(d0, d1) -> (0, 0)>
#map1 = affine_map<(d0, d1) -> (0)>
#map2 = affine_map<(d0, d1) -> (0, 0, 0)>
module attributes {stable_mosaic.version = 14 : i64} {
  func.func @_sc_body(%arg0: i32, %arg1: i32, %arg2: memref<10000x128xf32, #tpu.memory_space<hbm>>, %arg3: memref<330240xi32, #tpu.memory_space<hbm>>, %arg4: memref<330240xi32, #tpu.memory_space<hbm>>, %arg5: memref<10112x128xf32, #tpu.memory_space<hbm>>, %arg6: memref<2x10112x128xf32, #tpu.memory_space<hbm>>, %arg7: memref<10112x128xf32, #tpu.memory_space<vmem_shared>>, %arg8: memref<120xi32, #tpu.memory_space<vmem>>, %arg9: memref<120xi32, #tpu.memory_space<vmem>>, %arg10: memref<120xi32, #tpu.memory_space<vmem>>, %arg11: memref<120xi32, #tpu.memory_space<vmem>>, %arg12: memref<120xi32, #tpu.memory_space<vmem>>, %arg13: memref<120xi32, #tpu.memory_space<vmem>>, %arg14: memref<120x128xf32, #tpu.memory_space<vmem>>, %arg15: memref<120x128xf32, #tpu.memory_space<vmem>>, %arg16: memref<120x128xf32, #tpu.memory_space<vmem>>, %arg17: memref<!tpu.dma_semaphore, #tpu.memory_space<semaphore_mem>>, %arg18: memref<!tpu.dma_semaphore, #tpu.memory_space<semaphore_mem>>, %arg19: memref<!tpu.dma_semaphore, #tpu.memory_space<semaphore_mem>>, %arg20: memref<!tpu.dma_semaphore, #tpu.memory_space<semaphore_mem>>, %arg21: memref<!tpu.dma_semaphore, #tpu.memory_space<semaphore_mem>>, %arg22: memref<!tpu.dma_semaphore, #tpu.memory_space<semaphore_mem>>, %arg23: memref<!tpu.dma_semaphore, #tpu.memory_space<semaphore_mem>>, %arg24: memref<!tpu.dma_semaphore, #tpu.memory_space<semaphore_mem>>, %arg25: memref<!tpu.dma_semaphore, #tpu.memory_space<semaphore_mem>>) attributes {dimension_semantics = [#tpu.dimension_semantics<core_parallel>, #tpu.dimension_semantics<subcore_parallel>], iteration_bounds = array<i64: 2, 16>, scalar_prefetch = 0 : i64, scratch_operands = 19 : i64, tpu.core_type = #tpu.core_type<sc_vector_subcore>, window_params = [{transform_indices = #map}, {transform_indices = #map1}, {transform_indices = #map1}, {transform_indices = #map}, {transform_indices = #map2}]} {
    %mul3A = arith.constant 2 : i32
    %mul3A_0 = arith.muli %arg1, %mul3A : i32
    %add3A = arith.addi %mul3A_0, %arg0 : i32
    %mul3A_1 = arith.constant 632 : i32
    %mul3A_2 = arith.muli %arg1, %mul3A_1 : i32
    %mul3A_3 = arith.constant 632 : i32
    %mul3A_4 = arith.muli %arg1, %mul3A_3 : i32
    "tpu.region"() ({
      %run_scoped3A = tpu.sem_alloc : memref<!tpu.dma_semaphore, #tpu.memory_space<semaphore_mem>>
      %dma_start3A_163 = arith.constant 0 : i32
      %dma_start3A_164 = tpu.memref_slice %arg7[%mul3A_4, %dma_start3A_163] : memref<10112x128xf32, #tpu.memory_space<vmem_shared>> -> memref<632x128xf32, #tpu.memory_space<vmem_shared>>
      %dma_start3A_165 = arith.constant 0 : i32
      %dma_start3A_166 = tpu.memref_slice %arg5[%mul3A_2, %dma_start3A_165] : memref<10112x128xf32, #tpu.memory_space<hbm>> -> memref<632x128xf32, #tpu.memory_space<hbm>>
      tpu.enqueue_dma source(%dma_start3A_166 : memref<632x128xf32, #tpu.memory_space<hbm>>) target(%dma_start3A_164 : memref<632x128xf32, #tpu.memory_space<vmem_shared>>) target_semaphore(%run_scoped3A : memref<!tpu.dma_semaphore, #tpu.memory_space<semaphore_mem>>)
      %dma_wait3A_167 = arith.constant 0 : i32
      %dma_wait3A_168 = tpu.memref_slice %arg7[%mul3A_4, %dma_wait3A_167] : memref<10112x128xf32, #tpu.memory_space<vmem_shared>> -> memref<632x128xf32, #tpu.memory_space<vmem_shared>>
      %dma_wait3A_169 = arith.constant 0 : i32
      %dma_wait3A_170 = tpu.memref_slice %arg5[%mul3A_2, %dma_wait3A_169] : memref<10112x128xf32, #tpu.memory_space<hbm>> -> memref<632x128xf32, #tpu.memory_space<hbm>>
      tpu.wait_dma2 semaphore(%run_scoped3A : memref<!tpu.dma_semaphore, #tpu.memory_space<semaphore_mem>>) src(%dma_wait3A_170 : memref<632x128xf32, #tpu.memory_space<hbm>>) dst(%dma_wait3A_168 : memref<632x128xf32, #tpu.memory_space<vmem_shared>>)
      tpu.yield
    }) : () -> ()
    %barrier3A = arith.constant 0 : index
    tpu.barrier barrier_id(%barrier3A)
    %mul3A_5 = arith.constant 86 : i32
    %mul3A_6 = arith.muli %add3A, %mul3A_5 : i32
    %add3A_7 = arith.constant 0 : i32
    %add3A_8 = arith.addi %mul3A_6, %add3A_7 : i32
    %mul3A_9 = arith.constant 120 : i32
    %mul3A_10 = arith.muli %add3A_8, %mul3A_9 : i32
    %dma_start3A = tpu.memref_slice %arg3[%mul3A_10] : memref<330240xi32, #tpu.memory_space<hbm>> -> memref<120xi32, #tpu.memory_space<hbm>>
    %dma_start3A_11 = tpu.memref_slice %arg3[%mul3A_10] : memref<330240xi32, #tpu.memory_space<hbm>> -> memref<120xi32, #tpu.memory_space<hbm>>
    tpu.enqueue_dma source(%dma_start3A_11 : memref<120xi32, #tpu.memory_space<hbm>>) target(%arg8 : memref<120xi32, #tpu.memory_space<vmem>>) target_semaphore(%arg17 : memref<!tpu.dma_semaphore, #tpu.memory_space<semaphore_mem>>)
    %dma_start3A_12 = tpu.memref_slice %arg4[%mul3A_10] : memref<330240xi32, #tpu.memory_space<hbm>> -> memref<120xi32, #tpu.memory_space<hbm>>
    %dma_start3A_13 = tpu.memref_slice %arg4[%mul3A_10] : memref<330240xi32, #tpu.memory_space<hbm>> -> memref<120xi32, #tpu.memory_space<hbm>>
    tpu.enqueue_dma source(%dma_start3A_13 : memref<120xi32, #tpu.memory_space<hbm>>) target(%arg11 : memref<120xi32, #tpu.memory_space<vmem>>) target_semaphore(%arg17 : memref<!tpu.dma_semaphore, #tpu.memory_space<semaphore_mem>>)
    %mul3A_14 = arith.constant 86 : i32
    %mul3A_15 = arith.muli %add3A, %mul3A_14 : i32
    %add3A_16 = arith.constant 1 : i32
    %add3A_17 = arith.addi %mul3A_15, %add3A_16 : i32
    %mul3A_18 = arith.constant 120 : i32
    %mul3A_19 = arith.muli %add3A_17, %mul3A_18 : i32
    %dma_start3A_20 = tpu.memref_slice %arg3[%mul3A_19] : memref<330240xi32, #tpu.memory_space<hbm>> -> memref<120xi32, #tpu.memory_space<hbm>>
    %dma_start3A_21 = tpu.memref_slice %arg3[%mul3A_19] : memref<330240xi32, #tpu.memory_space<hbm>> -> memref<120xi32, #tpu.memory_space<hbm>>
    tpu.enqueue_dma source(%dma_start3A_21 : memref<120xi32, #tpu.memory_space<hbm>>) target(%arg9 : memref<120xi32, #tpu.memory_space<vmem>>) target_semaphore(%arg18 : memref<!tpu.dma_semaphore, #tpu.memory_space<semaphore_mem>>)
    %dma_start3A_22 = tpu.memref_slice %arg4[%mul3A_19] : memref<330240xi32, #tpu.memory_space<hbm>> -> memref<120xi32, #tpu.memory_space<hbm>>
    %dma_start3A_23 = tpu.memref_slice %arg4[%mul3A_19] : memref<330240xi32, #tpu.memory_space<hbm>> -> memref<120xi32, #tpu.memory_space<hbm>>
    tpu.enqueue_dma source(%dma_start3A_23 : memref<120xi32, #tpu.memory_space<hbm>>) target(%arg12 : memref<120xi32, #tpu.memory_space<vmem>>) target_semaphore(%arg18 : memref<!tpu.dma_semaphore, #tpu.memory_space<semaphore_mem>>)
    %dma_wait3A = arith.constant 0 : i32
    %dma_wait3A_24 = tpu.memref_slice %arg3[%dma_wait3A] : memref<330240xi32, #tpu.memory_space<hbm>> -> memref<120xi32, #tpu.memory_space<hbm>>
    %dma_wait3A_25 = arith.constant 0 : i32
    %dma_wait3A_26 = tpu.memref_slice %arg3[%dma_wait3A_25] : memref<330240xi32, #tpu.memory_space<hbm>> -> memref<120xi32, #tpu.memory_space<hbm>>
    tpu.wait_dma2 semaphore(%arg17 : memref<!tpu.dma_semaphore, #tpu.memory_space<semaphore_mem>>) src(%dma_wait3A_26 : memref<120xi32, #tpu.memory_space<hbm>>) dst(%arg8 : memref<120xi32, #tpu.memory_space<vmem>>)
    %dma_wait3A_27 = arith.constant 0 : i32
    %dma_wait3A_28 = tpu.memref_slice %arg4[%dma_wait3A_27] : memref<330240xi32, #tpu.memory_space<hbm>> -> memref<120xi32, #tpu.memory_space<hbm>>
    %dma_wait3A_29 = arith.constant 0 : i32
    %dma_wait3A_30 = tpu.memref_slice %arg4[%dma_wait3A_29] : memref<330240xi32, #tpu.memory_space<hbm>> -> memref<120xi32, #tpu.memory_space<hbm>>
    tpu.wait_dma2 semaphore(%arg17 : memref<!tpu.dma_semaphore, #tpu.memory_space<semaphore_mem>>) src(%dma_wait3A_30 : memref<120xi32, #tpu.memory_space<hbm>>) dst(%arg11 : memref<120xi32, #tpu.memory_space<vmem>>)
    %dma_start3A_31 = arith.constant 0 : i32
    %dma_start3A_32 = arith.constant 0 : i32
    %dma_start3A_33 = tpu.memref_slice %arg2[%dma_start3A_31, %dma_start3A_32] : memref<10000x128xf32, #tpu.memory_space<hbm>> -> memref<10000x128xf32, #tpu.memory_space<hbm>>
    tpu.enqueue_indirect_dma source(%dma_start3A_33 : memref<10000x128xf32, #tpu.memory_space<hbm>>) target(%arg14 : memref<120x128xf32, #tpu.memory_space<vmem>>) offsets(%arg8 : memref<120xi32, #tpu.memory_space<vmem>>) semaphore(%arg20 : memref<!tpu.dma_semaphore, #tpu.memory_space<semaphore_mem>>)
    %dma_wait3A_34 = arith.constant 0 : i32
    %dma_wait3A_35 = tpu.memref_slice %arg3[%dma_wait3A_34] : memref<330240xi32, #tpu.memory_space<hbm>> -> memref<120xi32, #tpu.memory_space<hbm>>
    %dma_wait3A_36 = arith.constant 0 : i32
    %dma_wait3A_37 = tpu.memref_slice %arg3[%dma_wait3A_36] : memref<330240xi32, #tpu.memory_space<hbm>> -> memref<120xi32, #tpu.memory_space<hbm>>
    tpu.wait_dma2 semaphore(%arg18 : memref<!tpu.dma_semaphore, #tpu.memory_space<semaphore_mem>>) src(%dma_wait3A_37 : memref<120xi32, #tpu.memory_space<hbm>>) dst(%arg9 : memref<120xi32, #tpu.memory_space<vmem>>)
    %dma_wait3A_38 = arith.constant 0 : i32
    %dma_wait3A_39 = tpu.memref_slice %arg4[%dma_wait3A_38] : memref<330240xi32, #tpu.memory_space<hbm>> -> memref<120xi32, #tpu.memory_space<hbm>>
    %dma_wait3A_40 = arith.constant 0 : i32
    %dma_wait3A_41 = tpu.memref_slice %arg4[%dma_wait3A_40] : memref<330240xi32, #tpu.memory_space<hbm>> -> memref<120xi32, #tpu.memory_space<hbm>>
    tpu.wait_dma2 semaphore(%arg18 : memref<!tpu.dma_semaphore, #tpu.memory_space<semaphore_mem>>) src(%dma_wait3A_41 : memref<120xi32, #tpu.memory_space<hbm>>) dst(%arg12 : memref<120xi32, #tpu.memory_space<vmem>>)
    %dma_start3A_42 = arith.constant 0 : i32
    %dma_start3A_43 = arith.constant 0 : i32
    %dma_start3A_44 = tpu.memref_slice %arg2[%dma_start3A_42, %dma_start3A_43] : memref<10000x128xf32, #tpu.memory_space<hbm>> -> memref<10000x128xf32, #tpu.memory_space<hbm>>
    tpu.enqueue_indirect_dma source(%dma_start3A_44 : memref<10000x128xf32, #tpu.memory_space<hbm>>) target(%arg15 : memref<120x128xf32, #tpu.memory_space<vmem>>) offsets(%arg9 : memref<120xi32, #tpu.memory_space<vmem>>) semaphore(%arg21 : memref<!tpu.dma_semaphore, #tpu.memory_space<semaphore_mem>>)
    %dma_wait3A_45 = arith.constant 0 : i32
    %dma_wait3A_46 = arith.constant 0 : i32
    %dma_wait3A_47 = tpu.memref_slice %arg2[%dma_wait3A_45, %dma_wait3A_46] : memref<10000x128xf32, #tpu.memory_space<hbm>> -> memref<10000x128xf32, #tpu.memory_space<hbm>>
    tpu.wait_indirect_dma semaphore(%arg20 : memref<!tpu.dma_semaphore, #tpu.memory_space<semaphore_mem>>) src(%dma_wait3A_47 : memref<10000x128xf32, #tpu.memory_space<hbm>>) dst(%arg14 : memref<120x128xf32, #tpu.memory_space<vmem>>)
    %dma_start3A_48 = arith.constant 0 : i32
    %dma_start3A_49 = arith.constant 0 : i32
    %dma_start3A_50 = tpu.memref_slice %arg7[%dma_start3A_48, %dma_start3A_49] : memref<10112x128xf32, #tpu.memory_space<vmem_shared>> -> memref<10112x128xf32, #tpu.memory_space<vmem_shared>>
    tpu.enqueue_indirect_dma source(%arg14 : memref<120x128xf32, #tpu.memory_space<vmem>>) target(%dma_start3A_50 : memref<10112x128xf32, #tpu.memory_space<vmem_shared>>) offsets(%arg11 : memref<120xi32, #tpu.memory_space<vmem>>) semaphore(%arg23 : memref<!tpu.dma_semaphore, #tpu.memory_space<semaphore_mem>>) {add = true}
    %mul3A_51 = arith.constant 86 : i32
    %mul3A_52 = arith.muli %add3A, %mul3A_51 : i32
    %add3A_53 = arith.constant 2 : i32
    %add3A_54 = arith.addi %mul3A_52, %add3A_53 : i32
    %mul3A_55 = arith.constant 120 : i32
    %mul3A_56 = arith.muli %add3A_54, %mul3A_55 : i32
    %dma_start3A_57 = tpu.memref_slice %arg3[%mul3A_56] : memref<330240xi32, #tpu.memory_space<hbm>> -> memref<120xi32, #tpu.memory_space<hbm>>
    %dma_start3A_58 = tpu.memref_slice %arg3[%mul3A_56] : memref<330240xi32, #tpu.memory_space<hbm>> -> memref<120xi32, #tpu.memory_space<hbm>>
    tpu.enqueue_dma source(%dma_start3A_58 : memref<120xi32, #tpu.memory_space<hbm>>) target(%arg10 : memref<120xi32, #tpu.memory_space<vmem>>) target_semaphore(%arg19 : memref<!tpu.dma_semaphore, #tpu.memory_space<semaphore_mem>>)
    %dma_start3A_59 = tpu.memref_slice %arg4[%mul3A_56] : memref<330240xi32, #tpu.memory_space<hbm>> -> memref<120xi32, #tpu.memory_space<hbm>>
    %dma_start3A_60 = tpu.memref_slice %arg4[%mul3A_56] : memref<330240xi32, #tpu.memory_space<hbm>> -> memref<120xi32, #tpu.memory_space<hbm>>
    tpu.enqueue_dma source(%dma_start3A_60 : memref<120xi32, #tpu.memory_space<hbm>>) target(%arg13 : memref<120xi32, #tpu.memory_space<vmem>>) target_semaphore(%arg19 : memref<!tpu.dma_semaphore, #tpu.memory_space<semaphore_mem>>)
    %scan3A = arith.constant 0 : i32
    %scan3A_61 = arith.constant 0 : i32
    %scan3A_62 = arith.constant 27 : i32
    %scan3A_63 = arith.addi %scan3A_61, %scan3A_62 : i32
    %scan3A_64 = arith.constant 1 : i32
    scf.for %scan3A_163 = %scan3A_61 to %scan3A_63 step %scan3A_64  : i32 {
      %mul3A_164 = arith.constant 3 : i32
      %mul3A_165 = arith.muli %mul3A_164, %scan3A_163 : i32
      %add3A_166 = arith.constant 2 : i32
      %add3A_167 = arith.addi %mul3A_165, %add3A_166 : i32
      %dma_wait3A_168 = arith.constant 0 : i32
      %dma_wait3A_169 = tpu.memref_slice %arg3[%dma_wait3A_168] : memref<330240xi32, #tpu.memory_space<hbm>> -> memref<120xi32, #tpu.memory_space<hbm>>
      %dma_wait3A_170 = arith.constant 0 : i32
      %dma_wait3A_171 = tpu.memref_slice %arg3[%dma_wait3A_170] : memref<330240xi32, #tpu.memory_space<hbm>> -> memref<120xi32, #tpu.memory_space<hbm>>
      tpu.wait_dma2 semaphore(%arg19 : memref<!tpu.dma_semaphore, #tpu.memory_space<semaphore_mem>>) src(%dma_wait3A_171 : memref<120xi32, #tpu.memory_space<hbm>>) dst(%arg10 : memref<120xi32, #tpu.memory_space<vmem>>)
      %dma_wait3A_172 = arith.constant 0 : i32
      %dma_wait3A_173 = tpu.memref_slice %arg4[%dma_wait3A_172] : memref<330240xi32, #tpu.memory_space<hbm>> -> memref<120xi32, #tpu.memory_space<hbm>>
      %dma_wait3A_174 = arith.constant 0 : i32
      %dma_wait3A_175 = tpu.memref_slice %arg4[%dma_wait3A_174] : memref<330240xi32, #tpu.memory_space<hbm>> -> memref<120xi32, #tpu.memory_space<hbm>>
      tpu.wait_dma2 semaphore(%arg19 : memref<!tpu.dma_semaphore, #tpu.memory_space<semaphore_mem>>) src(%dma_wait3A_175 : memref<120xi32, #tpu.memory_space<hbm>>) dst(%arg13 : memref<120xi32, #tpu.memory_space<vmem>>)
      %dma_start3A_176 = arith.constant 0 : i32
      %dma_start3A_177 = arith.constant 0 : i32
      %dma_start3A_178 = tpu.memref_slice %arg2[%dma_start3A_176, %dma_start3A_177] : memref<10000x128xf32, #tpu.memory_space<hbm>> -> memref<10000x128xf32, #tpu.memory_space<hbm>>
      tpu.enqueue_indirect_dma source(%dma_start3A_178 : memref<10000x128xf32, #tpu.memory_space<hbm>>) target(%arg16 : memref<120x128xf32, #tpu.memory_space<vmem>>) offsets(%arg10 : memref<120xi32, #tpu.memory_space<vmem>>) semaphore(%arg22 : memref<!tpu.dma_semaphore, #tpu.memory_space<semaphore_mem>>)
      %dma_wait3A_179 = arith.constant 0 : i32
      %dma_wait3A_180 = arith.constant 0 : i32
      %dma_wait3A_181 = tpu.memref_slice %arg2[%dma_wait3A_179, %dma_wait3A_180] : memref<10000x128xf32, #tpu.memory_space<hbm>> -> memref<10000x128xf32, #tpu.memory_space<hbm>>
      tpu.wait_indirect_dma semaphore(%arg21 : memref<!tpu.dma_semaphore, #tpu.memory_space<semaphore_mem>>) src(%dma_wait3A_181 : memref<10000x128xf32, #tpu.memory_space<hbm>>) dst(%arg15 : memref<120x128xf32, #tpu.memory_space<vmem>>)
      %dma_start3A_182 = arith.constant 0 : i32
      %dma_start3A_183 = arith.constant 0 : i32
      %dma_start3A_184 = tpu.memref_slice %arg7[%dma_start3A_182, %dma_start3A_183] : memref<10112x128xf32, #tpu.memory_space<vmem_shared>> -> memref<10112x128xf32, #tpu.memory_space<vmem_shared>>
      tpu.enqueue_indirect_dma source(%arg15 : memref<120x128xf32, #tpu.memory_space<vmem>>) target(%dma_start3A_184 : memref<10112x128xf32, #tpu.memory_space<vmem_shared>>) offsets(%arg12 : memref<120xi32, #tpu.memory_space<vmem>>) semaphore(%arg24 : memref<!tpu.dma_semaphore, #tpu.memory_space<semaphore_mem>>) {add = true}
      %dma_wait3A_185 = arith.constant 0 : i32
      %dma_wait3A_186 = arith.constant 0 : i32
      %dma_wait3A_187 = tpu.memref_slice %arg7[%dma_wait3A_185, %dma_wait3A_186] : memref<10112x128xf32, #tpu.memory_space<vmem_shared>> -> memref<10112x128xf32, #tpu.memory_space<vmem_shared>>
      tpu.wait_indirect_dma semaphore(%arg23 : memref<!tpu.dma_semaphore, #tpu.memory_space<semaphore_mem>>) src(%arg14 : memref<120x128xf32, #tpu.memory_space<vmem>>) dst(%dma_wait3A_187 : memref<10112x128xf32, #tpu.memory_space<vmem_shared>>)
      %add3A_188 = arith.constant 1 : i32
      %add3A_189 = arith.addi %add3A_167, %add3A_188 : i32
      %mul3A_190 = arith.constant 86 : i32
      %mul3A_191 = arith.muli %add3A, %mul3A_190 : i32
      %add3A_192 = arith.addi %mul3A_191, %add3A_189 : i32
      %mul3A_193 = arith.constant 120 : i32
      %mul3A_194 = arith.muli %add3A_192, %mul3A_193 : i32
      %dma_start3A_195 = tpu.memref_slice %arg3[%mul3A_194] : memref<330240xi32, #tpu.memory_space<hbm>> -> memref<120xi32, #tpu.memory_space<hbm>>
      %dma_start3A_196 = tpu.memref_slice %arg3[%mul3A_194] : memref<330240xi32, #tpu.memory_space<hbm>> -> memref<120xi32, #tpu.memory_space<hbm>>
      tpu.enqueue_dma source(%dma_start3A_196 : memref<120xi32, #tpu.memory_space<hbm>>) target(%arg8 : memref<120xi32, #tpu.memory_space<vmem>>) target_semaphore(%arg17 : memref<!tpu.dma_semaphore, #tpu.memory_space<semaphore_mem>>)
      %dma_start3A_197 = tpu.memref_slice %arg4[%mul3A_194] : memref<330240xi32, #tpu.memory_space<hbm>> -> memref<120xi32, #tpu.memory_space<hbm>>
      %dma_start3A_198 = tpu.memref_slice %arg4[%mul3A_194] : memref<330240xi32, #tpu.memory_space<hbm>> -> memref<120xi32, #tpu.memory_space<hbm>>
      tpu.enqueue_dma source(%dma_start3A_198 : memref<120xi32, #tpu.memory_space<hbm>>) target(%arg11 : memref<120xi32, #tpu.memory_space<vmem>>) target_semaphore(%arg17 : memref<!tpu.dma_semaphore, #tpu.memory_space<semaphore_mem>>)
      %mul3A_199 = arith.constant 3 : i32
      %mul3A_200 = arith.muli %mul3A_199, %scan3A_163 : i32
      %add3A_201 = arith.constant 3 : i32
      %add3A_202 = arith.addi %mul3A_200, %add3A_201 : i32
      %dma_wait3A_203 = arith.constant 0 : i32
      %dma_wait3A_204 = tpu.memref_slice %arg3[%dma_wait3A_203] : memref<330240xi32, #tpu.memory_space<hbm>> -> memref<120xi32, #tpu.memory_space<hbm>>
      %dma_wait3A_205 = arith.constant 0 : i32
      %dma_wait3A_206 = tpu.memref_slice %arg3[%dma_wait3A_205] : memref<330240xi32, #tpu.memory_space<hbm>> -> memref<120xi32, #tpu.memory_space<hbm>>
      tpu.wait_dma2 semaphore(%arg17 : memref<!tpu.dma_semaphore, #tpu.memory_space<semaphore_mem>>) src(%dma_wait3A_206 : memref<120xi32, #tpu.memory_space<hbm>>) dst(%arg8 : memref<120xi32, #tpu.memory_space<vmem>>)
      %dma_wait3A_207 = arith.constant 0 : i32
      %dma_wait3A_208 = tpu.memref_slice %arg4[%dma_wait3A_207] : memref<330240xi32, #tpu.memory_space<hbm>> -> memref<120xi32, #tpu.memory_space<hbm>>
      %dma_wait3A_209 = arith.constant 0 : i32
      %dma_wait3A_210 = tpu.memref_slice %arg4[%dma_wait3A_209] : memref<330240xi32, #tpu.memory_space<hbm>> -> memref<120xi32, #tpu.memory_space<hbm>>
      tpu.wait_dma2 semaphore(%arg17 : memref<!tpu.dma_semaphore, #tpu.memory_space<semaphore_mem>>) src(%dma_wait3A_210 : memref<120xi32, #tpu.memory_space<hbm>>) dst(%arg11 : memref<120xi32, #tpu.memory_space<vmem>>)
      %dma_start3A_211 = arith.constant 0 : i32
      %dma_start3A_212 = arith.constant 0 : i32
      %dma_start3A_213 = tpu.memref_slice %arg2[%dma_start3A_211, %dma_start3A_212] : memref<10000x128xf32, #tpu.memory_space<hbm>> -> memref<10000x128xf32, #tpu.memory_space<hbm>>
      tpu.enqueue_indirect_dma source(%dma_start3A_213 : memref<10000x128xf32, #tpu.memory_space<hbm>>) target(%arg14 : memref<120x128xf32, #tpu.memory_space<vmem>>) offsets(%arg8 : memref<120xi32, #tpu.memory_space<vmem>>) semaphore(%arg20 : memref<!tpu.dma_semaphore, #tpu.memory_space<semaphore_mem>>)
      %dma_wait3A_214 = arith.constant 0 : i32
      %dma_wait3A_215 = arith.constant 0 : i32
      %dma_wait3A_216 = tpu.memref_slice %arg2[%dma_wait3A_214, %dma_wait3A_215] : memref<10000x128xf32, #tpu.memory_space<hbm>> -> memref<10000x128xf32, #tpu.memory_space<hbm>>
      tpu.wait_indirect_dma semaphore(%arg22 : memref<!tpu.dma_semaphore, #tpu.memory_space<semaphore_mem>>) src(%dma_wait3A_216 : memref<10000x128xf32, #tpu.memory_space<hbm>>) dst(%arg16 : memref<120x128xf32, #tpu.memory_space<vmem>>)
      %dma_start3A_217 = arith.constant 0 : i32
      %dma_start3A_218 = arith.constant 0 : i32
      %dma_start3A_219 = tpu.memref_slice %arg7[%dma_start3A_217, %dma_start3A_218] : memref<10112x128xf32, #tpu.memory_space<vmem_shared>> -> memref<10112x128xf32, #tpu.memory_space<vmem_shared>>
      tpu.enqueue_indirect_dma source(%arg16 : memref<120x128xf32, #tpu.memory_space<vmem>>) target(%dma_start3A_219 : memref<10112x128xf32, #tpu.memory_space<vmem_shared>>) offsets(%arg13 : memref<120xi32, #tpu.memory_space<vmem>>) semaphore(%arg25 : memref<!tpu.dma_semaphore, #tpu.memory_space<semaphore_mem>>) {add = true}
      %dma_wait3A_220 = arith.constant 0 : i32
      %dma_wait3A_221 = arith.constant 0 : i32
      %dma_wait3A_222 = tpu.memref_slice %arg7[%dma_wait3A_220, %dma_wait3A_221] : memref<10112x128xf32, #tpu.memory_space<vmem_shared>> -> memref<10112x128xf32, #tpu.memory_space<vmem_shared>>
      tpu.wait_indirect_dma semaphore(%arg24 : memref<!tpu.dma_semaphore, #tpu.memory_space<semaphore_mem>>) src(%arg15 : memref<120x128xf32, #tpu.memory_space<vmem>>) dst(%dma_wait3A_222 : memref<10112x128xf32, #tpu.memory_space<vmem_shared>>)
      %add3A_223 = arith.constant 1 : i32
      %add3A_224 = arith.addi %add3A_202, %add3A_223 : i32
      %mul3A_225 = arith.constant 86 : i32
      %mul3A_226 = arith.muli %add3A, %mul3A_225 : i32
      %add3A_227 = arith.addi %mul3A_226, %add3A_224 : i32
      %mul3A_228 = arith.constant 120 : i32
      %mul3A_229 = arith.muli %add3A_227, %mul3A_228 : i32
      %dma_start3A_230 = tpu.memref_slice %arg3[%mul3A_229] : memref<330240xi32, #tpu.memory_space<hbm>> -> memref<120xi32, #tpu.memory_space<hbm>>
      %dma_start3A_231 = tpu.memref_slice %arg3[%mul3A_229] : memref<330240xi32, #tpu.memory_space<hbm>> -> memref<120xi32, #tpu.memory_space<hbm>>
      tpu.enqueue_dma source(%dma_start3A_231 : memref<120xi32, #tpu.memory_space<hbm>>) target(%arg9 : memref<120xi32, #tpu.memory_space<vmem>>) target_semaphore(%arg18 : memref<!tpu.dma_semaphore, #tpu.memory_space<semaphore_mem>>)
      %dma_start3A_232 = tpu.memref_slice %arg4[%mul3A_229] : memref<330240xi32, #tpu.memory_space<hbm>> -> memref<120xi32, #tpu.memory_space<hbm>>
      %dma_start3A_233 = tpu.memref_slice %arg4[%mul3A_229] : memref<330240xi32, #tpu.memory_space<hbm>> -> memref<120xi32, #tpu.memory_space<hbm>>
      tpu.enqueue_dma source(%dma_start3A_233 : memref<120xi32, #tpu.memory_space<hbm>>) target(%arg12 : memref<120xi32, #tpu.memory_space<vmem>>) target_semaphore(%arg18 : memref<!tpu.dma_semaphore, #tpu.memory_space<semaphore_mem>>)
      %mul3A_234 = arith.constant 3 : i32
      %mul3A_235 = arith.muli %mul3A_234, %scan3A_163 : i32
      %add3A_236 = arith.constant 4 : i32
      %add3A_237 = arith.addi %mul3A_235, %add3A_236 : i32
      %dma_wait3A_238 = arith.constant 0 : i32
      %dma_wait3A_239 = tpu.memref_slice %arg3[%dma_wait3A_238] : memref<330240xi32, #tpu.memory_space<hbm>> -> memref<120xi32, #tpu.memory_space<hbm>>
      %dma_wait3A_240 = arith.constant 0 : i32
      %dma_wait3A_241 = tpu.memref_slice %arg3[%dma_wait3A_240] : memref<330240xi32, #tpu.memory_space<hbm>> -> memref<120xi32, #tpu.memory_space<hbm>>
      tpu.wait_dma2 semaphore(%arg18 : memref<!tpu.dma_semaphore, #tpu.memory_space<semaphore_mem>>) src(%dma_wait3A_241 : memref<120xi32, #tpu.memory_space<hbm>>) dst(%arg9 : memref<120xi32, #tpu.memory_space<vmem>>)
      %dma_wait3A_242 = arith.constant 0 : i32
      %dma_wait3A_243 = tpu.memref_slice %arg4[%dma_wait3A_242] : memref<330240xi32, #tpu.memory_space<hbm>> -> memref<120xi32, #tpu.memory_space<hbm>>
      %dma_wait3A_244 = arith.constant 0 : i32
      %dma_wait3A_245 = tpu.memref_slice %arg4[%dma_wait3A_244] : memref<330240xi32, #tpu.memory_space<hbm>> -> memref<120xi32, #tpu.memory_space<hbm>>
      tpu.wait_dma2 semaphore(%arg18 : memref<!tpu.dma_semaphore, #tpu.memory_space<semaphore_mem>>) src(%dma_wait3A_245 : memref<120xi32, #tpu.memory_space<hbm>>) dst(%arg12 : memref<120xi32, #tpu.memory_space<vmem>>)
      %dma_start3A_246 = arith.constant 0 : i32
      %dma_start3A_247 = arith.constant 0 : i32
      %dma_start3A_248 = tpu.memref_slice %arg2[%dma_start3A_246, %dma_start3A_247] : memref<10000x128xf32, #tpu.memory_space<hbm>> -> memref<10000x128xf32, #tpu.memory_space<hbm>>
      tpu.enqueue_indirect_dma source(%dma_start3A_248 : memref<10000x128xf32, #tpu.memory_space<hbm>>) target(%arg15 : memref<120x128xf32, #tpu.memory_space<vmem>>) offsets(%arg9 : memref<120xi32, #tpu.memory_space<vmem>>) semaphore(%arg21 : memref<!tpu.dma_semaphore, #tpu.memory_space<semaphore_mem>>)
      %dma_wait3A_249 = arith.constant 0 : i32
      %dma_wait3A_250 = arith.constant 0 : i32
      %dma_wait3A_251 = tpu.memref_slice %arg2[%dma_wait3A_249, %dma_wait3A_250] : memref<10000x128xf32, #tpu.memory_space<hbm>> -> memref<10000x128xf32, #tpu.memory_space<hbm>>
      tpu.wait_indirect_dma semaphore(%arg20 : memref<!tpu.dma_semaphore, #tpu.memory_space<semaphore_mem>>) src(%dma_wait3A_251 : memref<10000x128xf32, #tpu.memory_space<hbm>>) dst(%arg14 : memref<120x128xf32, #tpu.memory_space<vmem>>)
      %dma_start3A_252 = arith.constant 0 : i32
      %dma_start3A_253 = arith.constant 0 : i32
      %dma_start3A_254 = tpu.memref_slice %arg7[%dma_start3A_252, %dma_start3A_253] : memref<10112x128xf32, #tpu.memory_space<vmem_shared>> -> memref<10112x128xf32, #tpu.memory_space<vmem_shared>>
      tpu.enqueue_indirect_dma source(%arg14 : memref<120x128xf32, #tpu.memory_space<vmem>>) target(%dma_start3A_254 : memref<10112x128xf32, #tpu.memory_space<vmem_shared>>) offsets(%arg11 : memref<120xi32, #tpu.memory_space<vmem>>) semaphore(%arg23 : memref<!tpu.dma_semaphore, #tpu.memory_space<semaphore_mem>>) {add = true}
      %dma_wait3A_255 = arith.constant 0 : i32
      %dma_wait3A_256 = arith.constant 0 : i32
      %dma_wait3A_257 = tpu.memref_slice %arg7[%dma_wait3A_255, %dma_wait3A_256] : memref<10112x128xf32, #tpu.memory_space<vmem_shared>> -> memref<10112x128xf32, #tpu.memory_space<vmem_shared>>
      tpu.wait_indirect_dma semaphore(%arg25 : memref<!tpu.dma_semaphore, #tpu.memory_space<semaphore_mem>>) src(%arg16 : memref<120x128xf32, #tpu.memory_space<vmem>>) dst(%dma_wait3A_257 : memref<10112x128xf32, #tpu.memory_space<vmem_shared>>)
      %add3A_258 = arith.constant 1 : i32
      %add3A_259 = arith.addi %add3A_237, %add3A_258 : i32
      %mul3A_260 = arith.constant 86 : i32
      %mul3A_261 = arith.muli %add3A, %mul3A_260 : i32
      %add3A_262 = arith.addi %mul3A_261, %add3A_259 : i32
      %mul3A_263 = arith.constant 120 : i32
      %mul3A_264 = arith.muli %add3A_262, %mul3A_263 : i32
      %dma_start3A_265 = tpu.memref_slice %arg3[%mul3A_264] : memref<330240xi32, #tpu.memory_space<hbm>> -> memref<120xi32, #tpu.memory_space<hbm>>
      %dma_start3A_266 = tpu.memref_slice %arg3[%mul3A_264] : memref<330240xi32, #tpu.memory_space<hbm>> -> memref<120xi32, #tpu.memory_space<hbm>>
      tpu.enqueue_dma source(%dma_start3A_266 : memref<120xi32, #tpu.memory_space<hbm>>) target(%arg10 : memref<120xi32, #tpu.memory_space<vmem>>) target_semaphore(%arg19 : memref<!tpu.dma_semaphore, #tpu.memory_space<semaphore_mem>>)
      %dma_start3A_267 = tpu.memref_slice %arg4[%mul3A_264] : memref<330240xi32, #tpu.memory_space<hbm>> -> memref<120xi32, #tpu.memory_space<hbm>>
      %dma_start3A_268 = tpu.memref_slice %arg4[%mul3A_264] : memref<330240xi32, #tpu.memory_space<hbm>> -> memref<120xi32, #tpu.memory_space<hbm>>
      tpu.enqueue_dma source(%dma_start3A_268 : memref<120xi32, #tpu.memory_space<hbm>>) target(%arg13 : memref<120xi32, #tpu.memory_space<vmem>>) target_semaphore(%arg19 : memref<!tpu.dma_semaphore, #tpu.memory_space<semaphore_mem>>)
    }
    %scan3A_65 = arith.constant 27 : i32
    %dma_wait3A_66 = arith.constant 0 : i32
    %dma_wait3A_67 = tpu.memref_slice %arg3[%dma_wait3A_66] : memref<330240xi32, #tpu.memory_space<hbm>> -> memref<120xi32, #tpu.memory_space<hbm>>
    %dma_wait3A_68 = arith.constant 0 : i32
    %dma_wait3A_69 = tpu.memref_slice %arg3[%dma_wait3A_68] : memref<330240xi32, #tpu.memory_space<hbm>> -> memref<120xi32, #tpu.memory_space<hbm>>
    tpu.wait_dma2 semaphore(%arg19 : memref<!tpu.dma_semaphore, #tpu.memory_space<semaphore_mem>>) src(%dma_wait3A_69 : memref<120xi32, #tpu.memory_space<hbm>>) dst(%arg10 : memref<120xi32, #tpu.memory_space<vmem>>)
    %dma_wait3A_70 = arith.constant 0 : i32
    %dma_wait3A_71 = tpu.memref_slice %arg4[%dma_wait3A_70] : memref<330240xi32, #tpu.memory_space<hbm>> -> memref<120xi32, #tpu.memory_space<hbm>>
    %dma_wait3A_72 = arith.constant 0 : i32
    %dma_wait3A_73 = tpu.memref_slice %arg4[%dma_wait3A_72] : memref<330240xi32, #tpu.memory_space<hbm>> -> memref<120xi32, #tpu.memory_space<hbm>>
    tpu.wait_dma2 semaphore(%arg19 : memref<!tpu.dma_semaphore, #tpu.memory_space<semaphore_mem>>) src(%dma_wait3A_73 : memref<120xi32, #tpu.memory_space<hbm>>) dst(%arg13 : memref<120xi32, #tpu.memory_space<vmem>>)
    %dma_start3A_74 = arith.constant 0 : i32
    %dma_start3A_75 = arith.constant 0 : i32
    %dma_start3A_76 = tpu.memref_slice %arg2[%dma_start3A_74, %dma_start3A_75] : memref<10000x128xf32, #tpu.memory_space<hbm>> -> memref<10000x128xf32, #tpu.memory_space<hbm>>
    tpu.enqueue_indirect_dma source(%dma_start3A_76 : memref<10000x128xf32, #tpu.memory_space<hbm>>) target(%arg16 : memref<120x128xf32, #tpu.memory_space<vmem>>) offsets(%arg10 : memref<120xi32, #tpu.memory_space<vmem>>) semaphore(%arg22 : memref<!tpu.dma_semaphore, #tpu.memory_space<semaphore_mem>>)
    %dma_wait3A_77 = arith.constant 0 : i32
    %dma_wait3A_78 = arith.constant 0 : i32
    %dma_wait3A_79 = tpu.memref_slice %arg2[%dma_wait3A_77, %dma_wait3A_78] : memref<10000x128xf32, #tpu.memory_space<hbm>> -> memref<10000x128xf32, #tpu.memory_space<hbm>>
    tpu.wait_indirect_dma semaphore(%arg21 : memref<!tpu.dma_semaphore, #tpu.memory_space<semaphore_mem>>) src(%dma_wait3A_79 : memref<10000x128xf32, #tpu.memory_space<hbm>>) dst(%arg15 : memref<120x128xf32, #tpu.memory_space<vmem>>)
    %dma_start3A_80 = arith.constant 0 : i32
    %dma_start3A_81 = arith.constant 0 : i32
    %dma_start3A_82 = tpu.memref_slice %arg7[%dma_start3A_80, %dma_start3A_81] : memref<10112x128xf32, #tpu.memory_space<vmem_shared>> -> memref<10112x128xf32, #tpu.memory_space<vmem_shared>>
    tpu.enqueue_indirect_dma source(%arg15 : memref<120x128xf32, #tpu.memory_space<vmem>>) target(%dma_start3A_82 : memref<10112x128xf32, #tpu.memory_space<vmem_shared>>) offsets(%arg12 : memref<120xi32, #tpu.memory_space<vmem>>) semaphore(%arg24 : memref<!tpu.dma_semaphore, #tpu.memory_space<semaphore_mem>>) {add = true}
    %dma_wait3A_83 = arith.constant 0 : i32
    %dma_wait3A_84 = arith.constant 0 : i32
    %dma_wait3A_85 = tpu.memref_slice %arg7[%dma_wait3A_83, %dma_wait3A_84] : memref<10112x128xf32, #tpu.memory_space<vmem_shared>> -> memref<10112x128xf32, #tpu.memory_space<vmem_shared>>
    tpu.wait_indirect_dma semaphore(%arg23 : memref<!tpu.dma_semaphore, #tpu.memory_space<semaphore_mem>>) src(%arg14 : memref<120x128xf32, #tpu.memory_space<vmem>>) dst(%dma_wait3A_85 : memref<10112x128xf32, #tpu.memory_space<vmem_shared>>)
    %mul3A_86 = arith.constant 86 : i32
    %mul3A_87 = arith.muli %add3A, %mul3A_86 : i32
    %add3A_88 = arith.constant 84 : i32
    %add3A_89 = arith.addi %mul3A_87, %add3A_88 : i32
    %mul3A_90 = arith.constant 120 : i32
    %mul3A_91 = arith.muli %add3A_89, %mul3A_90 : i32
    %dma_start3A_92 = tpu.memref_slice %arg3[%mul3A_91] : memref<330240xi32, #tpu.memory_space<hbm>> -> memref<120xi32, #tpu.memory_space<hbm>>
    %dma_start3A_93 = tpu.memref_slice %arg3[%mul3A_91] : memref<330240xi32, #tpu.memory_space<hbm>> -> memref<120xi32, #tpu.memory_space<hbm>>
    tpu.enqueue_dma source(%dma_start3A_93 : memref<120xi32, #tpu.memory_space<hbm>>) target(%arg8 : memref<120xi32, #tpu.memory_space<vmem>>) target_semaphore(%arg17 : memref<!tpu.dma_semaphore, #tpu.memory_space<semaphore_mem>>)
    %dma_start3A_94 = tpu.memref_slice %arg4[%mul3A_91] : memref<330240xi32, #tpu.memory_space<hbm>> -> memref<120xi32, #tpu.memory_space<hbm>>
    %dma_start3A_95 = tpu.memref_slice %arg4[%mul3A_91] : memref<330240xi32, #tpu.memory_space<hbm>> -> memref<120xi32, #tpu.memory_space<hbm>>
    tpu.enqueue_dma source(%dma_start3A_95 : memref<120xi32, #tpu.memory_space<hbm>>) target(%arg11 : memref<120xi32, #tpu.memory_space<vmem>>) target_semaphore(%arg17 : memref<!tpu.dma_semaphore, #tpu.memory_space<semaphore_mem>>)
    %dma_wait3A_96 = arith.constant 0 : i32
    %dma_wait3A_97 = tpu.memref_slice %arg3[%dma_wait3A_96] : memref<330240xi32, #tpu.memory_space<hbm>> -> memref<120xi32, #tpu.memory_space<hbm>>
    %dma_wait3A_98 = arith.constant 0 : i32
    %dma_wait3A_99 = tpu.memref_slice %arg3[%dma_wait3A_98] : memref<330240xi32, #tpu.memory_space<hbm>> -> memref<120xi32, #tpu.memory_space<hbm>>
    tpu.wait_dma2 semaphore(%arg17 : memref<!tpu.dma_semaphore, #tpu.memory_space<semaphore_mem>>) src(%dma_wait3A_99 : memref<120xi32, #tpu.memory_space<hbm>>) dst(%arg8 : memref<120xi32, #tpu.memory_space<vmem>>)
    %dma_wait3A_100 = arith.constant 0 : i32
    %dma_wait3A_101 = tpu.memref_slice %arg4[%dma_wait3A_100] : memref<330240xi32, #tpu.memory_space<hbm>> -> memref<120xi32, #tpu.memory_space<hbm>>
    %dma_wait3A_102 = arith.constant 0 : i32
    %dma_wait3A_103 = tpu.memref_slice %arg4[%dma_wait3A_102] : memref<330240xi32, #tpu.memory_space<hbm>> -> memref<120xi32, #tpu.memory_space<hbm>>
    tpu.wait_dma2 semaphore(%arg17 : memref<!tpu.dma_semaphore, #tpu.memory_space<semaphore_mem>>) src(%dma_wait3A_103 : memref<120xi32, #tpu.memory_space<hbm>>) dst(%arg11 : memref<120xi32, #tpu.memory_space<vmem>>)
    %dma_start3A_104 = arith.constant 0 : i32
    %dma_start3A_105 = arith.constant 0 : i32
    %dma_start3A_106 = tpu.memref_slice %arg2[%dma_start3A_104, %dma_start3A_105] : memref<10000x128xf32, #tpu.memory_space<hbm>> -> memref<10000x128xf32, #tpu.memory_space<hbm>>
    tpu.enqueue_indirect_dma source(%dma_start3A_106 : memref<10000x128xf32, #tpu.memory_space<hbm>>) target(%arg14 : memref<120x128xf32, #tpu.memory_space<vmem>>) offsets(%arg8 : memref<120xi32, #tpu.memory_space<vmem>>) semaphore(%arg20 : memref<!tpu.dma_semaphore, #tpu.memory_space<semaphore_mem>>)
    %dma_wait3A_107 = arith.constant 0 : i32
    %dma_wait3A_108 = arith.constant 0 : i32
    %dma_wait3A_109 = tpu.memref_slice %arg2[%dma_wait3A_107, %dma_wait3A_108] : memref<10000x128xf32, #tpu.memory_space<hbm>> -> memref<10000x128xf32, #tpu.memory_space<hbm>>
    tpu.wait_indirect_dma semaphore(%arg22 : memref<!tpu.dma_semaphore, #tpu.memory_space<semaphore_mem>>) src(%dma_wait3A_109 : memref<10000x128xf32, #tpu.memory_space<hbm>>) dst(%arg16 : memref<120x128xf32, #tpu.memory_space<vmem>>)
    %dma_start3A_110 = arith.constant 0 : i32
    %dma_start3A_111 = arith.constant 0 : i32
    %dma_start3A_112 = tpu.memref_slice %arg7[%dma_start3A_110, %dma_start3A_111] : memref<10112x128xf32, #tpu.memory_space<vmem_shared>> -> memref<10112x128xf32, #tpu.memory_space<vmem_shared>>
    tpu.enqueue_indirect_dma source(%arg16 : memref<120x128xf32, #tpu.memory_space<vmem>>) target(%dma_start3A_112 : memref<10112x128xf32, #tpu.memory_space<vmem_shared>>) offsets(%arg13 : memref<120xi32, #tpu.memory_space<vmem>>) semaphore(%arg25 : memref<!tpu.dma_semaphore, #tpu.memory_space<semaphore_mem>>) {add = true}
    %dma_wait3A_113 = arith.constant 0 : i32
    %dma_wait3A_114 = arith.constant 0 : i32
    %dma_wait3A_115 = tpu.memref_slice %arg7[%dma_wait3A_113, %dma_wait3A_114] : memref<10112x128xf32, #tpu.memory_space<vmem_shared>> -> memref<10112x128xf32, #tpu.memory_space<vmem_shared>>
    tpu.wait_indirect_dma semaphore(%arg24 : memref<!tpu.dma_semaphore, #tpu.memory_space<semaphore_mem>>) src(%arg15 : memref<120x128xf32, #tpu.memory_space<vmem>>) dst(%dma_wait3A_115 : memref<10112x128xf32, #tpu.memory_space<vmem_shared>>)
    %mul3A_116 = arith.constant 86 : i32
    %mul3A_117 = arith.muli %add3A, %mul3A_116 : i32
    %add3A_118 = arith.constant 85 : i32
    %add3A_119 = arith.addi %mul3A_117, %add3A_118 : i32
    %mul3A_120 = arith.constant 120 : i32
    %mul3A_121 = arith.muli %add3A_119, %mul3A_120 : i32
    %dma_start3A_122 = tpu.memref_slice %arg3[%mul3A_121] : memref<330240xi32, #tpu.memory_space<hbm>> -> memref<120xi32, #tpu.memory_space<hbm>>
    %dma_start3A_123 = tpu.memref_slice %arg3[%mul3A_121] : memref<330240xi32, #tpu.memory_space<hbm>> -> memref<120xi32, #tpu.memory_space<hbm>>
    tpu.enqueue_dma source(%dma_start3A_123 : memref<120xi32, #tpu.memory_space<hbm>>) target(%arg9 : memref<120xi32, #tpu.memory_space<vmem>>) target_semaphore(%arg18 : memref<!tpu.dma_semaphore, #tpu.memory_space<semaphore_mem>>)
    %dma_start3A_124 = tpu.memref_slice %arg4[%mul3A_121] : memref<330240xi32, #tpu.memory_space<hbm>> -> memref<120xi32, #tpu.memory_space<hbm>>
    %dma_start3A_125 = tpu.memref_slice %arg4[%mul3A_121] : memref<330240xi32, #tpu.memory_space<hbm>> -> memref<120xi32, #tpu.memory_space<hbm>>
    tpu.enqueue_dma source(%dma_start3A_125 : memref<120xi32, #tpu.memory_space<hbm>>) target(%arg12 : memref<120xi32, #tpu.memory_space<vmem>>) target_semaphore(%arg18 : memref<!tpu.dma_semaphore, #tpu.memory_space<semaphore_mem>>)
    %dma_wait3A_126 = arith.constant 0 : i32
    %dma_wait3A_127 = tpu.memref_slice %arg3[%dma_wait3A_126] : memref<330240xi32, #tpu.memory_space<hbm>> -> memref<120xi32, #tpu.memory_space<hbm>>
    %dma_wait3A_128 = arith.constant 0 : i32
    %dma_wait3A_129 = tpu.memref_slice %arg3[%dma_wait3A_128] : memref<330240xi32, #tpu.memory_space<hbm>> -> memref<120xi32, #tpu.memory_space<hbm>>
    tpu.wait_dma2 semaphore(%arg18 : memref<!tpu.dma_semaphore, #tpu.memory_space<semaphore_mem>>) src(%dma_wait3A_129 : memref<120xi32, #tpu.memory_space<hbm>>) dst(%arg9 : memref<120xi32, #tpu.memory_space<vmem>>)
    %dma_wait3A_130 = arith.constant 0 : i32
    %dma_wait3A_131 = tpu.memref_slice %arg4[%dma_wait3A_130] : memref<330240xi32, #tpu.memory_space<hbm>> -> memref<120xi32, #tpu.memory_space<hbm>>
    %dma_wait3A_132 = arith.constant 0 : i32
    %dma_wait3A_133 = tpu.memref_slice %arg4[%dma_wait3A_132] : memref<330240xi32, #tpu.memory_space<hbm>> -> memref<120xi32, #tpu.memory_space<hbm>>
    tpu.wait_dma2 semaphore(%arg18 : memref<!tpu.dma_semaphore, #tpu.memory_space<semaphore_mem>>) src(%dma_wait3A_133 : memref<120xi32, #tpu.memory_space<hbm>>) dst(%arg12 : memref<120xi32, #tpu.memory_space<vmem>>)
    %dma_start3A_134 = arith.constant 0 : i32
    %dma_start3A_135 = arith.constant 0 : i32
    %dma_start3A_136 = tpu.memref_slice %arg2[%dma_start3A_134, %dma_start3A_135] : memref<10000x128xf32, #tpu.memory_space<hbm>> -> memref<10000x128xf32, #tpu.memory_space<hbm>>
    tpu.enqueue_indirect_dma source(%dma_start3A_136 : memref<10000x128xf32, #tpu.memory_space<hbm>>) target(%arg15 : memref<120x128xf32, #tpu.memory_space<vmem>>) offsets(%arg9 : memref<120xi32, #tpu.memory_space<vmem>>) semaphore(%arg21 : memref<!tpu.dma_semaphore, #tpu.memory_space<semaphore_mem>>)
    %dma_wait3A_137 = arith.constant 0 : i32
    %dma_wait3A_138 = arith.constant 0 : i32
    %dma_wait3A_139 = tpu.memref_slice %arg2[%dma_wait3A_137, %dma_wait3A_138] : memref<10000x128xf32, #tpu.memory_space<hbm>> -> memref<10000x128xf32, #tpu.memory_space<hbm>>
    tpu.wait_indirect_dma semaphore(%arg20 : memref<!tpu.dma_semaphore, #tpu.memory_space<semaphore_mem>>) src(%dma_wait3A_139 : memref<10000x128xf32, #tpu.memory_space<hbm>>) dst(%arg14 : memref<120x128xf32, #tpu.memory_space<vmem>>)
    %dma_start3A_140 = arith.constant 0 : i32
    %dma_start3A_141 = arith.constant 0 : i32
    %dma_start3A_142 = tpu.memref_slice %arg7[%dma_start3A_140, %dma_start3A_141] : memref<10112x128xf32, #tpu.memory_space<vmem_shared>> -> memref<10112x128xf32, #tpu.memory_space<vmem_shared>>
    tpu.enqueue_indirect_dma source(%arg14 : memref<120x128xf32, #tpu.memory_space<vmem>>) target(%dma_start3A_142 : memref<10112x128xf32, #tpu.memory_space<vmem_shared>>) offsets(%arg11 : memref<120xi32, #tpu.memory_space<vmem>>) semaphore(%arg23 : memref<!tpu.dma_semaphore, #tpu.memory_space<semaphore_mem>>) {add = true}
    %dma_wait3A_143 = arith.constant 0 : i32
    %dma_wait3A_144 = arith.constant 0 : i32
    %dma_wait3A_145 = tpu.memref_slice %arg7[%dma_wait3A_143, %dma_wait3A_144] : memref<10112x128xf32, #tpu.memory_space<vmem_shared>> -> memref<10112x128xf32, #tpu.memory_space<vmem_shared>>
    tpu.wait_indirect_dma semaphore(%arg25 : memref<!tpu.dma_semaphore, #tpu.memory_space<semaphore_mem>>) src(%arg16 : memref<120x128xf32, #tpu.memory_space<vmem>>) dst(%dma_wait3A_145 : memref<10112x128xf32, #tpu.memory_space<vmem_shared>>)
    %dma_wait3A_146 = arith.constant 0 : i32
    %dma_wait3A_147 = arith.constant 0 : i32
    %dma_wait3A_148 = tpu.memref_slice %arg2[%dma_wait3A_146, %dma_wait3A_147] : memref<10000x128xf32, #tpu.memory_space<hbm>> -> memref<10000x128xf32, #tpu.memory_space<hbm>>
    tpu.wait_indirect_dma semaphore(%arg21 : memref<!tpu.dma_semaphore, #tpu.memory_space<semaphore_mem>>) src(%dma_wait3A_148 : memref<10000x128xf32, #tpu.memory_space<hbm>>) dst(%arg15 : memref<120x128xf32, #tpu.memory_space<vmem>>)
    %dma_start3A_149 = arith.constant 0 : i32
    %dma_start3A_150 = arith.constant 0 : i32
    %dma_start3A_151 = tpu.memref_slice %arg7[%dma_start3A_149, %dma_start3A_150] : memref<10112x128xf32, #tpu.memory_space<vmem_shared>> -> memref<10112x128xf32, #tpu.memory_space<vmem_shared>>
    tpu.enqueue_indirect_dma source(%arg15 : memref<120x128xf32, #tpu.memory_space<vmem>>) target(%dma_start3A_151 : memref<10112x128xf32, #tpu.memory_space<vmem_shared>>) offsets(%arg12 : memref<120xi32, #tpu.memory_space<vmem>>) semaphore(%arg24 : memref<!tpu.dma_semaphore, #tpu.memory_space<semaphore_mem>>) {add = true}
    %dma_wait3A_152 = arith.constant 0 : i32
    %dma_wait3A_153 = arith.constant 0 : i32
    %dma_wait3A_154 = tpu.memref_slice %arg7[%dma_wait3A_152, %dma_wait3A_153] : memref<10112x128xf32, #tpu.memory_space<vmem_shared>> -> memref<10112x128xf32, #tpu.memory_space<vmem_shared>>
    tpu.wait_indirect_dma semaphore(%arg23 : memref<!tpu.dma_semaphore, #tpu.memory_space<semaphore_mem>>) src(%arg14 : memref<120x128xf32, #tpu.memory_space<vmem>>) dst(%dma_wait3A_154 : memref<10112x128xf32, #tpu.memory_space<vmem_shared>>)
    %dma_wait3A_155 = arith.constant 0 : i32
    %dma_wait3A_156 = arith.constant 0 : i32
    %dma_wait3A_157 = tpu.memref_slice %arg7[%dma_wait3A_155, %dma_wait3A_156] : memref<10112x128xf32, #tpu.memory_space<vmem_shared>> -> memref<10112x128xf32, #tpu.memory_space<vmem_shared>>
    tpu.wait_indirect_dma semaphore(%arg24 : memref<!tpu.dma_semaphore, #tpu.memory_space<semaphore_mem>>) src(%arg15 : memref<120x128xf32, #tpu.memory_space<vmem>>) dst(%dma_wait3A_157 : memref<10112x128xf32, #tpu.memory_space<vmem_shared>>)
    %barrier3A_158 = arith.constant 0 : index
    tpu.barrier barrier_id(%barrier3A_158)
    %mul3A_159 = arith.constant 632 : i32
    %mul3A_160 = arith.muli %arg1, %mul3A_159 : i32
    %mul3A_161 = arith.constant 632 : i32
    %mul3A_162 = arith.muli %arg1, %mul3A_161 : i32
    "tpu.region"() ({
      %run_scoped3A = tpu.sem_alloc : memref<!tpu.dma_semaphore, #tpu.memory_space<semaphore_mem>>
      %dma_start3A_163 = arith.constant 0 : i32
      %dma_start3A_164 = tpu.memref_slice %arg6[%arg0, %mul3A_162, %dma_start3A_163] : memref<2x10112x128xf32, #tpu.memory_space<hbm>> -> memref<1x632x128xf32, #tpu.memory_space<hbm>>
      %dma_start3A_165 = tpu.memref_squeeze %dma_start3A_164 : memref<1x632x128xf32, #tpu.memory_space<hbm>> -> memref<632x128xf32, #tpu.memory_space<hbm>>
      %dma_start3A_166 = arith.constant 0 : i32
      %dma_start3A_167 = tpu.memref_slice %arg7[%mul3A_160, %dma_start3A_166] : memref<10112x128xf32, #tpu.memory_space<vmem_shared>> -> memref<632x128xf32, #tpu.memory_space<vmem_shared>>
      tpu.enqueue_dma source(%dma_start3A_167 : memref<632x128xf32, #tpu.memory_space<vmem_shared>>) target(%dma_start3A_165 : memref<632x128xf32, #tpu.memory_space<hbm>>) target_semaphore(%run_scoped3A : memref<!tpu.dma_semaphore, #tpu.memory_space<semaphore_mem>>)
      %dma_wait3A_168 = arith.constant 0 : i32
      %dma_wait3A_169 = tpu.memref_slice %arg6[%arg0, %mul3A_162, %dma_wait3A_168] : memref<2x10112x128xf32, #tpu.memory_space<hbm>> -> memref<1x632x128xf32, #tpu.memory_space<hbm>>
      %dma_wait3A_170 = tpu.memref_squeeze %dma_wait3A_169 : memref<1x632x128xf32, #tpu.memory_space<hbm>> -> memref<632x128xf32, #tpu.memory_space<hbm>>
      %dma_wait3A_171 = arith.constant 0 : i32
      %dma_wait3A_172 = tpu.memref_slice %arg7[%mul3A_160, %dma_wait3A_171] : memref<10112x128xf32, #tpu.memory_space<vmem_shared>> -> memref<632x128xf32, #tpu.memory_space<vmem_shared>>
      tpu.wait_dma2 semaphore(%run_scoped3A : memref<!tpu.dma_semaphore, #tpu.memory_space<semaphore_mem>>) src(%dma_wait3A_172 : memref<632x128xf32, #tpu.memory_space<vmem_shared>>) dst(%dma_wait3A_170 : memref<632x128xf32, #tpu.memory_space<hbm>>)
      tpu.yield
    }) : () -> ()
    return
  }
}

#map = affine_map<(d0, d1) -> (0, 0)>
#map1 = affine_map<(d0, d1) -> (0)>
#map2 = affine_map<(d0, d1) -> (0, 0, 0)>
module attributes {stable_mosaic.version = 14 : i64} {
  func.func @_sc_body(%arg0: i32, %arg1: i32, %arg2: memref<10000x128xf32, #tpu.memory_space<hbm>>, %arg3: memref<330240xi32, #tpu.memory_space<hbm>>, %arg4: memref<330240xi32, #tpu.memory_space<hbm>>, %arg5: memref<10112x128xf32, #tpu.memory_space<hbm>>, %arg6: memref<2x10112x128xf32, #tpu.memory_space<hbm>>, %arg7: memref<10112x128xf32, #tpu.memory_space<vmem_shared>>, %arg8: memref<120xi32, #tpu.memory_space<vmem>>, %arg9: memref<120xi32, #tpu.memory_space<vmem>>, %arg10: memref<120xi32, #tpu.memory_space<vmem>>, %arg11: memref<120xi32, #tpu.memory_space<vmem>>, %arg12: memref<120xi32, #tpu.memory_space<vmem>>, %arg13: memref<120xi32, #tpu.memory_space<vmem>>, %arg14: memref<120x128xf32, #tpu.memory_space<vmem>>, %arg15: memref<120x128xf32, #tpu.memory_space<vmem>>, %arg16: memref<120x128xf32, #tpu.memory_space<vmem>>, %arg17: memref<!tpu.dma_semaphore, #tpu.memory_space<semaphore_mem>>, %arg18: memref<!tpu.dma_semaphore, #tpu.memory_space<semaphore_mem>>, %arg19: memref<!tpu.dma_semaphore, #tpu.memory_space<semaphore_mem>>, %arg20: memref<!tpu.dma_semaphore, #tpu.memory_space<semaphore_mem>>, %arg21: memref<!tpu.dma_semaphore, #tpu.memory_space<semaphore_mem>>, %arg22: memref<!tpu.dma_semaphore, #tpu.memory_space<semaphore_mem>>, %arg23: memref<!tpu.dma_semaphore, #tpu.memory_space<semaphore_mem>>, %arg24: memref<!tpu.dma_semaphore, #tpu.memory_space<semaphore_mem>>, %arg25: memref<!tpu.dma_semaphore, #tpu.memory_space<semaphore_mem>>) attributes {dimension_semantics = [#tpu.dimension_semantics<core_parallel>, #tpu.dimension_semantics<subcore_parallel>], iteration_bounds = array<i64: 2, 16>, scalar_prefetch = 0 : i64, scratch_operands = 19 : i64, tpu.core_type = #tpu.core_type<sc_vector_subcore>, window_params = [{transform_indices = #map}, {transform_indices = #map1}, {transform_indices = #map1}, {transform_indices = #map}, {transform_indices = #map2}]} {
    %mul3A = arith.constant 2 : i32
    %mul3A_0 = arith.muli %arg1, %mul3A : i32
    %add3A = arith.addi %mul3A_0, %arg0 : i32
    %mul3A_1 = arith.constant 632 : i32
    %mul3A_2 = arith.muli %arg1, %mul3A_1 : i32
    %mul3A_3 = arith.constant 632 : i32
    %mul3A_4 = arith.muli %arg1, %mul3A_3 : i32
    "tpu.region"() ({
      %run_scoped3A = tpu.sem_alloc : memref<!tpu.dma_semaphore, #tpu.memory_space<semaphore_mem>>
      %dma_start3A_163 = arith.constant 0 : i32
      %dma_start3A_164 = tpu.memref_slice %arg7[%mul3A_4, %dma_start3A_163] : memref<10112x128xf32, #tpu.memory_space<vmem_shared>> -> memref<632x128xf32, #tpu.memory_space<vmem_shared>>
      %dma_start3A_165 = arith.constant 0 : i32
      %dma_start3A_166 = tpu.memref_slice %arg5[%mul3A_2, %dma_start3A_165] : memref<10112x128xf32, #tpu.memory_space<hbm>> -> memref<632x128xf32, #tpu.memory_space<hbm>>
      tpu.enqueue_dma source(%dma_start3A_166 : memref<632x128xf32, #tpu.memory_space<hbm>>) target(%dma_start3A_164 : memref<632x128xf32, #tpu.memory_space<vmem_shared>>) target_semaphore(%run_scoped3A : memref<!tpu.dma_semaphore, #tpu.memory_space<semaphore_mem>>)
      %dma_wait3A_167 = arith.constant 0 : i32
      %dma_wait3A_168 = tpu.memref_slice %arg7[%mul3A_4, %dma_wait3A_167] : memref<10112x128xf32, #tpu.memory_space<vmem_shared>> -> memref<632x128xf32, #tpu.memory_space<vmem_shared>>
      %dma_wait3A_169 = arith.constant 0 : i32
      %dma_wait3A_170 = tpu.memref_slice %arg5[%mul3A_2, %dma_wait3A_169] : memref<10112x128xf32, #tpu.memory_space<hbm>> -> memref<632x128xf32, #tpu.memory_space<hbm>>
      tpu.wait_dma2 semaphore(%run_scoped3A : memref<!tpu.dma_semaphore, #tpu.memory_space<semaphore_mem>>) src(%dma_wait3A_170 : memref<632x128xf32, #tpu.memory_space<hbm>>) dst(%dma_wait3A_168 : memref<632x128xf32, #tpu.memory_space<vmem_shared>>)
      tpu.yield
    }) : () -> ()
    %barrier3A = arith.constant 0 : index
    tpu.barrier barrier_id(%barrier3A)
    %mul3A_5 = arith.constant 86 : i32
    %mul3A_6 = arith.muli %add3A, %mul3A_5 : i32
    %add3A_7 = arith.constant 0 : i32
    %add3A_8 = arith.addi %mul3A_6, %add3A_7 : i32
    %mul3A_9 = arith.constant 120 : i32
    %mul3A_10 = arith.muli %add3A_8, %mul3A_9 : i32
    %dma_start3A = tpu.memref_slice %arg3[%mul3A_10] : memref<330240xi32, #tpu.memory_space<hbm>> -> memref<120xi32, #tpu.memory_space<hbm>>
    %dma_start3A_11 = tpu.memref_slice %arg3[%mul3A_10] : memref<330240xi32, #tpu.memory_space<hbm>> -> memref<120xi32, #tpu.memory_space<hbm>>
    tpu.enqueue_dma source(%dma_start3A_11 : memref<120xi32, #tpu.memory_space<hbm>>) target(%arg8 : memref<120xi32, #tpu.memory_space<vmem>>) target_semaphore(%arg17 : memref<!tpu.dma_semaphore, #tpu.memory_space<semaphore_mem>>)
    %dma_start3A_12 = tpu.memref_slice %arg4[%mul3A_10] : memref<330240xi32, #tpu.memory_space<hbm>> -> memref<120xi32, #tpu.memory_space<hbm>>
    %dma_start3A_13 = tpu.memref_slice %arg4[%mul3A_10] : memref<330240xi32, #tpu.memory_space<hbm>> -> memref<120xi32, #tpu.memory_space<hbm>>
    tpu.enqueue_dma source(%dma_start3A_13 : memref<120xi32, #tpu.memory_space<hbm>>) target(%arg11 : memref<120xi32, #tpu.memory_space<vmem>>) target_semaphore(%arg17 : memref<!tpu.dma_semaphore, #tpu.memory_space<semaphore_mem>>)
    %mul3A_14 = arith.constant 86 : i32
    %mul3A_15 = arith.muli %add3A, %mul3A_14 : i32
    %add3A_16 = arith.constant 1 : i32
    %add3A_17 = arith.addi %mul3A_15, %add3A_16 : i32
    %mul3A_18 = arith.constant 120 : i32
    %mul3A_19 = arith.muli %add3A_17, %mul3A_18 : i32
    %dma_start3A_20 = tpu.memref_slice %arg3[%mul3A_19] : memref<330240xi32, #tpu.memory_space<hbm>> -> memref<120xi32, #tpu.memory_space<hbm>>
    %dma_start3A_21 = tpu.memref_slice %arg3[%mul3A_19] : memref<330240xi32, #tpu.memory_space<hbm>> -> memref<120xi32, #tpu.memory_space<hbm>>
    tpu.enqueue_dma source(%dma_start3A_21 : memref<120xi32, #tpu.memory_space<hbm>>) target(%arg9 : memref<120xi32, #tpu.memory_space<vmem>>) target_semaphore(%arg18 : memref<!tpu.dma_semaphore, #tpu.memory_space<semaphore_mem>>)
    %dma_start3A_22 = tpu.memref_slice %arg4[%mul3A_19] : memref<330240xi32, #tpu.memory_space<hbm>> -> memref<120xi32, #tpu.memory_space<hbm>>
    %dma_start3A_23 = tpu.memref_slice %arg4[%mul3A_19] : memref<330240xi32, #tpu.memory_space<hbm>> -> memref<120xi32, #tpu.memory_space<hbm>>
    tpu.enqueue_dma source(%dma_start3A_23 : memref<120xi32, #tpu.memory_space<hbm>>) target(%arg12 : memref<120xi32, #tpu.memory_space<vmem>>) target_semaphore(%arg18 : memref<!tpu.dma_semaphore, #tpu.memory_space<semaphore_mem>>)
    %dma_wait3A = arith.constant 0 : i32
    %dma_wait3A_24 = tpu.memref_slice %arg3[%dma_wait3A] : memref<330240xi32, #tpu.memory_space<hbm>> -> memref<120xi32, #tpu.memory_space<hbm>>
    %dma_wait3A_25 = arith.constant 0 : i32
    %dma_wait3A_26 = tpu.memref_slice %arg3[%dma_wait3A_25] : memref<330240xi32, #tpu.memory_space<hbm>> -> memref<120xi32, #tpu.memory_space<hbm>>
    tpu.wait_dma2 semaphore(%arg17 : memref<!tpu.dma_semaphore, #tpu.memory_space<semaphore_mem>>) src(%dma_wait3A_26 : memref<120xi32, #tpu.memory_space<hbm>>) dst(%arg8 : memref<120xi32, #tpu.memory_space<vmem>>)
    %dma_wait3A_27 = arith.constant 0 : i32
    %dma_wait3A_28 = tpu.memref_slice %arg4[%dma_wait3A_27] : memref<330240xi32, #tpu.memory_space<hbm>> -> memref<120xi32, #tpu.memory_space<hbm>>
    %dma_wait3A_29 = arith.constant 0 : i32
    %dma_wait3A_30 = tpu.memref_slice %arg4[%dma_wait3A_29] : memref<330240xi32, #tpu.memory_space<hbm>> -> memref<120xi32, #tpu.memory_space<hbm>>
    tpu.wait_dma2 semaphore(%arg17 : memref<!tpu.dma_semaphore, #tpu.memory_space<semaphore_mem>>) src(%dma_wait3A_30 : memref<120xi32, #tpu.memory_space<hbm>>) dst(%arg11 : memref<120xi32, #tpu.memory_space<vmem>>)
    %dma_start3A_31 = arith.constant 0 : i32
    %dma_start3A_32 = arith.constant 0 : i32
    %dma_start3A_33 = tpu.memref_slice %arg2[%dma_start3A_31, %dma_start3A_32] : memref<10000x128xf32, #tpu.memory_space<hbm>> -> memref<10000x128xf32, #tpu.memory_space<hbm>>
    tpu.enqueue_indirect_dma source(%dma_start3A_33 : memref<10000x128xf32, #tpu.memory_space<hbm>>) target(%arg14 : memref<120x128xf32, #tpu.memory_space<vmem>>) offsets(%arg8 : memref<120xi32, #tpu.memory_space<vmem>>) semaphore(%arg20 : memref<!tpu.dma_semaphore, #tpu.memory_space<semaphore_mem>>)
    %dma_wait3A_34 = arith.constant 0 : i32
    %dma_wait3A_35 = tpu.memref_slice %arg3[%dma_wait3A_34] : memref<330240xi32, #tpu.memory_space<hbm>> -> memref<120xi32, #tpu.memory_space<hbm>>
    %dma_wait3A_36 = arith.constant 0 : i32
    %dma_wait3A_37 = tpu.memref_slice %arg3[%dma_wait3A_36] : memref<330240xi32, #tpu.memory_space<hbm>> -> memref<120xi32, #tpu.memory_space<hbm>>
    tpu.wait_dma2 semaphore(%arg18 : memref<!tpu.dma_semaphore, #tpu.memory_space<semaphore_mem>>) src(%dma_wait3A_37 : memref<120xi32, #tpu.memory_space<hbm>>) dst(%arg9 : memref<120xi32, #tpu.memory_space<vmem>>)
    %dma_wait3A_38 = arith.constant 0 : i32
    %dma_wait3A_39 = tpu.memref_slice %arg4[%dma_wait3A_38] : memref<330240xi32, #tpu.memory_space<hbm>> -> memref<120xi32, #tpu.memory_space<hbm>>
    %dma_wait3A_40 = arith.constant 0 : i32
    %dma_wait3A_41 = tpu.memref_slice %arg4[%dma_wait3A_40] : memref<330240xi32, #tpu.memory_space<hbm>> -> memref<120xi32, #tpu.memory_space<hbm>>
    tpu.wait_dma2 semaphore(%arg18 : memref<!tpu.dma_semaphore, #tpu.memory_space<semaphore_mem>>) src(%dma_wait3A_41 : memref<120xi32, #tpu.memory_space<hbm>>) dst(%arg12 : memref<120xi32, #tpu.memory_space<vmem>>)
    %dma_start3A_42 = arith.constant 0 : i32
    %dma_start3A_43 = arith.constant 0 : i32
    %dma_start3A_44 = tpu.memref_slice %arg2[%dma_start3A_42, %dma_start3A_43] : memref<10000x128xf32, #tpu.memory_space<hbm>> -> memref<10000x128xf32, #tpu.memory_space<hbm>>
    tpu.enqueue_indirect_dma source(%dma_start3A_44 : memref<10000x128xf32, #tpu.memory_space<hbm>>) target(%arg15 : memref<120x128xf32, #tpu.memory_space<vmem>>) offsets(%arg9 : memref<120xi32, #tpu.memory_space<vmem>>) semaphore(%arg21 : memref<!tpu.dma_semaphore, #tpu.memory_space<semaphore_mem>>)
    %dma_wait3A_45 = arith.constant 0 : i32
    %dma_wait3A_46 = arith.constant 0 : i32
    %dma_wait3A_47 = tpu.memref_slice %arg2[%dma_wait3A_45, %dma_wait3A_46] : memref<10000x128xf32, #tpu.memory_space<hbm>> -> memref<10000x128xf32, #tpu.memory_space<hbm>>
    tpu.wait_indirect_dma semaphore(%arg20 : memref<!tpu.dma_semaphore, #tpu.memory_space<semaphore_mem>>) src(%dma_wait3A_47 : memref<10000x128xf32, #tpu.memory_space<hbm>>) dst(%arg14 : memref<120x128xf32, #tpu.memory_space<vmem>>)
    %dma_start3A_48 = arith.constant 0 : i32
    %dma_start3A_49 = arith.constant 0 : i32
    %dma_start3A_50 = tpu.memref_slice %arg7[%dma_start3A_48, %dma_start3A_49] : memref<10112x128xf32, #tpu.memory_space<vmem_shared>> -> memref<10112x128xf32, #tpu.memory_space<vmem_shared>>
    tpu.enqueue_indirect_dma source(%arg14 : memref<120x128xf32, #tpu.memory_space<vmem>>) target(%dma_start3A_50 : memref<10112x128xf32, #tpu.memory_space<vmem_shared>>) offsets(%arg11 : memref<120xi32, #tpu.memory_space<vmem>>) semaphore(%arg23 : memref<!tpu.dma_semaphore, #tpu.memory_space<semaphore_mem>>) {add = true}
    %mul3A_51 = arith.constant 86 : i32
    %mul3A_52 = arith.muli %add3A, %mul3A_51 : i32
    %add3A_53 = arith.constant 2 : i32
    %add3A_54 = arith.addi %mul3A_52, %add3A_53 : i32
    %mul3A_55 = arith.constant 120 : i32
    %mul3A_56 = arith.muli %add3A_54, %mul3A_55 : i32
    %dma_start3A_57 = tpu.memref_slice %arg3[%mul3A_56] : memref<330240xi32, #tpu.memory_space<hbm>> -> memref<120xi32, #tpu.memory_space<hbm>>
    %dma_start3A_58 = tpu.memref_slice %arg3[%mul3A_56] : memref<330240xi32, #tpu.memory_space<hbm>> -> memref<120xi32, #tpu.memory_space<hbm>>
    tpu.enqueue_dma source(%dma_start3A_58 : memref<120xi32, #tpu.memory_space<hbm>>) target(%arg10 : memref<120xi32, #tpu.memory_space<vmem>>) target_semaphore(%arg19 : memref<!tpu.dma_semaphore, #tpu.memory_space<semaphore_mem>>)
    %dma_start3A_59 = tpu.memref_slice %arg4[%mul3A_56] : memref<330240xi32, #tpu.memory_space<hbm>> -> memref<120xi32, #tpu.memory_space<hbm>>
    %dma_start3A_60 = tpu.memref_slice %arg4[%mul3A_56] : memref<330240xi32, #tpu.memory_space<hbm>> -> memref<120xi32, #tpu.memory_space<hbm>>
    tpu.enqueue_dma source(%dma_start3A_60 : memref<120xi32, #tpu.memory_space<hbm>>) target(%arg13 : memref<120xi32, #tpu.memory_space<vmem>>) target_semaphore(%arg19 : memref<!tpu.dma_semaphore, #tpu.memory_space<semaphore_mem>>)
    %scan3A = arith.constant 0 : i32
    %scan3A_61 = arith.constant 0 : i32
    %scan3A_62 = arith.constant 27 : i32
    %scan3A_63 = arith.addi %scan3A_61, %scan3A_62 : i32
    %scan3A_64 = arith.constant 1 : i32
    scf.for %scan3A_163 = %scan3A_61 to %scan3A_63 step %scan3A_64  : i32 {
      %mul3A_164 = arith.constant 3 : i32
      %mul3A_165 = arith.muli %mul3A_164, %scan3A_163 : i32
      %add3A_166 = arith.constant 2 : i32
      %add3A_167 = arith.addi %mul3A_165, %add3A_166 : i32
      %dma_wait3A_168 = arith.constant 0 : i32
      %dma_wait3A_169 = tpu.memref_slice %arg3[%dma_wait3A_168] : memref<330240xi32, #tpu.memory_space<hbm>> -> memref<120xi32, #tpu.memory_space<hbm>>
      %dma_wait3A_170 = arith.constant 0 : i32
      %dma_wait3A_171 = tpu.memref_slice %arg3[%dma_wait3A_170] : memref<330240xi32, #tpu.memory_space<hbm>> -> memref<120xi32, #tpu.memory_space<hbm>>
      tpu.wait_dma2 semaphore(%arg19 : memref<!tpu.dma_semaphore, #tpu.memory_space<semaphore_mem>>) src(%dma_wait3A_171 : memref<120xi32, #tpu.memory_space<hbm>>) dst(%arg10 : memref<120xi32, #tpu.memory_space<vmem>>)
      %dma_wait3A_172 = arith.constant 0 : i32
      %dma_wait3A_173 = tpu.memref_slice %arg4[%dma_wait3A_172] : memref<330240xi32, #tpu.memory_space<hbm>> -> memref<120xi32, #tpu.memory_space<hbm>>
      %dma_wait3A_174 = arith.constant 0 : i32
      %dma_wait3A_175 = tpu.memref_slice %arg4[%dma_wait3A_174] : memref<330240xi32, #tpu.memory_space<hbm>> -> memref<120xi32, #tpu.memory_space<hbm>>
      tpu.wait_dma2 semaphore(%arg19 : memref<!tpu.dma_semaphore, #tpu.memory_space<semaphore_mem>>) src(%dma_wait3A_175 : memref<120xi32, #tpu.memory_space<hbm>>) dst(%arg13 : memref<120xi32, #tpu.memory_space<vmem>>)
      %dma_start3A_176 = arith.constant 0 : i32
      %dma_start3A_177 = arith.constant 0 : i32
      %dma_start3A_178 = tpu.memref_slice %arg2[%dma_start3A_176, %dma_start3A_177] : memref<10000x128xf32, #tpu.memory_space<hbm>> -> memref<10000x128xf32, #tpu.memory_space<hbm>>
      tpu.enqueue_indirect_dma source(%dma_start3A_178 : memref<10000x128xf32, #tpu.memory_space<hbm>>) target(%arg16 : memref<120x128xf32, #tpu.memory_space<vmem>>) offsets(%arg10 : memref<120xi32, #tpu.memory_space<vmem>>) semaphore(%arg22 : memref<!tpu.dma_semaphore, #tpu.memory_space<semaphore_mem>>)
      %dma_wait3A_179 = arith.constant 0 : i32
      %dma_wait3A_180 = arith.constant 0 : i32
      %dma_wait3A_181 = tpu.memref_slice %arg2[%dma_wait3A_179, %dma_wait3A_180] : memref<10000x128xf32, #tpu.memory_space<hbm>> -> memref<10000x128xf32, #tpu.memory_space<hbm>>
      tpu.wait_indirect_dma semaphore(%arg21 : memref<!tpu.dma_semaphore, #tpu.memory_space<semaphore_mem>>) src(%dma_wait3A_181 : memref<10000x128xf32, #tpu.memory_space<hbm>>) dst(%arg15 : memref<120x128xf32, #tpu.memory_space<vmem>>)
      %dma_start3A_182 = arith.constant 0 : i32
      %dma_start3A_183 = arith.constant 0 : i32
      %dma_start3A_184 = tpu.memref_slice %arg7[%dma_start3A_182, %dma_start3A_183] : memref<10112x128xf32, #tpu.memory_space<vmem_shared>> -> memref<10112x128xf32, #tpu.memory_space<vmem_shared>>
      tpu.enqueue_indirect_dma source(%arg15 : memref<120x128xf32, #tpu.memory_space<vmem>>) target(%dma_start3A_184 : memref<10112x128xf32, #tpu.memory_space<vmem_shared>>) offsets(%arg12 : memref<120xi32, #tpu.memory_space<vmem>>) semaphore(%arg24 : memref<!tpu.dma_semaphore, #tpu.memory_space<semaphore_mem>>) {add = true}
      %dma_wait3A_185 = arith.constant 0 : i32
      %dma_wait3A_186 = arith.constant 0 : i32
      %dma_wait3A_187 = tpu.memref_slice %arg7[%dma_wait3A_185, %dma_wait3A_186] : memref<10112x128xf32, #tpu.memory_space<vmem_shared>> -> memref<10112x128xf32, #tpu.memory_space<vmem_shared>>
      tpu.wait_indirect_dma semaphore(%arg23 : memref<!tpu.dma_semaphore, #tpu.memory_space<semaphore_mem>>) src(%arg14 : memref<120x128xf32, #tpu.memory_space<vmem>>) dst(%dma_wait3A_187 : memref<10112x128xf32, #tpu.memory_space<vmem_shared>>)
      %add3A_188 = arith.constant 1 : i32
      %add3A_189 = arith.addi %add3A_167, %add3A_188 : i32
      %mul3A_190 = arith.constant 86 : i32
      %mul3A_191 = arith.muli %add3A, %mul3A_190 : i32
      %add3A_192 = arith.addi %mul3A_191, %add3A_189 : i32
      %mul3A_193 = arith.constant 120 : i32
      %mul3A_194 = arith.muli %add3A_192, %mul3A_193 : i32
      %dma_start3A_195 = tpu.memref_slice %arg3[%mul3A_194] : memref<330240xi32, #tpu.memory_space<hbm>> -> memref<120xi32, #tpu.memory_space<hbm>>
      %dma_start3A_196 = tpu.memref_slice %arg3[%mul3A_194] : memref<330240xi32, #tpu.memory_space<hbm>> -> memref<120xi32, #tpu.memory_space<hbm>>
      tpu.enqueue_dma source(%dma_start3A_196 : memref<120xi32, #tpu.memory_space<hbm>>) target(%arg8 : memref<120xi32, #tpu.memory_space<vmem>>) target_semaphore(%arg17 : memref<!tpu.dma_semaphore, #tpu.memory_space<semaphore_mem>>)
      %dma_start3A_197 = tpu.memref_slice %arg4[%mul3A_194] : memref<330240xi32, #tpu.memory_space<hbm>> -> memref<120xi32, #tpu.memory_space<hbm>>
      %dma_start3A_198 = tpu.memref_slice %arg4[%mul3A_194] : memref<330240xi32, #tpu.memory_space<hbm>> -> memref<120xi32, #tpu.memory_space<hbm>>
      tpu.enqueue_dma source(%dma_start3A_198 : memref<120xi32, #tpu.memory_space<hbm>>) target(%arg11 : memref<120xi32, #tpu.memory_space<vmem>>) target_semaphore(%arg17 : memref<!tpu.dma_semaphore, #tpu.memory_space<semaphore_mem>>)
      %mul3A_199 = arith.constant 3 : i32
      %mul3A_200 = arith.muli %mul3A_199, %scan3A_163 : i32
      %add3A_201 = arith.constant 3 : i32
      %add3A_202 = arith.addi %mul3A_200, %add3A_201 : i32
      %dma_wait3A_203 = arith.constant 0 : i32
      %dma_wait3A_204 = tpu.memref_slice %arg3[%dma_wait3A_203] : memref<330240xi32, #tpu.memory_space<hbm>> -> memref<120xi32, #tpu.memory_space<hbm>>
      %dma_wait3A_205 = arith.constant 0 : i32
      %dma_wait3A_206 = tpu.memref_slice %arg3[%dma_wait3A_205] : memref<330240xi32, #tpu.memory_space<hbm>> -> memref<120xi32, #tpu.memory_space<hbm>>
      tpu.wait_dma2 semaphore(%arg17 : memref<!tpu.dma_semaphore, #tpu.memory_space<semaphore_mem>>) src(%dma_wait3A_206 : memref<120xi32, #tpu.memory_space<hbm>>) dst(%arg8 : memref<120xi32, #tpu.memory_space<vmem>>)
      %dma_wait3A_207 = arith.constant 0 : i32
      %dma_wait3A_208 = tpu.memref_slice %arg4[%dma_wait3A_207] : memref<330240xi32, #tpu.memory_space<hbm>> -> memref<120xi32, #tpu.memory_space<hbm>>
      %dma_wait3A_209 = arith.constant 0 : i32
      %dma_wait3A_210 = tpu.memref_slice %arg4[%dma_wait3A_209] : memref<330240xi32, #tpu.memory_space<hbm>> -> memref<120xi32, #tpu.memory_space<hbm>>
      tpu.wait_dma2 semaphore(%arg17 : memref<!tpu.dma_semaphore, #tpu.memory_space<semaphore_mem>>) src(%dma_wait3A_210 : memref<120xi32, #tpu.memory_space<hbm>>) dst(%arg11 : memref<120xi32, #tpu.memory_space<vmem>>)
      %dma_start3A_211 = arith.constant 0 : i32
      %dma_start3A_212 = arith.constant 0 : i32
      %dma_start3A_213 = tpu.memref_slice %arg2[%dma_start3A_211, %dma_start3A_212] : memref<10000x128xf32, #tpu.memory_space<hbm>> -> memref<10000x128xf32, #tpu.memory_space<hbm>>
      tpu.enqueue_indirect_dma source(%dma_start3A_213 : memref<10000x128xf32, #tpu.memory_space<hbm>>) target(%arg14 : memref<120x128xf32, #tpu.memory_space<vmem>>) offsets(%arg8 : memref<120xi32, #tpu.memory_space<vmem>>) semaphore(%arg20 : memref<!tpu.dma_semaphore, #tpu.memory_space<semaphore_mem>>)
      %dma_wait3A_214 = arith.constant 0 : i32
      %dma_wait3A_215 = arith.constant 0 : i32
      %dma_wait3A_216 = tpu.memref_slice %arg2[%dma_wait3A_214, %dma_wait3A_215] : memref<10000x128xf32, #tpu.memory_space<hbm>> -> memref<10000x128xf32, #tpu.memory_space<hbm>>
      tpu.wait_indirect_dma semaphore(%arg22 : memref<!tpu.dma_semaphore, #tpu.memory_space<semaphore_mem>>) src(%dma_wait3A_216 : memref<10000x128xf32, #tpu.memory_space<hbm>>) dst(%arg16 : memref<120x128xf32, #tpu.memory_space<vmem>>)
      %dma_start3A_217 = arith.constant 0 : i32
      %dma_start3A_218 = arith.constant 0 : i32
      %dma_start3A_219 = tpu.memref_slice %arg7[%dma_start3A_217, %dma_start3A_218] : memref<10112x128xf32, #tpu.memory_space<vmem_shared>> -> memref<10112x128xf32, #tpu.memory_space<vmem_shared>>
      tpu.enqueue_indirect_dma source(%arg16 : memref<120x128xf32, #tpu.memory_space<vmem>>) target(%dma_start3A_219 : memref<10112x128xf32, #tpu.memory_space<vmem_shared>>) offsets(%arg13 : memref<120xi32, #tpu.memory_space<vmem>>) semaphore(%arg25 : memref<!tpu.dma_semaphore, #tpu.memory_space<semaphore_mem>>) {add = true}
      %dma_wait3A_220 = arith.constant 0 : i32
      %dma_wait3A_221 = arith.constant 0 : i32
      %dma_wait3A_222 = tpu.memref_slice %arg7[%dma_wait3A_220, %dma_wait3A_221] : memref<10112x128xf32, #tpu.memory_space<vmem_shared>> -> memref<10112x128xf32, #tpu.memory_space<vmem_shared>>
      tpu.wait_indirect_dma semaphore(%arg24 : memref<!tpu.dma_semaphore, #tpu.memory_space<semaphore_mem>>) src(%arg15 : memref<120x128xf32, #tpu.memory_space<vmem>>) dst(%dma_wait3A_222 : memref<10112x128xf32, #tpu.memory_space<vmem_shared>>)
      %add3A_223 = arith.constant 1 : i32
      %add3A_224 = arith.addi %add3A_202, %add3A_223 : i32
      %mul3A_225 = arith.constant 86 : i32
      %mul3A_226 = arith.muli %add3A, %mul3A_225 : i32
      %add3A_227 = arith.addi %mul3A_226, %add3A_224 : i32
      %mul3A_228 = arith.constant 120 : i32
      %mul3A_229 = arith.muli %add3A_227, %mul3A_228 : i32
      %dma_start3A_230 = tpu.memref_slice %arg3[%mul3A_229] : memref<330240xi32, #tpu.memory_space<hbm>> -> memref<120xi32, #tpu.memory_space<hbm>>
      %dma_start3A_231 = tpu.memref_slice %arg3[%mul3A_229] : memref<330240xi32, #tpu.memory_space<hbm>> -> memref<120xi32, #tpu.memory_space<hbm>>
      tpu.enqueue_dma source(%dma_start3A_231 : memref<120xi32, #tpu.memory_space<hbm>>) target(%arg9 : memref<120xi32, #tpu.memory_space<vmem>>) target_semaphore(%arg18 : memref<!tpu.dma_semaphore, #tpu.memory_space<semaphore_mem>>)
      %dma_start3A_232 = tpu.memref_slice %arg4[%mul3A_229] : memref<330240xi32, #tpu.memory_space<hbm>> -> memref<120xi32, #tpu.memory_space<hbm>>
      %dma_start3A_233 = tpu.memref_slice %arg4[%mul3A_229] : memref<330240xi32, #tpu.memory_space<hbm>> -> memref<120xi32, #tpu.memory_space<hbm>>
      tpu.enqueue_dma source(%dma_start3A_233 : memref<120xi32, #tpu.memory_space<hbm>>) target(%arg12 : memref<120xi32, #tpu.memory_space<vmem>>) target_semaphore(%arg18 : memref<!tpu.dma_semaphore, #tpu.memory_space<semaphore_mem>>)
      %mul3A_234 = arith.constant 3 : i32
      %mul3A_235 = arith.muli %mul3A_234, %scan3A_163 : i32
      %add3A_236 = arith.constant 4 : i32
      %add3A_237 = arith.addi %mul3A_235, %add3A_236 : i32
      %dma_wait3A_238 = arith.constant 0 : i32
      %dma_wait3A_239 = tpu.memref_slice %arg3[%dma_wait3A_238] : memref<330240xi32, #tpu.memory_space<hbm>> -> memref<120xi32, #tpu.memory_space<hbm>>
      %dma_wait3A_240 = arith.constant 0 : i32
      %dma_wait3A_241 = tpu.memref_slice %arg3[%dma_wait3A_240] : memref<330240xi32, #tpu.memory_space<hbm>> -> memref<120xi32, #tpu.memory_space<hbm>>
      tpu.wait_dma2 semaphore(%arg18 : memref<!tpu.dma_semaphore, #tpu.memory_space<semaphore_mem>>) src(%dma_wait3A_241 : memref<120xi32, #tpu.memory_space<hbm>>) dst(%arg9 : memref<120xi32, #tpu.memory_space<vmem>>)
      %dma_wait3A_242 = arith.constant 0 : i32
      %dma_wait3A_243 = tpu.memref_slice %arg4[%dma_wait3A_242] : memref<330240xi32, #tpu.memory_space<hbm>> -> memref<120xi32, #tpu.memory_space<hbm>>
      %dma_wait3A_244 = arith.constant 0 : i32
      %dma_wait3A_245 = tpu.memref_slice %arg4[%dma_wait3A_244] : memref<330240xi32, #tpu.memory_space<hbm>> -> memref<120xi32, #tpu.memory_space<hbm>>
      tpu.wait_dma2 semaphore(%arg18 : memref<!tpu.dma_semaphore, #tpu.memory_space<semaphore_mem>>) src(%dma_wait3A_245 : memref<120xi32, #tpu.memory_space<hbm>>) dst(%arg12 : memref<120xi32, #tpu.memory_space<vmem>>)
      %dma_start3A_246 = arith.constant 0 : i32
      %dma_start3A_247 = arith.constant 0 : i32
      %dma_start3A_248 = tpu.memref_slice %arg2[%dma_start3A_246, %dma_start3A_247] : memref<10000x128xf32, #tpu.memory_space<hbm>> -> memref<10000x128xf32, #tpu.memory_space<hbm>>
      tpu.enqueue_indirect_dma source(%dma_start3A_248 : memref<10000x128xf32, #tpu.memory_space<hbm>>) target(%arg15 : memref<120x128xf32, #tpu.memory_space<vmem>>) offsets(%arg9 : memref<120xi32, #tpu.memory_space<vmem>>) semaphore(%arg21 : memref<!tpu.dma_semaphore, #tpu.memory_space<semaphore_mem>>)
      %dma_wait3A_249 = arith.constant 0 : i32
      %dma_wait3A_250 = arith.constant 0 : i32
      %dma_wait3A_251 = tpu.memref_slice %arg2[%dma_wait3A_249, %dma_wait3A_250] : memref<10000x128xf32, #tpu.memory_space<hbm>> -> memref<10000x128xf32, #tpu.memory_space<hbm>>
      tpu.wait_indirect_dma semaphore(%arg20 : memref<!tpu.dma_semaphore, #tpu.memory_space<semaphore_mem>>) src(%dma_wait3A_251 : memref<10000x128xf32, #tpu.memory_space<hbm>>) dst(%arg14 : memref<120x128xf32, #tpu.memory_space<vmem>>)
      %dma_start3A_252 = arith.constant 0 : i32
      %dma_start3A_253 = arith.constant 0 : i32
      %dma_start3A_254 = tpu.memref_slice %arg7[%dma_start3A_252, %dma_start3A_253] : memref<10112x128xf32, #tpu.memory_space<vmem_shared>> -> memref<10112x128xf32, #tpu.memory_space<vmem_shared>>
      tpu.enqueue_indirect_dma source(%arg14 : memref<120x128xf32, #tpu.memory_space<vmem>>) target(%dma_start3A_254 : memref<10112x128xf32, #tpu.memory_space<vmem_shared>>) offsets(%arg11 : memref<120xi32, #tpu.memory_space<vmem>>) semaphore(%arg23 : memref<!tpu.dma_semaphore, #tpu.memory_space<semaphore_mem>>) {add = true}
      %dma_wait3A_255 = arith.constant 0 : i32
      %dma_wait3A_256 = arith.constant 0 : i32
      %dma_wait3A_257 = tpu.memref_slice %arg7[%dma_wait3A_255, %dma_wait3A_256] : memref<10112x128xf32, #tpu.memory_space<vmem_shared>> -> memref<10112x128xf32, #tpu.memory_space<vmem_shared>>
      tpu.wait_indirect_dma semaphore(%arg25 : memref<!tpu.dma_semaphore, #tpu.memory_space<semaphore_mem>>) src(%arg16 : memref<120x128xf32, #tpu.memory_space<vmem>>) dst(%dma_wait3A_257 : memref<10112x128xf32, #tpu.memory_space<vmem_shared>>)
      %add3A_258 = arith.constant 1 : i32
      %add3A_259 = arith.addi %add3A_237, %add3A_258 : i32
      %mul3A_260 = arith.constant 86 : i32
      %mul3A_261 = arith.muli %add3A, %mul3A_260 : i32
      %add3A_262 = arith.addi %mul3A_261, %add3A_259 : i32
      %mul3A_263 = arith.constant 120 : i32
      %mul3A_264 = arith.muli %add3A_262, %mul3A_263 : i32
      %dma_start3A_265 = tpu.memref_slice %arg3[%mul3A_264] : memref<330240xi32, #tpu.memory_space<hbm>> -> memref<120xi32, #tpu.memory_space<hbm>>
      %dma_start3A_266 = tpu.memref_slice %arg3[%mul3A_264] : memref<330240xi32, #tpu.memory_space<hbm>> -> memref<120xi32, #tpu.memory_space<hbm>>
      tpu.enqueue_dma source(%dma_start3A_266 : memref<120xi32, #tpu.memory_space<hbm>>) target(%arg10 : memref<120xi32, #tpu.memory_space<vmem>>) target_semaphore(%arg19 : memref<!tpu.dma_semaphore, #tpu.memory_space<semaphore_mem>>)
      %dma_start3A_267 = tpu.memref_slice %arg4[%mul3A_264] : memref<330240xi32, #tpu.memory_space<hbm>> -> memref<120xi32, #tpu.memory_space<hbm>>
      %dma_start3A_268 = tpu.memref_slice %arg4[%mul3A_264] : memref<330240xi32, #tpu.memory_space<hbm>> -> memref<120xi32, #tpu.memory_space<hbm>>
      tpu.enqueue_dma source(%dma_start3A_268 : memref<120xi32, #tpu.memory_space<hbm>>) target(%arg13 : memref<120xi32, #tpu.memory_space<vmem>>) target_semaphore(%arg19 : memref<!tpu.dma_semaphore, #tpu.memory_space<semaphore_mem>>)
    }
    %scan3A_65 = arith.constant 27 : i32
    %dma_wait3A_66 = arith.constant 0 : i32
    %dma_wait3A_67 = tpu.memref_slice %arg3[%dma_wait3A_66] : memref<330240xi32, #tpu.memory_space<hbm>> -> memref<120xi32, #tpu.memory_space<hbm>>
    %dma_wait3A_68 = arith.constant 0 : i32
    %dma_wait3A_69 = tpu.memref_slice %arg3[%dma_wait3A_68] : memref<330240xi32, #tpu.memory_space<hbm>> -> memref<120xi32, #tpu.memory_space<hbm>>
    tpu.wait_dma2 semaphore(%arg19 : memref<!tpu.dma_semaphore, #tpu.memory_space<semaphore_mem>>) src(%dma_wait3A_69 : memref<120xi32, #tpu.memory_space<hbm>>) dst(%arg10 : memref<120xi32, #tpu.memory_space<vmem>>)
    %dma_wait3A_70 = arith.constant 0 : i32
    %dma_wait3A_71 = tpu.memref_slice %arg4[%dma_wait3A_70] : memref<330240xi32, #tpu.memory_space<hbm>> -> memref<120xi32, #tpu.memory_space<hbm>>
    %dma_wait3A_72 = arith.constant 0 : i32
    %dma_wait3A_73 = tpu.memref_slice %arg4[%dma_wait3A_72] : memref<330240xi32, #tpu.memory_space<hbm>> -> memref<120xi32, #tpu.memory_space<hbm>>
    tpu.wait_dma2 semaphore(%arg19 : memref<!tpu.dma_semaphore, #tpu.memory_space<semaphore_mem>>) src(%dma_wait3A_73 : memref<120xi32, #tpu.memory_space<hbm>>) dst(%arg13 : memref<120xi32, #tpu.memory_space<vmem>>)
    %dma_start3A_74 = arith.constant 0 : i32
    %dma_start3A_75 = arith.constant 0 : i32
    %dma_start3A_76 = tpu.memref_slice %arg2[%dma_start3A_74, %dma_start3A_75] : memref<10000x128xf32, #tpu.memory_space<hbm>> -> memref<10000x128xf32, #tpu.memory_space<hbm>>
    tpu.enqueue_indirect_dma source(%dma_start3A_76 : memref<10000x128xf32, #tpu.memory_space<hbm>>) target(%arg16 : memref<120x128xf32, #tpu.memory_space<vmem>>) offsets(%arg10 : memref<120xi32, #tpu.memory_space<vmem>>) semaphore(%arg22 : memref<!tpu.dma_semaphore, #tpu.memory_space<semaphore_mem>>)
    %dma_wait3A_77 = arith.constant 0 : i32
    %dma_wait3A_78 = arith.constant 0 : i32
    %dma_wait3A_79 = tpu.memref_slice %arg2[%dma_wait3A_77, %dma_wait3A_78] : memref<10000x128xf32, #tpu.memory_space<hbm>> -> memref<10000x128xf32, #tpu.memory_space<hbm>>
    tpu.wait_indirect_dma semaphore(%arg21 : memref<!tpu.dma_semaphore, #tpu.memory_space<semaphore_mem>>) src(%dma_wait3A_79 : memref<10000x128xf32, #tpu.memory_space<hbm>>) dst(%arg15 : memref<120x128xf32, #tpu.memory_space<vmem>>)
    %dma_start3A_80 = arith.constant 0 : i32
    %dma_start3A_81 = arith.constant 0 : i32
    %dma_start3A_82 = tpu.memref_slice %arg7[%dma_start3A_80, %dma_start3A_81] : memref<10112x128xf32, #tpu.memory_space<vmem_shared>> -> memref<10112x128xf32, #tpu.memory_space<vmem_shared>>
    tpu.enqueue_indirect_dma source(%arg15 : memref<120x128xf32, #tpu.memory_space<vmem>>) target(%dma_start3A_82 : memref<10112x128xf32, #tpu.memory_space<vmem_shared>>) offsets(%arg12 : memref<120xi32, #tpu.memory_space<vmem>>) semaphore(%arg24 : memref<!tpu.dma_semaphore, #tpu.memory_space<semaphore_mem>>) {add = true}
    %dma_wait3A_83 = arith.constant 0 : i32
    %dma_wait3A_84 = arith.constant 0 : i32
    %dma_wait3A_85 = tpu.memref_slice %arg7[%dma_wait3A_83, %dma_wait3A_84] : memref<10112x128xf32, #tpu.memory_space<vmem_shared>> -> memref<10112x128xf32, #tpu.memory_space<vmem_shared>>
    tpu.wait_indirect_dma semaphore(%arg23 : memref<!tpu.dma_semaphore, #tpu.memory_space<semaphore_mem>>) src(%arg14 : memref<120x128xf32, #tpu.memory_space<vmem>>) dst(%dma_wait3A_85 : memref<10112x128xf32, #tpu.memory_space<vmem_shared>>)
    %mul3A_86 = arith.constant 86 : i32
    %mul3A_87 = arith.muli %add3A, %mul3A_86 : i32
    %add3A_88 = arith.constant 84 : i32
    %add3A_89 = arith.addi %mul3A_87, %add3A_88 : i32
    %mul3A_90 = arith.constant 120 : i32
    %mul3A_91 = arith.muli %add3A_89, %mul3A_90 : i32
    %dma_start3A_92 = tpu.memref_slice %arg3[%mul3A_91] : memref<330240xi32, #tpu.memory_space<hbm>> -> memref<120xi32, #tpu.memory_space<hbm>>
    %dma_start3A_93 = tpu.memref_slice %arg3[%mul3A_91] : memref<330240xi32, #tpu.memory_space<hbm>> -> memref<120xi32, #tpu.memory_space<hbm>>
    tpu.enqueue_dma source(%dma_start3A_93 : memref<120xi32, #tpu.memory_space<hbm>>) target(%arg8 : memref<120xi32, #tpu.memory_space<vmem>>) target_semaphore(%arg17 : memref<!tpu.dma_semaphore, #tpu.memory_space<semaphore_mem>>)
    %dma_start3A_94 = tpu.memref_slice %arg4[%mul3A_91] : memref<330240xi32, #tpu.memory_space<hbm>> -> memref<120xi32, #tpu.memory_space<hbm>>
    %dma_start3A_95 = tpu.memref_slice %arg4[%mul3A_91] : memref<330240xi32, #tpu.memory_space<hbm>> -> memref<120xi32, #tpu.memory_space<hbm>>
    tpu.enqueue_dma source(%dma_start3A_95 : memref<120xi32, #tpu.memory_space<hbm>>) target(%arg11 : memref<120xi32, #tpu.memory_space<vmem>>) target_semaphore(%arg17 : memref<!tpu.dma_semaphore, #tpu.memory_space<semaphore_mem>>)
    %dma_wait3A_96 = arith.constant 0 : i32
    %dma_wait3A_97 = tpu.memref_slice %arg3[%dma_wait3A_96] : memref<330240xi32, #tpu.memory_space<hbm>> -> memref<120xi32, #tpu.memory_space<hbm>>
    %dma_wait3A_98 = arith.constant 0 : i32
    %dma_wait3A_99 = tpu.memref_slice %arg3[%dma_wait3A_98] : memref<330240xi32, #tpu.memory_space<hbm>> -> memref<120xi32, #tpu.memory_space<hbm>>
    tpu.wait_dma2 semaphore(%arg17 : memref<!tpu.dma_semaphore, #tpu.memory_space<semaphore_mem>>) src(%dma_wait3A_99 : memref<120xi32, #tpu.memory_space<hbm>>) dst(%arg8 : memref<120xi32, #tpu.memory_space<vmem>>)
    %dma_wait3A_100 = arith.constant 0 : i32
    %dma_wait3A_101 = tpu.memref_slice %arg4[%dma_wait3A_100] : memref<330240xi32, #tpu.memory_space<hbm>> -> memref<120xi32, #tpu.memory_space<hbm>>
    %dma_wait3A_102 = arith.constant 0 : i32
    %dma_wait3A_103 = tpu.memref_slice %arg4[%dma_wait3A_102] : memref<330240xi32, #tpu.memory_space<hbm>> -> memref<120xi32, #tpu.memory_space<hbm>>
    tpu.wait_dma2 semaphore(%arg17 : memref<!tpu.dma_semaphore, #tpu.memory_space<semaphore_mem>>) src(%dma_wait3A_103 : memref<120xi32, #tpu.memory_space<hbm>>) dst(%arg11 : memref<120xi32, #tpu.memory_space<vmem>>)
    %dma_start3A_104 = arith.constant 0 : i32
    %dma_start3A_105 = arith.constant 0 : i32
    %dma_start3A_106 = tpu.memref_slice %arg2[%dma_start3A_104, %dma_start3A_105] : memref<10000x128xf32, #tpu.memory_space<hbm>> -> memref<10000x128xf32, #tpu.memory_space<hbm>>
    tpu.enqueue_indirect_dma source(%dma_start3A_106 : memref<10000x128xf32, #tpu.memory_space<hbm>>) target(%arg14 : memref<120x128xf32, #tpu.memory_space<vmem>>) offsets(%arg8 : memref<120xi32, #tpu.memory_space<vmem>>) semaphore(%arg20 : memref<!tpu.dma_semaphore, #tpu.memory_space<semaphore_mem>>)
    %dma_wait3A_107 = arith.constant 0 : i32
    %dma_wait3A_108 = arith.constant 0 : i32
    %dma_wait3A_109 = tpu.memref_slice %arg2[%dma_wait3A_107, %dma_wait3A_108] : memref<10000x128xf32, #tpu.memory_space<hbm>> -> memref<10000x128xf32, #tpu.memory_space<hbm>>
    tpu.wait_indirect_dma semaphore(%arg22 : memref<!tpu.dma_semaphore, #tpu.memory_space<semaphore_mem>>) src(%dma_wait3A_109 : memref<10000x128xf32, #tpu.memory_space<hbm>>) dst(%arg16 : memref<120x128xf32, #tpu.memory_space<vmem>>)
    %dma_start3A_110 = arith.constant 0 : i32
    %dma_start3A_111 = arith.constant 0 : i32
    %dma_start3A_112 = tpu.memref_slice %arg7[%dma_start3A_110, %dma_start3A_111] : memref<10112x128xf32, #tpu.memory_space<vmem_shared>> -> memref<10112x128xf32, #tpu.memory_space<vmem_shared>>
    tpu.enqueue_indirect_dma source(%arg16 : memref<120x128xf32, #tpu.memory_space<vmem>>) target(%dma_start3A_112 : memref<10112x128xf32, #tpu.memory_space<vmem_shared>>) offsets(%arg13 : memref<120xi32, #tpu.memory_space<vmem>>) semaphore(%arg25 : memref<!tpu.dma_semaphore, #tpu.memory_space<semaphore_mem>>) {add = true}
    %dma_wait3A_113 = arith.constant 0 : i32
    %dma_wait3A_114 = arith.constant 0 : i32
    %dma_wait3A_115 = tpu.memref_slice %arg7[%dma_wait3A_113, %dma_wait3A_114] : memref<10112x128xf32, #tpu.memory_space<vmem_shared>> -> memref<10112x128xf32, #tpu.memory_space<vmem_shared>>
    tpu.wait_indirect_dma semaphore(%arg24 : memref<!tpu.dma_semaphore, #tpu.memory_space<semaphore_mem>>) src(%arg15 : memref<120x128xf32, #tpu.memory_space<vmem>>) dst(%dma_wait3A_115 : memref<10112x128xf32, #tpu.memory_space<vmem_shared>>)
    %mul3A_116 = arith.constant 86 : i32
    %mul3A_117 = arith.muli %add3A, %mul3A_116 : i32
    %add3A_118 = arith.constant 85 : i32
    %add3A_119 = arith.addi %mul3A_117, %add3A_118 : i32
    %mul3A_120 = arith.constant 120 : i32
    %mul3A_121 = arith.muli %add3A_119, %mul3A_120 : i32
    %dma_start3A_122 = tpu.memref_slice %arg3[%mul3A_121] : memref<330240xi32, #tpu.memory_space<hbm>> -> memref<120xi32, #tpu.memory_space<hbm>>
    %dma_start3A_123 = tpu.memref_slice %arg3[%mul3A_121] : memref<330240xi32, #tpu.memory_space<hbm>> -> memref<120xi32, #tpu.memory_space<hbm>>
    tpu.enqueue_dma source(%dma_start3A_123 : memref<120xi32, #tpu.memory_space<hbm>>) target(%arg9 : memref<120xi32, #tpu.memory_space<vmem>>) target_semaphore(%arg18 : memref<!tpu.dma_semaphore, #tpu.memory_space<semaphore_mem>>)
    %dma_start3A_124 = tpu.memref_slice %arg4[%mul3A_121] : memref<330240xi32, #tpu.memory_space<hbm>> -> memref<120xi32, #tpu.memory_space<hbm>>
    %dma_start3A_125 = tpu.memref_slice %arg4[%mul3A_121] : memref<330240xi32, #tpu.memory_space<hbm>> -> memref<120xi32, #tpu.memory_space<hbm>>
    tpu.enqueue_dma source(%dma_start3A_125 : memref<120xi32, #tpu.memory_space<hbm>>) target(%arg12 : memref<120xi32, #tpu.memory_space<vmem>>) target_semaphore(%arg18 : memref<!tpu.dma_semaphore, #tpu.memory_space<semaphore_mem>>)
    %dma_wait3A_126 = arith.constant 0 : i32
    %dma_wait3A_127 = tpu.memref_slice %arg3[%dma_wait3A_126] : memref<330240xi32, #tpu.memory_space<hbm>> -> memref<120xi32, #tpu.memory_space<hbm>>
    %dma_wait3A_128 = arith.constant 0 : i32
    %dma_wait3A_129 = tpu.memref_slice %arg3[%dma_wait3A_128] : memref<330240xi32, #tpu.memory_space<hbm>> -> memref<120xi32, #tpu.memory_space<hbm>>
    tpu.wait_dma2 semaphore(%arg18 : memref<!tpu.dma_semaphore, #tpu.memory_space<semaphore_mem>>) src(%dma_wait3A_129 : memref<120xi32, #tpu.memory_space<hbm>>) dst(%arg9 : memref<120xi32, #tpu.memory_space<vmem>>)
    %dma_wait3A_130 = arith.constant 0 : i32
    %dma_wait3A_131 = tpu.memref_slice %arg4[%dma_wait3A_130] : memref<330240xi32, #tpu.memory_space<hbm>> -> memref<120xi32, #tpu.memory_space<hbm>>
    %dma_wait3A_132 = arith.constant 0 : i32
    %dma_wait3A_133 = tpu.memref_slice %arg4[%dma_wait3A_132] : memref<330240xi32, #tpu.memory_space<hbm>> -> memref<120xi32, #tpu.memory_space<hbm>>
    tpu.wait_dma2 semaphore(%arg18 : memref<!tpu.dma_semaphore, #tpu.memory_space<semaphore_mem>>) src(%dma_wait3A_133 : memref<120xi32, #tpu.memory_space<hbm>>) dst(%arg12 : memref<120xi32, #tpu.memory_space<vmem>>)
    %dma_start3A_134 = arith.constant 0 : i32
    %dma_start3A_135 = arith.constant 0 : i32
    %dma_start3A_136 = tpu.memref_slice %arg2[%dma_start3A_134, %dma_start3A_135] : memref<10000x128xf32, #tpu.memory_space<hbm>> -> memref<10000x128xf32, #tpu.memory_space<hbm>>
    tpu.enqueue_indirect_dma source(%dma_start3A_136 : memref<10000x128xf32, #tpu.memory_space<hbm>>) target(%arg15 : memref<120x128xf32, #tpu.memory_space<vmem>>) offsets(%arg9 : memref<120xi32, #tpu.memory_space<vmem>>) semaphore(%arg21 : memref<!tpu.dma_semaphore, #tpu.memory_space<semaphore_mem>>)
    %dma_wait3A_137 = arith.constant 0 : i32
    %dma_wait3A_138 = arith.constant 0 : i32
    %dma_wait3A_139 = tpu.memref_slice %arg2[%dma_wait3A_137, %dma_wait3A_138] : memref<10000x128xf32, #tpu.memory_space<hbm>> -> memref<10000x128xf32, #tpu.memory_space<hbm>>
    tpu.wait_indirect_dma semaphore(%arg20 : memref<!tpu.dma_semaphore, #tpu.memory_space<semaphore_mem>>) src(%dma_wait3A_139 : memref<10000x128xf32, #tpu.memory_space<hbm>>) dst(%arg14 : memref<120x128xf32, #tpu.memory_space<vmem>>)
    %dma_start3A_140 = arith.constant 0 : i32
    %dma_start3A_141 = arith.constant 0 : i32
    %dma_start3A_142 = tpu.memref_slice %arg7[%dma_start3A_140, %dma_start3A_141] : memref<10112x128xf32, #tpu.memory_space<vmem_shared>> -> memref<10112x128xf32, #tpu.memory_space<vmem_shared>>
    tpu.enqueue_indirect_dma source(%arg14 : memref<120x128xf32, #tpu.memory_space<vmem>>) target(%dma_start3A_142 : memref<10112x128xf32, #tpu.memory_space<vmem_shared>>) offsets(%arg11 : memref<120xi32, #tpu.memory_space<vmem>>) semaphore(%arg23 : memref<!tpu.dma_semaphore, #tpu.memory_space<semaphore_mem>>) {add = true}
    %dma_wait3A_143 = arith.constant 0 : i32
    %dma_wait3A_144 = arith.constant 0 : i32
    %dma_wait3A_145 = tpu.memref_slice %arg7[%dma_wait3A_143, %dma_wait3A_144] : memref<10112x128xf32, #tpu.memory_space<vmem_shared>> -> memref<10112x128xf32, #tpu.memory_space<vmem_shared>>
    tpu.wait_indirect_dma semaphore(%arg25 : memref<!tpu.dma_semaphore, #tpu.memory_space<semaphore_mem>>) src(%arg16 : memref<120x128xf32, #tpu.memory_space<vmem>>) dst(%dma_wait3A_145 : memref<10112x128xf32, #tpu.memory_space<vmem_shared>>)
    %dma_wait3A_146 = arith.constant 0 : i32
    %dma_wait3A_147 = arith.constant 0 : i32
    %dma_wait3A_148 = tpu.memref_slice %arg2[%dma_wait3A_146, %dma_wait3A_147] : memref<10000x128xf32, #tpu.memory_space<hbm>> -> memref<10000x128xf32, #tpu.memory_space<hbm>>
    tpu.wait_indirect_dma semaphore(%arg21 : memref<!tpu.dma_semaphore, #tpu.memory_space<semaphore_mem>>) src(%dma_wait3A_148 : memref<10000x128xf32, #tpu.memory_space<hbm>>) dst(%arg15 : memref<120x128xf32, #tpu.memory_space<vmem>>)
    %dma_start3A_149 = arith.constant 0 : i32
    %dma_start3A_150 = arith.constant 0 : i32
    %dma_start3A_151 = tpu.memref_slice %arg7[%dma_start3A_149, %dma_start3A_150] : memref<10112x128xf32, #tpu.memory_space<vmem_shared>> -> memref<10112x128xf32, #tpu.memory_space<vmem_shared>>
    tpu.enqueue_indirect_dma source(%arg15 : memref<120x128xf32, #tpu.memory_space<vmem>>) target(%dma_start3A_151 : memref<10112x128xf32, #tpu.memory_space<vmem_shared>>) offsets(%arg12 : memref<120xi32, #tpu.memory_space<vmem>>) semaphore(%arg24 : memref<!tpu.dma_semaphore, #tpu.memory_space<semaphore_mem>>) {add = true}
    %dma_wait3A_152 = arith.constant 0 : i32
    %dma_wait3A_153 = arith.constant 0 : i32
    %dma_wait3A_154 = tpu.memref_slice %arg7[%dma_wait3A_152, %dma_wait3A_153] : memref<10112x128xf32, #tpu.memory_space<vmem_shared>> -> memref<10112x128xf32, #tpu.memory_space<vmem_shared>>
    tpu.wait_indirect_dma semaphore(%arg23 : memref<!tpu.dma_semaphore, #tpu.memory_space<semaphore_mem>>) src(%arg14 : memref<120x128xf32, #tpu.memory_space<vmem>>) dst(%dma_wait3A_154 : memref<10112x128xf32, #tpu.memory_space<vmem_shared>>)
    %dma_wait3A_155 = arith.constant 0 : i32
    %dma_wait3A_156 = arith.constant 0 : i32
    %dma_wait3A_157 = tpu.memref_slice %arg7[%dma_wait3A_155, %dma_wait3A_156] : memref<10112x128xf32, #tpu.memory_space<vmem_shared>> -> memref<10112x128xf32, #tpu.memory_space<vmem_shared>>
    tpu.wait_indirect_dma semaphore(%arg24 : memref<!tpu.dma_semaphore, #tpu.memory_space<semaphore_mem>>) src(%arg15 : memref<120x128xf32, #tpu.memory_space<vmem>>) dst(%dma_wait3A_157 : memref<10112x128xf32, #tpu.memory_space<vmem_shared>>)
    %barrier3A_158 = arith.constant 0 : index
    tpu.barrier barrier_id(%barrier3A_158)
    %mul3A_159 = arith.constant 632 : i32
    %mul3A_160 = arith.muli %arg1, %mul3A_159 : i32
    %mul3A_161 = arith.constant 632 : i32
    %mul3A_162 = arith.muli %arg1, %mul3A_161 : i32
    "tpu.region"() ({
      %run_scoped3A = tpu.sem_alloc : memref<!tpu.dma_semaphore, #tpu.memory_space<semaphore_mem>>
      %dma_start3A_163 = arith.constant 0 : i32
      %dma_start3A_164 = tpu.memref_slice %arg6[%arg0, %mul3A_162, %dma_start3A_163] : memref<2x10112x128xf32, #tpu.memory_space<hbm>> -> memref<1x632x128xf32, #tpu.memory_space<hbm>>
      %dma_start3A_165 = tpu.memref_squeeze %dma_start3A_164 : memref<1x632x128xf32, #tpu.memory_space<hbm>> -> memref<632x128xf32, #tpu.memory_space<hbm>>
      %dma_start3A_166 = arith.constant 0 : i32
      %dma_start3A_167 = tpu.memref_slice %arg7[%mul3A_160, %dma_start3A_166] : memref<10112x128xf32, #tpu.memory_space<vmem_shared>> -> memref<632x128xf32, #tpu.memory_space<vmem_shared>>
      tpu.enqueue_dma source(%dma_start3A_167 : memref<632x128xf32, #tpu.memory_space<vmem_shared>>) target(%dma_start3A_165 : memref<632x128xf32, #tpu.memory_space<hbm>>) target_semaphore(%run_scoped3A : memref<!tpu.dma_semaphore, #tpu.memory_space<semaphore_mem>>)
      %dma_wait3A_168 = arith.constant 0 : i32
      %dma_wait3A_169 = tpu.memref_slice %arg6[%arg0, %mul3A_162, %dma_wait3A_168] : memref<2x10112x128xf32, #tpu.memory_space<hbm>> -> memref<1x632x128xf32, #tpu.memory_space<hbm>>
      %dma_wait3A_170 = tpu.memref_squeeze %dma_wait3A_169 : memref<1x632x128xf32, #tpu.memory_space<hbm>> -> memref<632x128xf32, #tpu.memory_space<hbm>>
      %dma_wait3A_171 = arith.constant 0 : i32
      %dma_wait3A_172 = tpu.memref_slice %arg7[%mul3A_160, %dma_wait3A_171] : memref<10112x128xf32, #tpu.memory_space<vmem_shared>> -> memref<632x128xf32, #tpu.memory_space<vmem_shared>>
      tpu.wait_dma2 semaphore(%run_scoped3A : memref<!tpu.dma_semaphore, #tpu.memory_space<semaphore_mem>>) src(%dma_wait3A_172 : memref<632x128xf32, #tpu.memory_space<vmem_shared>>) dst(%dma_wait3A_170 : memref<632x128xf32, #tpu.memory_space<hbm>>)
      tpu.yield
    }) : () -> ()
    return
  }
}

module attributes {stable_mosaic.version = 14 : i64} {
  func.func @_tc_mid_body(%arg0: memref<10000x128xf32, #tpu.memory_space<vmem>>, %arg1: memref<2x10112x128xf32, #tpu.memory_space<vmem>>, %arg2: memref<20224xf32, #tpu.memory_space<vmem>>, %arg3: memref<128x128xf32, #tpu.memory_space<vmem>>, %arg4: memref<128x128xf32, #tpu.memory_space<vmem>>, %arg5: memref<128xf32, #tpu.memory_space<vmem>>, %arg6: memref<128xf32, #tpu.memory_space<vmem>>, %arg7: memref<128xf32, #tpu.memory_space<vmem>>, %arg8: memref<10000x128xf32, #tpu.memory_space<vmem>>) attributes {dimension_semantics = [], scalar_prefetch = 0 : i64, scratch_operands = 0 : i64, tpu.core_type = #tpu.core_type<tc>} {
    %get3A = arith.constant 0 : index
    %get3A_0 = vector.load %arg2[%get3A] : memref<20224xf32, #tpu.memory_space<vmem>>, vector<10000xf32>
    %get3A_1 = arith.constant 10112 : index
    %get3A_2 = vector.load %arg2[%get3A_1] : memref<20224xf32, #tpu.memory_space<vmem>>, vector<10000xf32>
    %add3A = arith.addf %get3A_0, %get3A_2 : vector<10000xf32>
    %max3A = arith.constant 1.000000e+00 : f32
    %max3A_3 = vector.broadcast %max3A : f32 to vector<10000xf32>
    %max3A_4 = arith.maximumf %add3A, %max3A_3 : vector<10000xf32>
    %get3A_5 = arith.constant 0 : index
    %get3A_6 = arith.constant 0 : index
    %get3A_7 = arith.constant 0 : index
    %get3A_8 = vector.load %arg1[%get3A_5, %get3A_6, %get3A_7] : memref<2x10112x128xf32, #tpu.memory_space<vmem>>, vector<1x10000x128xf32>
    %get3A_9 = vector.shape_cast %get3A_8 : vector<1x10000x128xf32> to vector<10000x128xf32>
    %get3A_10 = arith.constant 1 : index
    %get3A_11 = arith.constant 0 : index
    %get3A_12 = arith.constant 0 : index
    %get3A_13 = vector.load %arg1[%get3A_10, %get3A_11, %get3A_12] : memref<2x10112x128xf32, #tpu.memory_space<vmem>>, vector<1x10000x128xf32>
    %get3A_14 = vector.shape_cast %get3A_13 : vector<1x10000x128xf32> to vector<10000x128xf32>
    %add3A_15 = arith.addf %get3A_9, %get3A_14 : vector<10000x128xf32>
    %broadcast_in_dim3A = vector.shape_cast %max3A_4 : vector<10000xf32> to vector<10000x1xf32>
    %div3A = vector.broadcast %broadcast_in_dim3A : vector<10000x1xf32> to vector<10000x128xf32>
    %div3A_16 = arith.divf %add3A_15, %div3A : vector<10000x128xf32>
    %get3A_17 = arith.constant 0 : index
    %get3A_18 = arith.constant 0 : index
    %get3A_19 = vector.load %arg0[%get3A_17, %get3A_18] : memref<10000x128xf32, #tpu.memory_space<vmem>>, vector<10000x128xf32>
    %get3A_20 = arith.constant 0 : index
    %get3A_21 = arith.constant 0 : index
    %get3A_22 = vector.load %arg3[%get3A_20, %get3A_21] : memref<128x128xf32, #tpu.memory_space<vmem>>, vector<128x128xf32>
    %dot_general3A = arith.constant dense<0.000000e+00> : vector<10000x128xf32>
    %dot_general3A_23 = tpu.matmul %get3A_19, %get3A_22, %dot_general3A {dimension_numbers = #tpu.dot_dimension_numbers<[1], [0], [0], [1], [0, 0, 1, 1], [], []>, transpose_lhs_hint = false} : vector<10000x128xf32>, vector<128x128xf32>, vector<10000x128xf32> -> vector<10000x128xf32>
    %get3A_24 = arith.constant 0 : index
    %get3A_25 = arith.constant 0 : index
    %get3A_26 = vector.load %arg4[%get3A_24, %get3A_25] : memref<128x128xf32, #tpu.memory_space<vmem>>, vector<128x128xf32>
    %dot_general3A_27 = arith.constant dense<0.000000e+00> : vector<10000x128xf32>
    %dot_general3A_28 = tpu.matmul %div3A_16, %get3A_26, %dot_general3A_27 {dimension_numbers = #tpu.dot_dimension_numbers<[1], [0], [0], [1], [0, 0, 1, 1], [], []>, transpose_lhs_hint = false} : vector<10000x128xf32>, vector<128x128xf32>, vector<10000x128xf32> -> vector<10000x128xf32>
    %add3A_29 = arith.addf %dot_general3A_23, %dot_general3A_28 : vector<10000x128xf32>
    %get3A_30 = arith.constant 0 : index
    %get3A_31 = vector.load %arg5[%get3A_30] : memref<128xf32, #tpu.memory_space<vmem>>, vector<128xf32>
    %broadcast_in_dim3A_32 = vector.shape_cast %get3A_31 : vector<128xf32> to vector<1x128xf32>
    %add3A_33 = vector.broadcast %broadcast_in_dim3A_32 : vector<1x128xf32> to vector<10000x128xf32>
    %add3A_34 = arith.addf %add3A_29, %add3A_33 : vector<10000x128xf32>
    %reduce_sum3A = arith.constant dense<0.000000e+00> : vector<128xf32>
    %reduce_sum3A_35 = vector.multi_reduction <add>, %add3A_34, %reduce_sum3A [0] : vector<10000x128xf32> to vector<128xf32>
    %div3A_36 = arith.constant 1.000000e+04 : f32
    %div3A_37 = vector.broadcast %div3A_36 : f32 to vector<128xf32>
    %div3A_38 = arith.divf %reduce_sum3A_35, %div3A_37 : vector<128xf32>
    %mul3A = arith.mulf %add3A_34, %add3A_34 : vector<10000x128xf32>
    %reduce_sum3A_39 = arith.constant dense<0.000000e+00> : vector<128xf32>
    %reduce_sum3A_40 = vector.multi_reduction <add>, %mul3A, %reduce_sum3A_39 [0] : vector<10000x128xf32> to vector<128xf32>
    %div3A_41 = arith.constant 1.000000e+04 : f32
    %div3A_42 = vector.broadcast %div3A_41 : f32 to vector<128xf32>
    %div3A_43 = arith.divf %reduce_sum3A_40, %div3A_42 : vector<128xf32>
    %mul3A_44 = arith.mulf %div3A_38, %div3A_38 : vector<128xf32>
    %sub3A = arith.subf %div3A_43, %mul3A_44 : vector<128xf32>
    %broadcast_in_dim3A_45 = vector.shape_cast %div3A_38 : vector<128xf32> to vector<1x128xf32>
    %sub3A_46 = vector.broadcast %broadcast_in_dim3A_45 : vector<1x128xf32> to vector<10000x128xf32>
    %sub3A_47 = arith.subf %add3A_34, %sub3A_46 : vector<10000x128xf32>
    %add3A_48 = arith.constant 9.99999974E-6 : f32
    %add3A_49 = vector.broadcast %add3A_48 : f32 to vector<128xf32>
    %add3A_50 = arith.addf %sub3A, %add3A_49 : vector<128xf32>
    %rsqrt3A = math.rsqrt %add3A_50 : vector<128xf32>
    %broadcast_in_dim3A_51 = vector.shape_cast %rsqrt3A : vector<128xf32> to vector<1x128xf32>
    %mul3A_52 = vector.broadcast %broadcast_in_dim3A_51 : vector<1x128xf32> to vector<10000x128xf32>
    %mul3A_53 = arith.mulf %sub3A_47, %mul3A_52 : vector<10000x128xf32>
    %get3A_54 = arith.constant 0 : index
    %get3A_55 = vector.load %arg6[%get3A_54] : memref<128xf32, #tpu.memory_space<vmem>>, vector<128xf32>
    %broadcast_in_dim3A_56 = vector.shape_cast %get3A_55 : vector<128xf32> to vector<1x128xf32>
    %mul3A_57 = vector.broadcast %broadcast_in_dim3A_56 : vector<1x128xf32> to vector<10000x128xf32>
    %mul3A_58 = arith.mulf %mul3A_53, %mul3A_57 : vector<10000x128xf32>
    %get3A_59 = arith.constant 0 : index
    %get3A_60 = vector.load %arg7[%get3A_59] : memref<128xf32, #tpu.memory_space<vmem>>, vector<128xf32>
    %broadcast_in_dim3A_61 = vector.shape_cast %get3A_60 : vector<128xf32> to vector<1x128xf32>
    %add3A_62 = vector.broadcast %broadcast_in_dim3A_61 : vector<1x128xf32> to vector<10000x128xf32>
    %add3A_63 = arith.addf %mul3A_58, %add3A_62 : vector<10000x128xf32>
    %max3A_64 = arith.constant 0.000000e+00 : f32
    %max3A_65 = vector.broadcast %max3A_64 : f32 to vector<10000x128xf32>
    %max3A_66 = arith.maximumf %add3A_63, %max3A_65 : vector<10000x128xf32>
    %swap3A = arith.constant 0 : index
    %swap3A_67 = arith.constant 0 : index
    %swap3A_68 = vector.load %arg8[%swap3A, %swap3A_67] : memref<10000x128xf32, #tpu.memory_space<vmem>>, vector<10000x128xf32>
    tpu.vector_store %arg8[%swap3A, %swap3A_67], %max3A_66 {strides = array<i32>} : memref<10000x128xf32, #tpu.memory_space<vmem>>, vector<10000x128xf32>,
    return
  }
}

module attributes {stable_mosaic.version = 14 : i64} {
  func.func @_tc_final_body(%arg0: memref<10000x128xf32, #tpu.memory_space<vmem>>, %arg1: memref<2x10112x128xf32, #tpu.memory_space<vmem>>, %arg2: memref<20224xf32, #tpu.memory_space<vmem>>, %arg3: memref<128x128xf32, #tpu.memory_space<vmem>>, %arg4: memref<128x128xf32, #tpu.memory_space<vmem>>, %arg5: memref<128xf32, #tpu.memory_space<vmem>>, %arg6: memref<10000x128xf32, #tpu.memory_space<vmem>>) attributes {dimension_semantics = [], scalar_prefetch = 0 : i64, scratch_operands = 0 : i64, tpu.core_type = #tpu.core_type<tc>} {
    %get3A = arith.constant 0 : index
    %get3A_0 = vector.load %arg2[%get3A] : memref<20224xf32, #tpu.memory_space<vmem>>, vector<10000xf32>
    %get3A_1 = arith.constant 10112 : index
    %get3A_2 = vector.load %arg2[%get3A_1] : memref<20224xf32, #tpu.memory_space<vmem>>, vector<10000xf32>
    %add3A = arith.addf %get3A_0, %get3A_2 : vector<10000xf32>
    %max3A = arith.constant 1.000000e+00 : f32
    %max3A_3 = vector.broadcast %max3A : f32 to vector<10000xf32>
    %max3A_4 = arith.maximumf %add3A, %max3A_3 : vector<10000xf32>
    %get3A_5 = arith.constant 0 : index
    %get3A_6 = arith.constant 0 : index
    %get3A_7 = arith.constant 0 : index
    %get3A_8 = vector.load %arg1[%get3A_5, %get3A_6, %get3A_7] : memref<2x10112x128xf32, #tpu.memory_space<vmem>>, vector<1x10000x128xf32>
    %get3A_9 = vector.shape_cast %get3A_8 : vector<1x10000x128xf32> to vector<10000x128xf32>
    %get3A_10 = arith.constant 1 : index
    %get3A_11 = arith.constant 0 : index
    %get3A_12 = arith.constant 0 : index
    %get3A_13 = vector.load %arg1[%get3A_10, %get3A_11, %get3A_12] : memref<2x10112x128xf32, #tpu.memory_space<vmem>>, vector<1x10000x128xf32>
    %get3A_14 = vector.shape_cast %get3A_13 : vector<1x10000x128xf32> to vector<10000x128xf32>
    %add3A_15 = arith.addf %get3A_9, %get3A_14 : vector<10000x128xf32>
    %broadcast_in_dim3A = vector.shape_cast %max3A_4 : vector<10000xf32> to vector<10000x1xf32>
    %div3A = vector.broadcast %broadcast_in_dim3A : vector<10000x1xf32> to vector<10000x128xf32>
    %div3A_16 = arith.divf %add3A_15, %div3A : vector<10000x128xf32>
    %get3A_17 = arith.constant 0 : index
    %get3A_18 = arith.constant 0 : index
    %get3A_19 = vector.load %arg0[%get3A_17, %get3A_18] : memref<10000x128xf32, #tpu.memory_space<vmem>>, vector<10000x128xf32>
    %get3A_20 = arith.constant 0 : index
    %get3A_21 = arith.constant 0 : index
    %get3A_22 = vector.load %arg3[%get3A_20, %get3A_21] : memref<128x128xf32, #tpu.memory_space<vmem>>, vector<128x128xf32>
    %dot_general3A = arith.constant dense<0.000000e+00> : vector<10000x128xf32>
    %dot_general3A_23 = tpu.matmul %get3A_19, %get3A_22, %dot_general3A {dimension_numbers = #tpu.dot_dimension_numbers<[1], [0], [0], [1], [0, 0, 1, 1], [], []>, transpose_lhs_hint = false} : vector<10000x128xf32>, vector<128x128xf32>, vector<10000x128xf32> -> vector<10000x128xf32>
    %get3A_24 = arith.constant 0 : index
    %get3A_25 = arith.constant 0 : index
    %get3A_26 = vector.load %arg4[%get3A_24, %get3A_25] : memref<128x128xf32, #tpu.memory_space<vmem>>, vector<128x128xf32>
    %dot_general3A_27 = arith.constant dense<0.000000e+00> : vector<10000x128xf32>
    %dot_general3A_28 = tpu.matmul %div3A_16, %get3A_26, %dot_general3A_27 {dimension_numbers = #tpu.dot_dimension_numbers<[1], [0], [0], [1], [0, 0, 1, 1], [], []>, transpose_lhs_hint = false} : vector<10000x128xf32>, vector<128x128xf32>, vector<10000x128xf32> -> vector<10000x128xf32>
    %add3A_29 = arith.addf %dot_general3A_23, %dot_general3A_28 : vector<10000x128xf32>
    %get3A_30 = arith.constant 0 : index
    %get3A_31 = vector.load %arg5[%get3A_30] : memref<128xf32, #tpu.memory_space<vmem>>, vector<128xf32>
    %broadcast_in_dim3A_32 = vector.shape_cast %get3A_31 : vector<128xf32> to vector<1x128xf32>
    %add3A_33 = vector.broadcast %broadcast_in_dim3A_32 : vector<1x128xf32> to vector<10000x128xf32>
    %add3A_34 = arith.addf %add3A_29, %add3A_33 : vector<10000x128xf32>
    %reduce_max3A = arith.constant dense<0xFF800000> : vector<10000xf32>
    %reduce_max3A_35 = vector.multi_reduction <maximumf>, %add3A_34, %reduce_max3A [1] : vector<10000x128xf32> to vector<10000xf32>
    %broadcast_in_dim3A_36 = vector.shape_cast %reduce_max3A_35 : vector<10000xf32> to vector<10000x1xf32>
    %sub3A = vector.broadcast %broadcast_in_dim3A_36 : vector<10000x1xf32> to vector<10000x128xf32>
    %sub3A_37 = arith.subf %add3A_34, %sub3A : vector<10000x128xf32>
    %exp3A = math.exp %sub3A_37 : vector<10000x128xf32>
    %reduce_sum3A = arith.constant dense<0.000000e+00> : vector<10000xf32>
    %reduce_sum3A_38 = vector.multi_reduction <add>, %exp3A, %reduce_sum3A [1] : vector<10000x128xf32> to vector<10000xf32>
    %broadcast_in_dim3A_39 = vector.shape_cast %reduce_sum3A_38 : vector<10000xf32> to vector<10000x1xf32>
    %log3A = math.log %broadcast_in_dim3A_39 : vector<10000x1xf32>
    %add3A_40 = arith.addf %log3A, %broadcast_in_dim3A_36 : vector<10000x1xf32>
    %sub3A_41 = vector.broadcast %add3A_40 : vector<10000x1xf32> to vector<10000x128xf32>
    %sub3A_42 = arith.subf %add3A_34, %sub3A_41 : vector<10000x128xf32>
    %swap3A = arith.constant 0 : index
    %swap3A_43 = arith.constant 0 : index
    %swap3A_44 = vector.load %arg6[%swap3A, %swap3A_43] : memref<10000x128xf32, #tpu.memory_space<vmem>>, vector<10000x128xf32>
    tpu.vector_store %arg6[%swap3A, %swap3A_43], %sub3A_42 {strides = array<i32>} : memref<10000x128xf32, #tpu.memory_space<vmem>>, vector<10000x128xf32>,
    return
  }
}

</mosaic_0001>

<sc_bundles>
// kernel: kernel.11.cloned.1.call-start
scs
__scs_entry_jumppad:
0x0: {  	(pc) =	sbr.rel $0x88, $3  }
0x1: {  	(tag) =	ssettag $0x0;
	lr =	simm.s32 $0x1  }
0x2: {  	[smem:$0x3F92] =	sst lr;
	_ =	strace $0xD0000000  }
0x3: {  	_ = 	snop  }
0x4: {  	_ = 	snop  }
0x5: {  	_ = 	snop  }
0x6: {  	_ = 	snop  }
0x7: {  	_ = 	snop  }
__scs_overlays_trampoline_lowered:
0x8: {  	[smem:$0x3FA1] =	sst s0  }
0x9: {  	[smem:$0x3FA2] =	sst s1  }
0xa: {  	[smem:$0x3FA3] =	sst s2  }
0xb: {  	[smem:$0x3FA4] =	sst s3  }
0xc: {  	[smem:$0x3FA5] =	sst s4  }
0xd: {  	[smem:$0x3FA6] =	sst s5  }
0xe: {  	[smem:$0x3FA7] =	sst s6  }
0xf: {  	[smem:$0x3FA8] =	sst s7  }
0x10: {  	[smem:$0x3FA9] =	sst s8  }
0x11: {  	[smem:$0x3FAA] =	sst s9;
	s0 =	simm.s32 @!p0 $0x0  }
0x12: {  	s1 =	sld [smem:$0x3F90];
	s0 =	simm.s32 @p0 $0x1  }
0x13: {  	[smem:$0x3FAB] =	sst s0;
	s0 =	simm.s32 @!p1 $0x0  }
0x14: {  	s2 =	sld [smem:$0x3F8F];
	s0 =	simm.s32 @p1 $0x1  }
0x15: {  	[smem:$0x3FAC] =	sst s0;
	s0 =	simm.s32 @!p2 $0x0  }
0x16: {  	s3 =	sld [smem:$0x3FDB];
	s0 =	simm.s32 @p2 $0x1  }
0x17: {  	s4 =	simm.s32 $0x1BF5;
	[smem:$0x3FAE] =	sst s0  }
0x18: {  	s0 =	sld [smem:$0x3F91];
	_ =	swait.ge [sflag:s4], $0x0  }
0x19: {  	s7 =	sld [smem:$0x3F92]  }
0x1a: {  	s8 =	sadd.s32 $0xFFFFE003, lr  }
0x1b: {  	s9 =	sadd.s32 $0xFFFFFEF7, lr;
	s5 =	simm.s32 $0xFFFFFFFF;
	p2 =	slt.u32 s8, $0xFFFFF086  }
0x1c: {  	p1 =	slt.u32 s9, $0xF7A;
	s5 =	simm.s32 @!p2 $0x0  }
0x1d: {  	s5 =	simm.s32 @p1 $0x1;
	p0 =	seq.s32 s7, s2  }
0x1e: {  	s7 =	smul.u32 @!p0 $0xF7A, s2;
	p2 =	seq.s32 @!p0 s5, $0x0  }
0x1f: {  	s9 =	smul.u32 $0xF7A, s1;
	s8 =	simm.s32 @!p0 $0x1BF5;
	p2 =	por !p2, p0  }
0x20: {  	[sflag:s8] =	ssyncset.s32 @!p0 $0xFFFFF086;
	s6 =	sadd.s32 @!p0 s3, s7;
	s7 =	simm.s32 @!p0 $0x108  }
0x21: {  	s3 =	sadd.s32 s3, s9;
	s6 =	sadd.s32 @!p0 $0x88, s6;
	s7 =	simm.s32 @p2 $0x1082  }
0x22: {  	[simem:s7], [sflag:s8] =	dma.local @!p0 [hbm:s6], $0xF7A  }
0x23: {  	s9 =	sor.u32 $0xD0000000, s2;
	s6 =	simm.s32 $0x108;
	_ =	swait.ge @!p0 [sflag:s8], $0x0  }
0x24: {  	s3 =	sadd.s32 $0x88, s3;
	s6 =	simm.s32 @!p1 $0x1082;
	[sflag:s4] =	ssyncset.s32 $0xFFFFF086  }
0x25: {  	[simem:s6], [sflag:s4] =	dma.local [hbm:s3], $0xF7A  }
0x26: {  	[smem:$0x3F92] =	sst s1;
	(tag) =	ssettag s2;
	_ =	strace s9  }
0x27: {  	s1 =	sld [smem:$0x3FA2]  }
0x28: {  	s2 =	sld [smem:$0x3FA3]  }
0x29: {  	s4 =	sld [smem:$0x3FA5]  }
0x2a: {  	p0 =	seq.s32 s5, $0x0;
	s5 =	sld [smem:$0x3FA6]  }
0x2b: {  	s6 =	sld [smem:$0x3FA7]  }
0x2c: {  	s7 =	sld [smem:$0x3FA8]  }
0x2d: {  	s3 =	simm.s32 $0x108;
	s8 =	sld [smem:$0x3FA9]  }
0x2e: {  	s3 =	simm.s32 @!p0 $0x1082;
	s9 =	sld [smem:$0x3FAA]  }
0x2f: {  	lr =	sadd.s32 s0, s3;
	s0 =	sld [smem:$0x3FA1]  }
0x30: {  	s3 =	sld [smem:$0x3FA4]  }
0x31: {  	[smem:$0x3FAD] =	sst s10  }
0x32: {  	s10 =	sld [smem:$0x3FAB];
	_ =	sdelay $0x3  }
0x33: {  	p0 =	seq.s32 s10, $0x1;
	s10 =	sld [smem:$0x3FAD];
	_ =	sdelay $0x3  }
0x34: {  	[smem:$0x3FAD] =	sst s10  }
0x35: {  	s10 =	sld [smem:$0x3FAC];
	_ =	sdelay $0x3  }
0x36: {  	p1 =	seq.s32 s10, $0x1;
	s10 =	sld [smem:$0x3FAD];
	_ =	sdelay $0x3  }
0x37: {  	[smem:$0x3FAD] =	sst s10  }
0x38: {  	s10 =	sld [smem:$0x3FAE]  }
0x39: {  	_ = 	snop;
	(pc) =	sbr.ind lr, $3  }
0x3a: {  	_ = 	snop  }
0x3b: {  	_ = 	snop  }
0x3c: {  	p2 =	seq.s32 s10, $0x1;
	s10 =	sld [smem:$0x3FAD]  }
0x3d: {  	_ =	shalt  }
0x3e: {  	_ =	shalt  }
0x3f: {  	_ =	shalt  }
0x40: {  	_ =	shalt  }
0x41: {  	_ =	shalt  }
0x42: {  	_ =	shalt  }
0x43: {  	_ =	shalt  }
0x44: {  	_ =	shalt  }
0x45: {  	_ =	shalt  }
0x46: {  	_ =	shalt  }
0x47: {  	_ =	shalt  }
0x48: {  	_ =	shalt  }
0x49: {  	_ =	shalt  }
0x4a: {  	_ =	shalt  }
0x4b: {  	_ =	shalt  }
0x4c: {  	_ =	shalt  }
0x4d: {  	_ =	shalt  }
0x4e: {  	_ =	shalt  }
0x4f: {  	_ =	shalt  }
0x50: {  	_ =	shalt  }
0x51: {  	_ =	shalt  }
0x52: {  	_ =	shalt  }
0x53: {  	_ =	shalt  }
0x54: {  	_ =	shalt  }
0x55: {  	_ =	shalt  }
0x56: {  	_ =	shalt  }
0x57: {  	_ =	shalt  }
0x58: {  	_ =	shalt  }
0x59: {  	_ =	shalt  }
0x5a: {  	_ =	shalt  }
0x5b: {  	_ =	shalt  }
0x5c: {  	_ =	shalt  }
0x5d: {  	_ =	shalt  }
0x5e: {  	_ =	shalt  }
0x5f: {  	_ =	shalt  }
0x60: {  	_ =	shalt  }
0x61: {  	_ =	shalt  }
0x62: {  	_ =	shalt  }
0x63: {  	_ =	shalt  }
0x64: {  	_ =	shalt  }
0x65: {  	_ =	shalt  }
0x66: {  	_ =	shalt  }
0x67: {  	_ =	shalt  }
0x68: {  	_ =	shalt  }
0x69: {  	_ =	shalt  }
0x6a: {  	_ =	shalt  }
0x6b: {  	_ =	shalt  }
0x6c: {  	_ =	shalt  }
0x6d: {  	_ =	shalt  }
0x6e: {  	_ =	shalt  }
0x6f: {  	_ =	shalt  }
0x70: {  	_ =	shalt  }
0x71: {  	_ =	shalt  }
0x72: {  	_ =	shalt  }
0x73: {  	_ =	shalt  }
0x74: {  	_ =	shalt  }
0x75: {  	_ =	shalt  }
0x76: {  	_ =	shalt  }
0x77: {  	_ =	shalt  }
0x78: {  	_ =	shalt  }
0x79: {  	_ =	shalt  }
0x7a: {  	_ =	shalt  }
0x7b: {  	_ =	shalt  }
0x7c: {  	_ =	shalt  }
0x7d: {  	_ =	shalt  }
0x7e: {  	_ =	shalt  }
0x7f: {  	_ =	shalt  }
0x80: {  	_ =	shalt  }
0x81: {  	_ =	shalt  }
0x82: {  	_ =	shalt  }
0x83: {  	_ =	shalt  }
0x84: {  	_ =	shalt  }
0x85: {  	_ =	shalt  }
0x86: {  	_ =	shalt  }
0x87: {  	_ =	shalt  }
.Lfunc_end0:
.L_simem_size_0:
called_computation.1_lowered:
.L_overlay_start_0:
0x88: {  	s2 =	sld [smem:$0x3FD9]  }
0x89: {  	s3 =	sld [smem:$0x3FFE];
	_ =	sdelay $0x1  }
0x8a: {  	s1 =	srdreg.scid  }
0x8b: {  	s0 =	sand.u32 $0x1, s1  }
0x8c: {  	s17 =	sshll.u32 s0, $0xA;
	s2 =	sadd.s32 s3, s2  }
0x8d: {  	s2 =	sadd.s32 s2, s17  }
0x8e: {  	[smem:$0x3FB9] =	sst s2  }
0x8f: {  	_ = 	snop  }
0x90: {  	s2 =	sld [smem:$0x3FD0];
	(tm) =	ssettm $0x1  }
0x91: {  	s18 =	sld [smem:$0x3FFB];
	_ =	sdelay $0x3  }
0x92: {  	_ =	strace s18  }
0x93: {  	s3 =	sld [smem:$0x3FFC];
	_ =	sdelay $0x3  }
0x94: {  	_ =	strace s3  }
0x95: {  	s3 =	sld [smem:$0x3FFD];
	_ =	sdelay $0x3  }
0x96: {  	_ =	strace s3  }
0x97: {  	_ =	strace $0x8FFFFFFF  }
0x98: {  	s19 =	sld [smem:$0x3FDB];
	_ =	sdelay $0x1  }
0x99: {  	s4 =	simm.s32 $_scs_section_size  }
0x9a: {  	s5 =	simm.s32 $_size__tile_overlayer_lowered;
	s6 =	simm.s32 $_tile_overlayer_lowered  }
0x9b: {  	s22 =	simm.s32 $0x1BFF;
	s21 =	sshll.u32 s6, $0x1;
	s3 =	sadd.s32 s4, s19  }
0x9c: {  	s7 =	simm.s32 $0x0;
	s20 =	sshll.u32 s5, $0x1;
	s5 =	sadd.s32 s21, s3  }
0x9d: {  	[timem:s7], [sflag:s22] =	dma.local [hbm:s5], s20  }
0x9e: {  	_ =	swait.ge [sflag:s22], s20  }
0x9f: {  	s4 =	ssub.s32 $0x0, s20;
	[sflag:s22] =	ssyncset.done $0x0  }
0xa0: {  	[sflag:s22] =	ssyncadd.s32 s4;
	_ =	sdelay $0x1  }
0xa1: {  	s23 =	simm.s32 $0x1B8B  }
0xa2: {  	_ =	swait.ge [sflag:s23], $0x1  }
0xa3: {  	[sflag:s23] =	ssyncset.done $0x0  }
0xa4: {  	s25 =	simm.s32 $0x1B8E;
	s24 =	sld [smem:$0x3FFE];
	[sflag:s23] =	ssyncadd.s32 $0xFFFFFFFF  }
0xa5: {  	s26 =	simm.s32 $execute0_lowered;
	[smem:$0x3FD2] =	sst s25  }
0xa6: {  	s5 =	sshll.u32 s26, $0x1;
	_ =	strace $0x80000049;
	[dreg:$0x1] =	wrdreg $0xFFFFFFFF  }
0xa7: {  	s28 =	simm.s32 $_size_execute0_lowered;
	s3 =	sadd.s32 s3, s5;
	[dreg:$0x0] =	wrdreg $0x0  }
0xa8: {  	s5 =	sshll.u32 s28, $0x1;
	[dreg:$0x2] =	wrdreg s3  }
0xa9: {  	[dreg:$0x3] =	wrdreg s5  }
0xaa: {  	[dreg:$0x4] =	wrdreg $0xC0  }
0xab: {  	_ =	task [dreg:s7], $0x5FFFF  }
0xac: {  	[dreg:$0x1] =	wrdreg $0xFFFFFFFF  }
0xad: {  	[dreg:$0x0] =	wrdreg $0x60  }
0xae: {  	[dreg:$0x2] =	wrdreg s2  }
0xaf: {  	[dreg:$0x3] =	wrdreg s24  }
0xb0: {  	[dreg:$0x4] =	wrdreg $0x0  }
0xb1: {  	[dreg:$0x5] =	wrdreg $0x9  }
0xb2: {  	_ =	task.clear_ibuf [dreg:s7], $0x6FFFF;
	_ =	strace $0x90000049  }
0xb3: {  	s29 =	simm.s32 $0x9;
	_ =	strace $0x8000004B  }
0xb4: {  	_ =	swait.ge [sflag:s29], $0x1  }
0xb5: {  	[sflag:s29] =	ssyncadd.s32 $0xFFFFFFFF  }
0xb6: {  	_ =	strace $0x9000004B  }
0xb7: {  	_ =	sfence  }
0xb8: {  	s30 =	sld [smem:$0x0];
	_ =	sdelay $0x2  }
0xb9: {  	s31 =	sshll.u32 s1, $0xD;
	s1 =	sshrl.u32 s1, $0x2  }
0xba: {  	s3 =	sand.u32 $0x4000, s31;
	s1 =	sadd.s32 s1, s30  }
0xbb: {  	s0 =	sor.u32 s3, s0;
	s1 =	sshll.u32 s1, $0x11  }
0xbc: {  	s0 =	sor.u32 s1, s0  }
0xbd: {  	s0 =	sadd.s32 $0x8F2B, s0  }
0xbe: {  	[sflag:s0] =	ssyncadd.remote.s32 $0x1  }
0xbf: {  	_ =	sfence.sel $0xFFFF  }
0xc0: {  	[dreg:$0x0] =	wrdreg $0xFFFFFFFF;
	(pc) =	sbr.abs _section_cstart, $3  }
0xc1: {  	[dreg:$0x1] =	wrdreg $0xFFFFFFFF  }
0xc2: {  	_ =	task.clear_ibuf [dreg:s7], $0x2FFFF;
	_ =	strace $0x9FFFFFFF  }
0xc3: {  	(tm) =	ssettm $0x7FFFFFFF  }
tec
execute0_lowered:
.L_overlay_start_1:
0x0: {  	(tag) =	ssettag $0x1  }
0x1: {  	s2 =	rddreg [dreg:$0x0]  }
0x2: {  	s0 =	rddreg [dreg:$0x1]  }
0x3: {  	s3 =	rddreg [dreg:$0x2]  }
0x4: {  	s13 =	stileid.u32;
	s1 =	srdreg.scid;
	s4 =	simm.s32 $0x0  }
0x5: {  	s28 =	simm.s32 $0x13F00;
	s29 =	simm.s32 $0x2;
	s30 =	simm.s32 $0x17B00  }
0x6: {  	s31 =	simm.s32 $0x4;
	s5 =	smul.u32 $0x13C00, s13;
	s1 =	sand.u32 $0x1, s1  }
0x7: {  	[smem:$0x7FF] =	sst s4;
	s8 =	sadd.s32 $0x3E00, s0;
	s12 =	smul.u32 $0x4F000, s13  }
0x8: {  	s9 =	sadd.s32 $0xE000, s0;
	s10 =	sshll.u32 s13, $0x1;
	s21 =	smul.u32 $0xA14, s13  }
0x9: {  	s26 =	sshll.u32 s13, $0x6;
	s13 =	simm.s32 $0x0;
	s6 =	smul.u32 $0x13C000, s1  }
0xa: {  	s23 =	ssub.s32 $0x2, s1;
	s10 =	sor.u32 s1, s10;
	s1 =	smul.u32 $0x50A, s1  }
0xb: {  	_ =	strace $0x8000004A;
	s7 =	sshrl.u32 s5, $0x3;
	s24 =	smul.u32 $0x50A, s10  }
0xc: {  	s11 =	sshrl.u32 s23, $0x1;
	s10 =	smul.u32 $0x2850, s10;
	s5 =	sadd.s32 s5, s6  }
0xd: {  	s25 =	sshrl.u32 s12, $0x2;
	s7 =	sadd.s32 s7, s0;
	s5 =	sshrl.u32 s5, $0x3  }
0xe: {  	s7 =	sadd.s32 $0x18400, s7;
	s12 =	sadd.s32 s8, s24;
	s14 =	sadd.s32 $0x78, s10  }
0xf: {  	s15 =	sshrl.u32 s10, $0x3;
	s6 =	sadd.s32 s9, s24;
	s10 =	sadd.s32 $0x27D8, s10  }
0x10: {  	s0 =	sadd.s32 s5, s0;
	s5 =	ssub.s32 s23, s11;
	[dreg:$0x7] =	wrdreg s7  }
0x11: {  	s11 =	sadd.s32 s25, s3;
	s7 =	sor.u32 $0x1C0A, s26;
	[dreg:$0x8] =	wrdreg s12  }
0x12: {  	[dreg:$0x9] =	wrdreg s6;
	s16 =	sshrl.u32 s14, $0x3;
	s17 =	sadd.s32 $0x1E, s15  }
0x13: {  	s20 =	sadd.s32 $0x4EC, s15;
	[dreg:$0x6] =	wrdreg s11;
	s14 =	sadd.s32 s8, s16  }
0x14: {  	s22 =	sshrl.u32 s10, $0x3;
	s6 =	sadd.s32 s9, s16;
	[dreg:$0xa] =	wrdreg s14  }
0x15: {  	s23 =	sadd.s32 s21, s8;
	s18 =	sadd.s32 s8, s17;
	[dreg:$0xb] =	wrdreg s6  }
0x16: {  	s25 =	sadd.s32 s21, s9;
	s19 =	sadd.s32 s9, s17;
	[dreg:$0xc] =	wrdreg s18  }
0x17: {  	s21 =	simm.s32 $0x13C00;
	s12 =	sadd.s32 s8, s20;
	[dreg:$0xd] =	wrdreg s19  }
0x18: {  	s10 =	simm.s32 $0x6;
	s8 =	sadd.s32 s8, s22;
	[dreg:$0xe] =	wrdreg s12  }
0x19: {  	s24 =	sadd.s32 s1, s23;
	s1 =	sadd.s32 s1, s25;
	[dreg:$0x10] =	wrdreg s8  }
0x1a: {  	s0 =	sadd.s32 $0x3FC00, s0;
	s26 =	smax.u32 s5, $0x1;
	[dreg:$0x4] =	wrdreg s24  }
0x1b: {  	s23 =	simm.s32 $0x13C80;
	s25 =	simm.s32 $0x1;
	[dreg:$0x12] =	wrdreg s0  }
0x1c: {  	s5 =	simm.s32 $0x3;
	s11 =	simm.s32 $0x8;
	[dreg:$0x13] =	wrdreg s26  }
0x1d: {  	s6 =	sadd.s32 s9, s20;
	[dreg:$0x5] =	wrdreg s1;
	s20 =	simm.s32 $0xA  }
0x1e: {  	s24 =	simm.s32 $0x13E00;
	s26 =	simm.s32 $0x78;
	s0 =	simm.s32 $0x13D00  }
0x1f: {  	s1 =	simm.s32 $0x13E80;
	s8 =	simm.s32 $0x5;
	s12 =	simm.s32 $0x9  }
0x20: {  	[dreg:$0xf] =	wrdreg s6;
	s6 =	sadd.s32 s9, s22;
	s22 =	simm.s32 $0x13D80  }
0x21: {  	s9 =	simm.s32 $0x7;
	[dreg:$0x11] =	wrdreg s6;
	s6 =	simm.s32 $0x1B700  }
.LBB2_1:
0x22: {  	s14 =	rddreg [dreg:$0x6]  }
0x23: {  	s15 =	rddreg [dreg:$0x7];
	s14 =	sshrl.u32 s14, $0x3  }
0x24: {  	[spmem:s14], [sflag:s7] =	dma.local [hbm:s15], $0x2780  }
0x25: {  	_ =	swait.ge [sflag:s20], $0x2780  }
0x26: {  	[sflag:s20] =	ssyncset.done $0x0  }
0x27: {  	[sflag:s20] =	ssyncadd.s32 $0xFFFFD880  }
0x28: {  	[bflag:$0x0] =	sbarrier.arrive $0xFFFF  }
0x29: {  	s16 =	rddreg [dreg:$0x8]  }
0x2a: {  	[tilespmem:s21], [sflag:$0x1] =	stream.linear.gather [hbm4b:s16+s4], $0x78, $0x38;
	[tilespmem:$0x1F300] =	vst v63  }
0x2b: {  	s17 =	rddreg [dreg:$0x9]  }
0x2c: {  	[tilespmem:s22], [sflag:$0x1] =	stream.linear.gather [hbm4b:s17+s4], $0x78, $0x38;
	[tilespmem:$0x1F300] =	vst v63  }
0x2d: {  	s18 =	rddreg [dreg:$0xa]  }
0x2e: {  	[tilespmem:s23], [sflag:$0x2] =	stream.linear.gather [hbm4b:s18+s4], $0x78, $0x38;
	[tilespmem:$0x1F300] =	vst v63  }
0x2f: {  	s19 =	rddreg [dreg:$0xb]  }
0x30: {  	[tilespmem:s24], [sflag:$0x2] =	stream.linear.gather [hbm4b:s19+s4], $0x78, $0x38;
	[tilespmem:$0x1F300] =	vst v63  }
0x31: {  	_ =	swait.ge [sflag:s25], $0x78  }
0x32: {  	[sflag:s25] =	ssyncset.done $0x0  }
0x33: {  	[sflag:s25] =	ssyncadd.s32 $0xFFFFFF88  }
0x34: {  	_ =	swait.ge [sflag:s25], $0x78  }
0x35: {  	[sflag:s25] =	ssyncset.done $0x0  }
0x36: {  	[sflag:s25] =	ssyncadd.s32 $0xFFFFFF88  }
0x37: {  	[tilespmem:s28], [sflag:$0x4] =	stream.indirect.gather [hbm4b:s2+s26], $0x80, s21, s26, $0xb8;
	[tilespmem:$0x1F300] =	vst v63  }
0x38: {  	_ =	swait.ge [sflag:s29], $0x78  }
0x39: {  	[sflag:s29] =	ssyncset.done $0x0  }
0x3a: {  	[sflag:s29] =	ssyncadd.s32 $0xFFFFFF88  }
0x3b: {  	_ =	swait.ge [sflag:s29], $0x78  }
0x3c: {  	[sflag:s29] =	ssyncset.done $0x0  }
0x3d: {  	[sflag:s29] =	ssyncadd.s32 $0xFFFFFF88  }
0x3e: {  	[tilespmem:s30], [sflag:$0x5] =	stream.indirect.gather [hbm4b:s2+s26], $0x80, s23, s26, $0xb8;
	[tilespmem:$0x1F300] =	vst v63  }
0x3f: {  	_ =	swait.ge [sflag:s31], $0x3C00  }
0x40: {  	[sflag:s31] =	ssyncset.done $0x0  }
0x41: {  	[sflag:s31] =	ssyncadd.s32 $0xFFFFC400  }
0x42: {  	[spmem:s3] =	stream.indirect.scatter.add.f32 [tilespmem:s28], [sflag:$0x7], $0x80, s22, s26, $0xb8;
	[tilespmem:$0x1F300] =	vst v63  }
0x43: {  	s16 =	rddreg [dreg:$0xc]  }
0x44: {  	[tilespmem:s0], [sflag:$0x3] =	stream.linear.gather [hbm4b:s16+s4], $0x78, $0x38;
	[tilespmem:$0x1F300] =	vst v63  }
0x45: {  	s17 =	rddreg [dreg:$0xd]  }
0x46: {  	[tilespmem:s1], [sflag:$0x3] =	stream.linear.gather [hbm4b:s17+s4], $0x78, $0x38;
	[tilespmem:$0x1F300] =	vst v63  }
0x47: {  	_ =	swait.ge [sflag:s5], $0x78  }
0x48: {  	[sflag:s5] =	ssyncset.done $0x0  }
0x49: {  	[sflag:s5] =	ssyncadd.s32 $0xFFFFFF88  }
0x4a: {  	_ =	swait.ge [sflag:s5], $0x78  }
0x4b: {  	[sflag:s5] =	ssyncset.done $0x0  }
0x4c: {  	[sflag:s5] =	ssyncadd.s32 $0xFFFFFF88  }
0x4d: {  	[tilespmem:s6], [sflag:$0x6] =	stream.indirect.gather [hbm4b:s2+s26], $0x80, s0, s26, $0xb8;
	[tilespmem:$0x1F300] =	vst v63  }
0x4e: {  	_ =	swait.ge [sflag:s8], $0x3C00  }
0x4f: {  	[sflag:s8] =	ssyncset.done $0x0  }
0x50: {  	[sflag:s8] =	ssyncadd.s32 $0xFFFFC400  }
0x51: {  	[spmem:s3] =	stream.indirect.scatter.add.f32 [tilespmem:s30], [sflag:$0x8], $0x80, s24, s26, $0xb8;
	[tilespmem:$0x1F300] =	vst v63  }
0x52: {  	_ =	swait.ge [sflag:s9], $0x3C00  }
0x53: {  	s18 =	rddreg [dreg:$0x4]  }
0x54: {  	s16 =	rddreg [dreg:$0x5];
	[sflag:s9] =	ssyncset.done $0x0;
	s15 =	sadd.s32 $0x0, s18  }
0x55: {  	[sflag:s9] =	ssyncadd.s32 $0xFFFFC400;
	s16 =	sadd.s32 $0x0, s16;
	s17 =	sadd.s32 $0x2D, s15  }
0x56: {  	[tilespmem:s21], [sflag:$0x1] =	stream.linear.gather [hbm4b:s17+s4], $0x78, $0x38;
	[tilespmem:$0x1F300] =	vst v63  }
0x57: {  	s19 =	sadd.s32 $0x2D, s16  }
0x58: {  	[tilespmem:s22], [sflag:$0x1] =	stream.linear.gather [hbm4b:s19+s4], $0x78, $0x38;
	[tilespmem:$0x1F300] =	vst v63  }
0x59: {  	_ =	swait.ge [sflag:s25], $0x78  }
0x5a: {  	[sflag:s25] =	ssyncset.done $0x0  }
0x5b: {  	[sflag:s25] =	ssyncadd.s32 $0xFFFFFF88  }
0x5c: {  	_ =	swait.ge [sflag:s25], $0x78  }
0x5d: {  	[sflag:s25] =	ssyncset.done $0x0  }
0x5e: {  	[sflag:s25] =	ssyncadd.s32 $0xFFFFFF88  }
0x5f: {  	[tilespmem:s28], [sflag:$0x4] =	stream.indirect.gather [hbm4b:s2+s26], $0x80, s21, s26, $0xb8;
	[tilespmem:$0x1F300] =	vst v63  }
0x60: {  	_ =	swait.ge [sflag:s10], $0x3C00  }
0x61: {  	[sflag:s10] =	ssyncset.done $0x0  }
0x62: {  	[sflag:s10] =	ssyncadd.s32 $0xFFFFC400  }
0x63: {  	[spmem:s3] =	stream.indirect.scatter.add.f32 [tilespmem:s6], [sflag:$0x9], $0x80, s1, s26, $0xb8;
	[tilespmem:$0x1F300] =	vst v63  }
0x64: {  	_ =	swait.ge [sflag:s11], $0x3C00  }
0x65: {  	[sflag:s11] =	ssyncset.done $0x0  }
0x66: {  	s18 =	sadd.s32 $0x3C, s15;
	[sflag:s11] =	ssyncadd.s32 $0xFFFFC400  }
0x67: {  	[tilespmem:s23], [sflag:$0x2] =	stream.linear.gather [hbm4b:s18+s4], $0x78, $0x38;
	[tilespmem:$0x1F300] =	vst v63  }
0x68: {  	s19 =	sadd.s32 $0x3C, s16  }
0x69: {  	[tilespmem:s24], [sflag:$0x2] =	stream.linear.gather [hbm4b:s19+s4], $0x78, $0x38;
	[tilespmem:$0x1F300] =	vst v63  }
0x6a: {  	_ =	swait.ge [sflag:s29], $0x78  }
0x6b: {  	[sflag:s29] =	ssyncset.done $0x0  }
0x6c: {  	[sflag:s29] =	ssyncadd.s32 $0xFFFFFF88  }
0x6d: {  	_ =	swait.ge [sflag:s29], $0x78  }
0x6e: {  	[sflag:s29] =	ssyncset.done $0x0  }
0x6f: {  	[sflag:s29] =	ssyncadd.s32 $0xFFFFFF88  }
0x70: {  	[tilespmem:s30], [sflag:$0x5] =	stream.indirect.gather [hbm4b:s2+s26], $0x80, s23, s26, $0xb8;
	[tilespmem:$0x1F300] =	vst v63  }
0x71: {  	_ =	swait.ge [sflag:s31], $0x3C00  }
0x72: {  	[sflag:s31] =	ssyncset.done $0x0  }
0x73: {  	[sflag:s31] =	ssyncadd.s32 $0xFFFFC400  }
0x74: {  	[spmem:s3] =	stream.indirect.scatter.add.f32 [tilespmem:s28], [sflag:$0x7], $0x80, s22, s26, $0xb8;
	[tilespmem:$0x1F300] =	vst v63  }
0x75: {  	_ =	swait.ge [sflag:s12], $0x3C00  }
0x76: {  	[sflag:s12] =	ssyncset.done $0x0  }
0x77: {  	s15 =	sadd.s32 $0x4B, s15;
	[sflag:s12] =	ssyncadd.s32 $0xFFFFC400  }
0x78: {  	[tilespmem:s0], [sflag:$0x3] =	stream.linear.gather [hbm4b:s15+s4], $0x78, $0x38;
	[tilespmem:$0x1F300] =	vst v63  }
0x79: {  	s16 =	sadd.s32 $0x4B, s16;
	s15 =	simm.s32 $0x2D  }
.LBB2_2:
0x7a: {  	[tilespmem:s1], [sflag:$0x3] =	stream.linear.gather [hbm4b:s16+s4], $0x78, $0x38;
	[tilespmem:$0x1F300] =	vst v63  }
0x7b: {  	_ =	swait.ge [sflag:s5], $0x78  }
0x7c: {  	[sflag:s5] =	ssyncset.done $0x0  }
0x7d: {  	[sflag:s5] =	ssyncadd.s32 $0xFFFFFF88  }
0x7e: {  	_ =	swait.ge [sflag:s5], $0x78  }
0x7f: {  	[sflag:s5] =	ssyncset.done $0x0  }
0x80: {  	[sflag:s5] =	ssyncadd.s32 $0xFFFFFF88  }
0x81: {  	[tilespmem:s6], [sflag:$0x6] =	stream.indirect.gather [hbm4b:s2+s26], $0x80, s0, s26, $0xb8;
	[tilespmem:$0x1F300] =	vst v63  }
0x82: {  	_ =	swait.ge [sflag:s8], $0x3C00  }
0x83: {  	[sflag:s8] =	ssyncset.done $0x0  }
0x84: {  	[sflag:s8] =	ssyncadd.s32 $0xFFFFC400  }
0x85: {  	[spmem:s3] =	stream.indirect.scatter.add.f32 [tilespmem:s30], [sflag:$0x8], $0x80, s24, s26, $0xb8;
	[tilespmem:$0x1F300] =	vst v63  }
0x86: {  	_ =	swait.ge [sflag:s9], $0x3C00  }
0x87: {  	s17 =	smov.u32 s15;
	s19 =	rddreg [dreg:$0x4]  }
0x88: {  	s18 =	rddreg [dreg:$0x5];
	[sflag:s9] =	ssyncset.done $0x0;
	s16 =	sadd.s32 s17, s19  }
0x89: {  	[sflag:s9] =	ssyncadd.s32 $0xFFFFC400;
	s17 =	sadd.s32 s17, s18;
	s19 =	sadd.s32 $0x2D, s16  }
0x8a: {  	[tilespmem:s21], [sflag:$0x1] =	stream.linear.gather [hbm4b:s19+s4], $0x78, $0x38;
	[tilespmem:$0x1F300] =	vst v63  }
0x8b: {  	s18 =	sadd.s32 $0x2D, s17  }
0x8c: {  	[tilespmem:s22], [sflag:$0x1] =	stream.linear.gather [hbm4b:s18+s4], $0x78, $0x38;
	[tilespmem:$0x1F300] =	vst v63  }
0x8d: {  	_ =	swait.ge [sflag:s25], $0x78  }
0x8e: {  	[sflag:s25] =	ssyncset.done $0x0  }
0x8f: {  	[sflag:s25] =	ssyncadd.s32 $0xFFFFFF88  }
0x90: {  	_ =	swait.ge [sflag:s25], $0x78  }
0x91: {  	[sflag:s25] =	ssyncset.done $0x0  }
0x92: {  	[sflag:s25] =	ssyncadd.s32 $0xFFFFFF88  }
0x93: {  	[tilespmem:s28], [sflag:$0x4] =	stream.indirect.gather [hbm4b:s2+s26], $0x80, s21, s26, $0xb8;
	[tilespmem:$0x1F300] =	vst v63  }
0x94: {  	_ =	swait.ge [sflag:s10], $0x3C00  }
0x95: {  	[sflag:s10] =	ssyncset.done $0x0  }
0x96: {  	[sflag:s10] =	ssyncadd.s32 $0xFFFFC400  }
0x97: {  	[spmem:s3] =	stream.indirect.scatter.add.f32 [tilespmem:s6], [sflag:$0x9], $0x80, s1, s26, $0xb8;
	[tilespmem:$0x1F300] =	vst v63  }
0x98: {  	_ =	swait.ge [sflag:s11], $0x3C00  }
0x99: {  	[sflag:s11] =	ssyncset.done $0x0  }
0x9a: {  	s18 =	sadd.s32 $0x3C, s16;
	[sflag:s11] =	ssyncadd.s32 $0xFFFFC400  }
0x9b: {  	[tilespmem:s23], [sflag:$0x2] =	stream.linear.gather [hbm4b:s18+s4], $0x78, $0x38;
	[tilespmem:$0x1F300] =	vst v63  }
0x9c: {  	s19 =	sadd.s32 $0x3C, s17  }
0x9d: {  	[tilespmem:s24], [sflag:$0x2] =	stream.linear.gather [hbm4b:s19+s4], $0x78, $0x38;
	[tilespmem:$0x1F300] =	vst v63  }
0x9e: {  	_ =	swait.ge [sflag:s29], $0x78  }
0x9f: {  	[sflag:s29] =	ssyncset.done $0x0  }
0xa0: {  	[sflag:s29] =	ssyncadd.s32 $0xFFFFFF88  }
0xa1: {  	_ =	swait.ge [sflag:s29], $0x78  }
0xa2: {  	[sflag:s29] =	ssyncset.done $0x0  }
0xa3: {  	[sflag:s29] =	ssyncadd.s32 $0xFFFFFF88  }
0xa4: {  	[tilespmem:s30], [sflag:$0x5] =	stream.indirect.gather [hbm4b:s2+s26], $0x80, s23, s26, $0xb8;
	[tilespmem:$0x1F300] =	vst v63  }
0xa5: {  	_ =	swait.ge [sflag:s31], $0x3C00  }
0xa6: {  	[sflag:s31] =	ssyncset.done $0x0  }
0xa7: {  	p0 =	sne.s32 s15, $0x492;
	[sflag:s31] =	ssyncadd.s32 $0xFFFFC400  }
0xa8: {  	[spmem:s3] =	stream.indirect.scatter.add.f32 [tilespmem:s28], [sflag:$0x7], $0x80, s22, s26, $0xb8;
	[tilespmem:$0x1F300] =	vst v63  }
.Ltmp0:
0xa9: {  	_ = 	snop;
	(pc) =	sbr.rel @p0 .LBB2_2-.Ltmp0, $4  }
0xaa: {  	_ =	swait.ge [sflag:s12], $0x3C00  }
0xab: {  	s15 =	sadd.s32 $0x2D, s15;
	[sflag:s12] =	ssyncset.done $0x0  }
0xac: {  	s19 =	sadd.s32 $0x4B, s16;
	s16 =	sadd.s32 $0x4B, s17;
	[sflag:s12] =	ssyncadd.s32 $0xFFFFC400  }
0xad: {  	[tilespmem:s0], [sflag:$0x3] =	stream.linear.gather [hbm4b:s19+s4], $0x78, $0x38;
	[tilespmem:$0x1F300] =	vst v63  }
0xae: {  	[tilespmem:s1], [sflag:$0x3] =	stream.linear.gather [hbm4b:s16+s4], $0x78, $0x38;
	[tilespmem:$0x1F300] =	vst v63  }
0xaf: {  	_ =	swait.ge [sflag:s5], $0x78  }
0xb0: {  	[sflag:s5] =	ssyncset.done $0x0  }
0xb1: {  	[sflag:s5] =	ssyncadd.s32 $0xFFFFFF88  }
0xb2: {  	_ =	swait.ge [sflag:s5], $0x78  }
0xb3: {  	[sflag:s5] =	ssyncset.done $0x0  }
0xb4: {  	[sflag:s5] =	ssyncadd.s32 $0xFFFFFF88  }
0xb5: {  	[tilespmem:s6], [sflag:$0x6] =	stream.indirect.gather [hbm4b:s2+s26], $0x80, s0, s26, $0xb8;
	[tilespmem:$0x1F300] =	vst v63  }
0xb6: {  	_ =	swait.ge [sflag:s8], $0x3C00  }
0xb7: {  	[sflag:s8] =	ssyncset.done $0x0  }
0xb8: {  	[sflag:s8] =	ssyncadd.s32 $0xFFFFC400  }
0xb9: {  	[spmem:s3] =	stream.indirect.scatter.add.f32 [tilespmem:s30], [sflag:$0x8], $0x80, s24, s26, $0xb8;
	[tilespmem:$0x1F300] =	vst v63  }
0xba: {  	_ =	swait.ge [sflag:s9], $0x3C00  }
0xbb: {  	[sflag:s9] =	ssyncset.done $0x0  }
0xbc: {  	s15 =	rddreg [dreg:$0xe];
	[sflag:s9] =	ssyncadd.s32 $0xFFFFC400  }
0xbd: {  	[tilespmem:s21], [sflag:$0x1] =	stream.linear.gather [hbm4b:s15+s4], $0x78, $0x38;
	[tilespmem:$0x1F300] =	vst v63  }
0xbe: {  	s19 =	rddreg [dreg:$0xf]  }
0xbf: {  	[tilespmem:s22], [sflag:$0x1] =	stream.linear.gather [hbm4b:s19+s4], $0x78, $0x38;
	[tilespmem:$0x1F300] =	vst v63  }
0xc0: {  	_ =	swait.ge [sflag:s25], $0x78  }
0xc1: {  	[sflag:s25] =	ssyncset.done $0x0  }
0xc2: {  	[sflag:s25] =	ssyncadd.s32 $0xFFFFFF88  }
0xc3: {  	_ =	swait.ge [sflag:s25], $0x78  }
0xc4: {  	[sflag:s25] =	ssyncset.done $0x0  }
0xc5: {  	[sflag:s25] =	ssyncadd.s32 $0xFFFFFF88  }
0xc6: {  	[tilespmem:s28], [sflag:$0x4] =	stream.indirect.gather [hbm4b:s2+s26], $0x80, s21, s26, $0xb8;
	[tilespmem:$0x1F300] =	vst v63  }
0xc7: {  	_ =	swait.ge [sflag:s10], $0x3C00  }
0xc8: {  	[sflag:s10] =	ssyncset.done $0x0  }
0xc9: {  	[sflag:s10] =	ssyncadd.s32 $0xFFFFC400  }
0xca: {  	[spmem:s3] =	stream.indirect.scatter.add.f32 [tilespmem:s6], [sflag:$0x9], $0x80, s1, s26, $0xb8;
	[tilespmem:$0x1F300] =	vst v63  }
0xcb: {  	_ =	swait.ge [sflag:s11], $0x3C00  }
0xcc: {  	[sflag:s11] =	ssyncset.done $0x0  }
0xcd: {  	s16 =	rddreg [dreg:$0x10];
	[sflag:s11] =	ssyncadd.s32 $0xFFFFC400  }
0xce: {  	[tilespmem:s23], [sflag:$0x2] =	stream.linear.gather [hbm4b:s16+s4], $0x78, $0x38;
	[tilespmem:$0x1F300] =	vst v63  }
0xcf: {  	s17 =	rddreg [dreg:$0x11]  }
0xd0: {  	[tilespmem:s24], [sflag:$0x2] =	stream.linear.gather [hbm4b:s17+s4], $0x78, $0x38;
	[tilespmem:$0x1F300] =	vst v63  }
0xd1: {  	_ =	swait.ge [sflag:s29], $0x78  }
0xd2: {  	[sflag:s29] =	ssyncset.done $0x0  }
0xd3: {  	[sflag:s29] =	ssyncadd.s32 $0xFFFFFF88  }
0xd4: {  	_ =	swait.ge [sflag:s29], $0x78  }
0xd5: {  	[sflag:s29] =	ssyncset.done $0x0  }
0xd6: {  	[sflag:s29] =	ssyncadd.s32 $0xFFFFFF88  }
0xd7: {  	[tilespmem:s30], [sflag:$0x5] =	stream.indirect.gather [hbm4b:s2+s26], $0x80, s23, s26, $0xb8;
	[tilespmem:$0x1F300] =	vst v63  }
0xd8: {  	_ =	swait.ge [sflag:s31], $0x3C00  }
0xd9: {  	[sflag:s31] =	ssyncset.done $0x0  }
0xda: {  	[sflag:s31] =	ssyncadd.s32 $0xFFFFC400  }
0xdb: {  	[spmem:s3] =	stream.indirect.scatter.add.f32 [tilespmem:s28], [sflag:$0x7], $0x80, s22, s26, $0xb8;
	[tilespmem:$0x1F300] =	vst v63  }
0xdc: {  	_ =	swait.ge [sflag:s12], $0x3C00  }
0xdd: {  	[sflag:s12] =	ssyncset.done $0x0  }
0xde: {  	[sflag:s12] =	ssyncadd.s32 $0xFFFFC400  }
0xdf: {  	_ =	swait.ge [sflag:s8], $0x3C00  }
0xe0: {  	[sflag:s8] =	ssyncset.done $0x0  }
0xe1: {  	[sflag:s8] =	ssyncadd.s32 $0xFFFFC400  }
0xe2: {  	[spmem:s3] =	stream.indirect.scatter.add.f32 [tilespmem:s30], [sflag:$0x8], $0x80, s24, s26, $0xb8;
	[tilespmem:$0x1F300] =	vst v63  }
0xe3: {  	_ =	swait.ge [sflag:s9], $0x3C00  }
0xe4: {  	[sflag:s9] =	ssyncset.done $0x0  }
0xe5: {  	[sflag:s9] =	ssyncadd.s32 $0xFFFFC400  }
0xe6: {  	_ =	swait.ge [sflag:s11], $0x3C00  }
0xe7: {  	[sflag:s11] =	ssyncset.done $0x0  }
0xe8: {  	[sflag:s11] =	ssyncadd.s32 $0xFFFFC400  }
0xe9: {  	[bflag:$0x0] =	sbarrier.arrive $0xFFFF  }
0xea: {  	s18 =	rddreg [dreg:$0x12]  }
0xeb: {  	[hbm:s18], [sflag:s7] =	dma.local [spmem:s14], $0x2780  }
0xec: {  	_ =	swait.ge [sflag:s20], $0x2780  }
0xed: {  	s13 =	sadd.s32 $0x1, s13;
	s19 =	rddreg [dreg:$0x13]  }
0xee: {  	p0 =	sne.s32 s13, s19  }
.Ltmp1:
0xef: {  	_ = 	snop;
	(pc) =	sbr.rel @p0 .LBB2_1-.Ltmp1, $3  }
0xf0: {  	_ =	sdelay $0x1  }
0xf1: {  	[sflag:s20] =	ssyncset.done $0x0  }
0xf2: {  	[sflag:s20] =	ssyncadd.s32 $0xFFFFD880  }
0xf3: {  	_ =	sfence.sel $0x180000  }
0xf4: {  	[bflag:$0x0] =	sbarrier.arrive $0xFFFF  }
0xf5: {  	_ =	strace $0x9000004A  }
0xf6: {  	s0 =	stileid.u32;
	[bflag:$0x2] =	sbarrier.arrive $0xFFFF  }
0xf7: {  	p0 =	sne.s32 s0, $0x0;
	s0 =	rddreg [dreg:$0x3]  }
0xf8: {  	s0 =	sadd.s32 @!p0 $0x100000, s0  }
0xf9: {  	[sflag:s0] =	ssyncadd.tile.s32 @!p0 $0x1;
	_ =	shalt  }
.Lfunc_end2:
_tile_overlayer_lowered:
.L_overlay_start_2:
0xfa: {  	(tag) =	ssettag $0x2  }
0xfb: {  	s0 =	rddreg [dreg:$0x0];
	s2 =	stileid.u32  }
0xfc: {  	s1 =	rddreg [dreg:$0x1];
	p0 =	sne.s32 s2, $0x0  }
0xfd: {  	s3 =	rddreg [dreg:$0x2];
	[bflag:$0x3] =	sbarrier.arrive $0xFFFF;
	s2 =	simm.s32 @!p0 $0x1C0A  }
0xfe: {  	[timem:s3], [sflag:s2] =	dma.local @!p0 [hbm:s0], s1  }
0xff: {  	s0 =	simm.s32 @!p0 $0xA  }
0x100: {  	_ =	swait.ge @!p0 [sflag:s0], s1  }
0x101: {  	s1 =	ssub.s32 @!p0 $0x0, s1;
	[sflag:s0] =	ssyncset.done @!p0 $0x0  }
0x102: {  	[sflag:s0] =	ssyncadd.s32 @!p0 s1  }
0x103: {  	[bflag:$0x3] =	sbarrier.arrive $0xFFFF  }
0x104: {  	_ =	shalt  }

// kernel: kernel.14.cloned.1.call-start
scs
__scs_entry_jumppad:
0x0: {  	(pc) =	sbr.rel $0x88, $3  }
0x1: {  	(tag) =	ssettag $0x0;
	lr =	simm.s32 $0x1  }
0x2: {  	[smem:$0x3F92] =	sst lr;
	_ =	strace $0xD0000000  }
0x3: {  	_ = 	snop  }
0x4: {  	_ = 	snop  }
0x5: {  	_ = 	snop  }
0x6: {  	_ = 	snop  }
0x7: {  	_ = 	snop  }
__scs_overlays_trampoline_lowered:
0x8: {  	[smem:$0x3FA1] =	sst s0  }
0x9: {  	[smem:$0x3FA2] =	sst s1  }
0xa: {  	[smem:$0x3FA3] =	sst s2  }
0xb: {  	[smem:$0x3FA4] =	sst s3  }
0xc: {  	[smem:$0x3FA5] =	sst s4  }
0xd: {  	[smem:$0x3FA6] =	sst s5  }
0xe: {  	[smem:$0x3FA7] =	sst s6  }
0xf: {  	[smem:$0x3FA8] =	sst s7  }
0x10: {  	[smem:$0x3FA9] =	sst s8  }
0x11: {  	[smem:$0x3FAA] =	sst s9;
	s0 =	simm.s32 @!p0 $0x0  }
0x12: {  	s1 =	sld [smem:$0x3F90];
	s0 =	simm.s32 @p0 $0x1  }
0x13: {  	[smem:$0x3FAB] =	sst s0;
	s0 =	simm.s32 @!p1 $0x0  }
0x14: {  	s2 =	sld [smem:$0x3F8F];
	s0 =	simm.s32 @p1 $0x1  }
0x15: {  	[smem:$0x3FAC] =	sst s0;
	s0 =	simm.s32 @!p2 $0x0  }
0x16: {  	s3 =	sld [smem:$0x3FDB];
	s0 =	simm.s32 @p2 $0x1  }
0x17: {  	s4 =	simm.s32 $0x1BF5;
	[smem:$0x3FAE] =	sst s0  }
0x18: {  	s0 =	sld [smem:$0x3F91];
	_ =	swait.ge [sflag:s4], $0x0  }
0x19: {  	s7 =	sld [smem:$0x3F92]  }
0x1a: {  	s8 =	sadd.s32 $0xFFFFE003, lr  }
0x1b: {  	s9 =	sadd.s32 $0xFFFFFEF7, lr;
	s5 =	simm.s32 $0xFFFFFFFF;
	p2 =	slt.u32 s8, $0xFFFFF086  }
0x1c: {  	p1 =	slt.u32 s9, $0xF7A;
	s5 =	simm.s32 @!p2 $0x0  }
0x1d: {  	s5 =	simm.s32 @p1 $0x1;
	p0 =	seq.s32 s7, s2  }
0x1e: {  	s7 =	smul.u32 @!p0 $0xF7A, s2;
	p2 =	seq.s32 @!p0 s5, $0x0  }
0x1f: {  	s9 =	smul.u32 $0xF7A, s1;
	s8 =	simm.s32 @!p0 $0x1BF5;
	p2 =	por !p2, p0  }
0x20: {  	[sflag:s8] =	ssyncset.s32 @!p0 $0xFFFFF086;
	s6 =	sadd.s32 @!p0 s3, s7;
	s7 =	simm.s32 @!p0 $0x108  }
0x21: {  	s3 =	sadd.s32 s3, s9;
	s6 =	sadd.s32 @!p0 $0x88, s6;
	s7 =	simm.s32 @p2 $0x1082  }
0x22: {  	[simem:s7], [sflag:s8] =	dma.local @!p0 [hbm:s6], $0xF7A  }
0x23: {  	s9 =	sor.u32 $0xD0000000, s2;
	s6 =	simm.s32 $0x108;
	_ =	swait.ge @!p0 [sflag:s8], $0x0  }
0x24: {  	s3 =	sadd.s32 $0x88, s3;
	s6 =	simm.s32 @!p1 $0x1082;
	[sflag:s4] =	ssyncset.s32 $0xFFFFF086  }
0x25: {  	[simem:s6], [sflag:s4] =	dma.local [hbm:s3], $0xF7A  }
0x26: {  	[smem:$0x3F92] =	sst s1;
	(tag) =	ssettag s2;
	_ =	strace s9  }
0x27: {  	s1 =	sld [smem:$0x3FA2]  }
0x28: {  	s2 =	sld [smem:$0x3FA3]  }
0x29: {  	s4 =	sld [smem:$0x3FA5]  }
0x2a: {  	p0 =	seq.s32 s5, $0x0;
	s5 =	sld [smem:$0x3FA6]  }
0x2b: {  	s6 =	sld [smem:$0x3FA7]  }
0x2c: {  	s7 =	sld [smem:$0x3FA8]  }
0x2d: {  	s3 =	simm.s32 $0x108;
	s8 =	sld [smem:$0x3FA9]  }
0x2e: {  	s3 =	simm.s32 @!p0 $0x1082;
	s9 =	sld [smem:$0x3FAA]  }
0x2f: {  	lr =	sadd.s32 s0, s3;
	s0 =	sld [smem:$0x3FA1]  }
0x30: {  	s3 =	sld [smem:$0x3FA4]  }
0x31: {  	[smem:$0x3FAD] =	sst s10  }
0x32: {  	s10 =	sld [smem:$0x3FAB];
	_ =	sdelay $0x3  }
0x33: {  	p0 =	seq.s32 s10, $0x1;
	s10 =	sld [smem:$0x3FAD];
	_ =	sdelay $0x3  }
0x34: {  	[smem:$0x3FAD] =	sst s10  }
0x35: {  	s10 =	sld [smem:$0x3FAC];
	_ =	sdelay $0x3  }
0x36: {  	p1 =	seq.s32 s10, $0x1;
	s10 =	sld [smem:$0x3FAD];
	_ =	sdelay $0x3  }
0x37: {  	[smem:$0x3FAD] =	sst s10  }
0x38: {  	s10 =	sld [smem:$0x3FAE]  }
0x39: {  	_ = 	snop;
	(pc) =	sbr.ind lr, $3  }
0x3a: {  	_ = 	snop  }
0x3b: {  	_ = 	snop  }
0x3c: {  	p2 =	seq.s32 s10, $0x1;
	s10 =	sld [smem:$0x3FAD]  }
0x3d: {  	_ =	shalt  }
0x3e: {  	_ =	shalt  }
0x3f: {  	_ =	shalt  }
0x40: {  	_ =	shalt  }
0x41: {  	_ =	shalt  }
0x42: {  	_ =	shalt  }
0x43: {  	_ =	shalt  }
0x44: {  	_ =	shalt  }
0x45: {  	_ =	shalt  }
0x46: {  	_ =	shalt  }
0x47: {  	_ =	shalt  }
0x48: {  	_ =	shalt  }
0x49: {  	_ =	shalt  }
0x4a: {  	_ =	shalt  }
0x4b: {  	_ =	shalt  }
0x4c: {  	_ =	shalt  }
0x4d: {  	_ =	shalt  }
0x4e: {  	_ =	shalt  }
0x4f: {  	_ =	shalt  }
0x50: {  	_ =	shalt  }
0x51: {  	_ =	shalt  }
0x52: {  	_ =	shalt  }
0x53: {  	_ =	shalt  }
0x54: {  	_ =	shalt  }
0x55: {  	_ =	shalt  }
0x56: {  	_ =	shalt  }
0x57: {  	_ =	shalt  }
0x58: {  	_ =	shalt  }
0x59: {  	_ =	shalt  }
0x5a: {  	_ =	shalt  }
0x5b: {  	_ =	shalt  }
0x5c: {  	_ =	shalt  }
0x5d: {  	_ =	shalt  }
0x5e: {  	_ =	shalt  }
0x5f: {  	_ =	shalt  }
0x60: {  	_ =	shalt  }
0x61: {  	_ =	shalt  }
0x62: {  	_ =	shalt  }
0x63: {  	_ =	shalt  }
0x64: {  	_ =	shalt  }
0x65: {  	_ =	shalt  }
0x66: {  	_ =	shalt  }
0x67: {  	_ =	shalt  }
0x68: {  	_ =	shalt  }
0x69: {  	_ =	shalt  }
0x6a: {  	_ =	shalt  }
0x6b: {  	_ =	shalt  }
0x6c: {  	_ =	shalt  }
0x6d: {  	_ =	shalt  }
0x6e: {  	_ =	shalt  }
0x6f: {  	_ =	shalt  }
0x70: {  	_ =	shalt  }
0x71: {  	_ =	shalt  }
0x72: {  	_ =	shalt  }
0x73: {  	_ =	shalt  }
0x74: {  	_ =	shalt  }
0x75: {  	_ =	shalt  }
0x76: {  	_ =	shalt  }
0x77: {  	_ =	shalt  }
0x78: {  	_ =	shalt  }
0x79: {  	_ =	shalt  }
0x7a: {  	_ =	shalt  }
0x7b: {  	_ =	shalt  }
0x7c: {  	_ =	shalt  }
0x7d: {  	_ =	shalt  }
0x7e: {  	_ =	shalt  }
0x7f: {  	_ =	shalt  }
0x80: {  	_ =	shalt  }
0x81: {  	_ =	shalt  }
0x82: {  	_ =	shalt  }
0x83: {  	_ =	shalt  }
0x84: {  	_ =	shalt  }
0x85: {  	_ =	shalt  }
0x86: {  	_ =	shalt  }
0x87: {  	_ =	shalt  }
.Lfunc_end0:
.L_simem_size_0:
called_computation.2_lowered:
.L_overlay_start_0:
0x88: {  	s2 =	sld [smem:$0x3FD9]  }
0x89: {  	s3 =	sld [smem:$0x3FFE];
	_ =	sdelay $0x1  }
0x8a: {  	s1 =	srdreg.scid  }
0x8b: {  	s0 =	sand.u32 $0x1, s1  }
0x8c: {  	s17 =	sshll.u32 s0, $0xA;
	s2 =	sadd.s32 s3, s2  }
0x8d: {  	s2 =	sadd.s32 s2, s17  }
0x8e: {  	[smem:$0x3FB9] =	sst s2  }
0x8f: {  	_ = 	snop  }
0x90: {  	s2 =	sld [smem:$0x3FD0];
	(tm) =	ssettm $0x1  }
0x91: {  	s18 =	sld [smem:$0x3FFB];
	_ =	sdelay $0x3  }
0x92: {  	_ =	strace s18  }
0x93: {  	s3 =	sld [smem:$0x3FFC];
	_ =	sdelay $0x3  }
0x94: {  	_ =	strace s3  }
0x95: {  	s3 =	sld [smem:$0x3FFD];
	_ =	sdelay $0x3  }
0x96: {  	_ =	strace s3  }
0x97: {  	_ =	strace $0x8FFFFFFF  }
0x98: {  	s19 =	sld [smem:$0x3FDB];
	_ =	sdelay $0x1  }
0x99: {  	s4 =	simm.s32 $_scs_section_size  }
0x9a: {  	s5 =	simm.s32 $_size__tile_overlayer_lowered;
	s6 =	simm.s32 $_tile_overlayer_lowered  }
0x9b: {  	s22 =	simm.s32 $0x1BFF;
	s21 =	sshll.u32 s6, $0x1;
	s3 =	sadd.s32 s4, s19  }
0x9c: {  	s7 =	simm.s32 $0x0;
	s20 =	sshll.u32 s5, $0x1;
	s5 =	sadd.s32 s21, s3  }
0x9d: {  	[timem:s7], [sflag:s22] =	dma.local [hbm:s5], s20  }
0x9e: {  	_ =	swait.ge [sflag:s22], s20  }
0x9f: {  	s4 =	ssub.s32 $0x0, s20;
	[sflag:s22] =	ssyncset.done $0x0  }
0xa0: {  	[sflag:s22] =	ssyncadd.s32 s4;
	_ =	sdelay $0x1  }
0xa1: {  	s23 =	simm.s32 $0x1B8B  }
0xa2: {  	_ =	swait.ge [sflag:s23], $0x1  }
0xa3: {  	[sflag:s23] =	ssyncset.done $0x0  }
0xa4: {  	s25 =	simm.s32 $0x1B8E;
	s24 =	sld [smem:$0x3FFE];
	[sflag:s23] =	ssyncadd.s32 $0xFFFFFFFF  }
0xa5: {  	s26 =	simm.s32 $execute0_lowered;
	[smem:$0x3FD2] =	sst s25  }
0xa6: {  	s5 =	sshll.u32 s26, $0x1;
	_ =	strace $0x8000004C;
	[dreg:$0x1] =	wrdreg $0xFFFFFFFF  }
0xa7: {  	s28 =	simm.s32 $_size_execute0_lowered;
	s3 =	sadd.s32 s3, s5;
	[dreg:$0x0] =	wrdreg $0x0  }
0xa8: {  	s5 =	sshll.u32 s28, $0x1;
	[dreg:$0x2] =	wrdreg s3  }
0xa9: {  	[dreg:$0x3] =	wrdreg s5  }
0xaa: {  	[dreg:$0x4] =	wrdreg $0xC0  }
0xab: {  	_ =	task [dreg:s7], $0x5FFFF  }
0xac: {  	[dreg:$0x1] =	wrdreg $0xFFFFFFFF  }
0xad: {  	[dreg:$0x0] =	wrdreg $0x60  }
0xae: {  	[dreg:$0x2] =	wrdreg s2  }
0xaf: {  	[dreg:$0x3] =	wrdreg s24  }
0xb0: {  	[dreg:$0x4] =	wrdreg $0x0  }
0xb1: {  	[dreg:$0x5] =	wrdreg $0x9  }
0xb2: {  	_ =	task.clear_ibuf [dreg:s7], $0x6FFFF;
	_ =	strace $0x9000004C  }
0xb3: {  	s29 =	simm.s32 $0x9;
	_ =	strace $0x8000004E  }
0xb4: {  	_ =	swait.ge [sflag:s29], $0x1  }
0xb5: {  	[sflag:s29] =	ssyncadd.s32 $0xFFFFFFFF  }
0xb6: {  	_ =	strace $0x9000004E  }
0xb7: {  	_ =	sfence  }
0xb8: {  	s30 =	sld [smem:$0x0];
	_ =	sdelay $0x2  }
0xb9: {  	s31 =	sshll.u32 s1, $0xD;
	s1 =	sshrl.u32 s1, $0x2  }
0xba: {  	s3 =	sand.u32 $0x4000, s31;
	s1 =	sadd.s32 s1, s30  }
0xbb: {  	s0 =	sor.u32 s3, s0;
	s1 =	sshll.u32 s1, $0x11  }
0xbc: {  	s0 =	sor.u32 s1, s0  }
0xbd: {  	s0 =	sadd.s32 $0x8F2B, s0  }
0xbe: {  	[sflag:s0] =	ssyncadd.remote.s32 $0x1  }
0xbf: {  	_ =	sfence.sel $0xFFFF  }
0xc0: {  	[dreg:$0x0] =	wrdreg $0xFFFFFFFF;
	(pc) =	sbr.abs _section_cstart, $3  }
0xc1: {  	[dreg:$0x1] =	wrdreg $0xFFFFFFFF  }
0xc2: {  	_ =	task.clear_ibuf [dreg:s7], $0x2FFFF;
	_ =	strace $0x9FFFFFFF  }
0xc3: {  	(tm) =	ssettm $0x7FFFFFFF  }
tec
execute0_lowered:
.L_overlay_start_1:
0x0: {  	(tag) =	ssettag $0x1  }
0x1: {  	s2 =	rddreg [dreg:$0x0]  }
0x2: {  	s0 =	rddreg [dreg:$0x1]  }
0x3: {  	s3 =	rddreg [dreg:$0x2]  }
0x4: {  	s13 =	stileid.u32;
	s1 =	srdreg.scid;
	s4 =	simm.s32 $0x0  }
0x5: {  	s28 =	simm.s32 $0x13F00;
	s29 =	simm.s32 $0x2;
	s30 =	simm.s32 $0x17B00  }
0x6: {  	s31 =	simm.s32 $0x4;
	s5 =	smul.u32 $0x13C00, s13;
	s1 =	sand.u32 $0x1, s1  }
0x7: {  	[smem:$0x7FF] =	sst s4;
	s8 =	sadd.s32 $0x3E00, s0;
	s12 =	smul.u32 $0x4F000, s13  }
0x8: {  	s9 =	sadd.s32 $0xE000, s0;
	s10 =	sshll.u32 s13, $0x1;
	s21 =	smul.u32 $0xA14, s13  }
0x9: {  	s26 =	sshll.u32 s13, $0x6;
	s13 =	simm.s32 $0x0;
	s6 =	smul.u32 $0x13C000, s1  }
0xa: {  	s23 =	ssub.s32 $0x2, s1;
	s10 =	sor.u32 s1, s10;
	s1 =	smul.u32 $0x50A, s1  }
0xb: {  	_ =	strace $0x8000004D;
	s7 =	sshrl.u32 s5, $0x3;
	s24 =	smul.u32 $0x50A, s10  }
0xc: {  	s11 =	sshrl.u32 s23, $0x1;
	s10 =	smul.u32 $0x2850, s10;
	s5 =	sadd.s32 s5, s6  }
0xd: {  	s25 =	sshrl.u32 s12, $0x2;
	s7 =	sadd.s32 s7, s0;
	s5 =	sshrl.u32 s5, $0x3  }
0xe: {  	s7 =	sadd.s32 $0x18400, s7;
	s12 =	sadd.s32 s8, s24;
	s14 =	sadd.s32 $0x78, s10  }
0xf: {  	s15 =	sshrl.u32 s10, $0x3;
	s6 =	sadd.s32 s9, s24;
	s10 =	sadd.s32 $0x27D8, s10  }
0x10: {  	s0 =	sadd.s32 s5, s0;
	s5 =	ssub.s32 s23, s11;
	[dreg:$0x7] =	wrdreg s7  }
0x11: {  	s11 =	sadd.s32 s25, s3;
	s7 =	sor.u32 $0x1C0A, s26;
	[dreg:$0x8] =	wrdreg s12  }
0x12: {  	[dreg:$0x9] =	wrdreg s6;
	s16 =	sshrl.u32 s14, $0x3;
	s17 =	sadd.s32 $0x1E, s15  }
0x13: {  	s20 =	sadd.s32 $0x4EC, s15;
	[dreg:$0x6] =	wrdreg s11;
	s14 =	sadd.s32 s8, s16  }
0x14: {  	s22 =	sshrl.u32 s10, $0x3;
	s6 =	sadd.s32 s9, s16;
	[dreg:$0xa] =	wrdreg s14  }
0x15: {  	s23 =	sadd.s32 s21, s8;
	s18 =	sadd.s32 s8, s17;
	[dreg:$0xb] =	wrdreg s6  }
0x16: {  	s25 =	sadd.s32 s21, s9;
	s19 =	sadd.s32 s9, s17;
	[dreg:$0xc] =	wrdreg s18  }
0x17: {  	s21 =	simm.s32 $0x13C00;
	s12 =	sadd.s32 s8, s20;
	[dreg:$0xd] =	wrdreg s19  }
0x18: {  	s10 =	simm.s32 $0x6;
	s8 =	sadd.s32 s8, s22;
	[dreg:$0xe] =	wrdreg s12  }
0x19: {  	s24 =	sadd.s32 s1, s23;
	s1 =	sadd.s32 s1, s25;
	[dreg:$0x10] =	wrdreg s8  }
0x1a: {  	s0 =	sadd.s32 $0x3FC00, s0;
	s26 =	smax.u32 s5, $0x1;
	[dreg:$0x4] =	wrdreg s24  }
0x1b: {  	s23 =	simm.s32 $0x13C80;
	s25 =	simm.s32 $0x1;
	[dreg:$0x12] =	wrdreg s0  }
0x1c: {  	s5 =	simm.s32 $0x3;
	s11 =	simm.s32 $0x8;
	[dreg:$0x13] =	wrdreg s26  }
0x1d: {  	s6 =	sadd.s32 s9, s20;
	[dreg:$0x5] =	wrdreg s1;
	s20 =	simm.s32 $0xA  }
0x1e: {  	s24 =	simm.s32 $0x13E00;
	s26 =	simm.s32 $0x78;
	s0 =	simm.s32 $0x13D00  }
0x1f: {  	s1 =	simm.s32 $0x13E80;
	s8 =	simm.s32 $0x5;
	s12 =	simm.s32 $0x9  }
0x20: {  	[dreg:$0xf] =	wrdreg s6;
	s6 =	sadd.s32 s9, s22;
	s22 =	simm.s32 $0x13D80  }
0x21: {  	s9 =	simm.s32 $0x7;
	[dreg:$0x11] =	wrdreg s6;
	s6 =	simm.s32 $0x1B700  }
.LBB2_1:
0x22: {  	s14 =	rddreg [dreg:$0x6]  }
0x23: {  	s15 =	rddreg [dreg:$0x7];
	s14 =	sshrl.u32 s14, $0x3  }
0x24: {  	[spmem:s14], [sflag:s7] =	dma.local [hbm:s15], $0x2780  }
0x25: {  	_ =	swait.ge [sflag:s20], $0x2780  }
0x26: {  	[sflag:s20] =	ssyncset.done $0x0  }
0x27: {  	[sflag:s20] =	ssyncadd.s32 $0xFFFFD880  }
0x28: {  	[bflag:$0x0] =	sbarrier.arrive $0xFFFF  }
0x29: {  	s16 =	rddreg [dreg:$0x8]  }
0x2a: {  	[tilespmem:s21], [sflag:$0x1] =	stream.linear.gather [hbm4b:s16+s4], $0x78, $0x38;
	[tilespmem:$0x1F300] =	vst v63  }
0x2b: {  	s17 =	rddreg [dreg:$0x9]  }
0x2c: {  	[tilespmem:s22], [sflag:$0x1] =	stream.linear.gather [hbm4b:s17+s4], $0x78, $0x38;
	[tilespmem:$0x1F300] =	vst v63  }
0x2d: {  	s18 =	rddreg [dreg:$0xa]  }
0x2e: {  	[tilespmem:s23], [sflag:$0x2] =	stream.linear.gather [hbm4b:s18+s4], $0x78, $0x38;
	[tilespmem:$0x1F300] =	vst v63  }
0x2f: {  	s19 =	rddreg [dreg:$0xb]  }
0x30: {  	[tilespmem:s24], [sflag:$0x2] =	stream.linear.gather [hbm4b:s19+s4], $0x78, $0x38;
	[tilespmem:$0x1F300] =	vst v63  }
0x31: {  	_ =	swait.ge [sflag:s25], $0x78  }
0x32: {  	[sflag:s25] =	ssyncset.done $0x0  }
0x33: {  	[sflag:s25] =	ssyncadd.s32 $0xFFFFFF88  }
0x34: {  	_ =	swait.ge [sflag:s25], $0x78  }
0x35: {  	[sflag:s25] =	ssyncset.done $0x0  }
0x36: {  	[sflag:s25] =	ssyncadd.s32 $0xFFFFFF88  }
0x37: {  	[tilespmem:s28], [sflag:$0x4] =	stream.indirect.gather [hbm4b:s2+s26], $0x80, s21, s26, $0xb8;
	[tilespmem:$0x1F300] =	vst v63  }
0x38: {  	_ =	swait.ge [sflag:s29], $0x78  }
0x39: {  	[sflag:s29] =	ssyncset.done $0x0  }
0x3a: {  	[sflag:s29] =	ssyncadd.s32 $0xFFFFFF88  }
0x3b: {  	_ =	swait.ge [sflag:s29], $0x78  }
0x3c: {  	[sflag:s29] =	ssyncset.done $0x0  }
0x3d: {  	[sflag:s29] =	ssyncadd.s32 $0xFFFFFF88  }
0x3e: {  	[tilespmem:s30], [sflag:$0x5] =	stream.indirect.gather [hbm4b:s2+s26], $0x80, s23, s26, $0xb8;
	[tilespmem:$0x1F300] =	vst v63  }
0x3f: {  	_ =	swait.ge [sflag:s31], $0x3C00  }
0x40: {  	[sflag:s31] =	ssyncset.done $0x0  }
0x41: {  	[sflag:s31] =	ssyncadd.s32 $0xFFFFC400  }
0x42: {  	[spmem:s3] =	stream.indirect.scatter.add.f32 [tilespmem:s28], [sflag:$0x7], $0x80, s22, s26, $0xb8;
	[tilespmem:$0x1F300] =	vst v63  }
0x43: {  	s16 =	rddreg [dreg:$0xc]  }
0x44: {  	[tilespmem:s0], [sflag:$0x3] =	stream.linear.gather [hbm4b:s16+s4], $0x78, $0x38;
	[tilespmem:$0x1F300] =	vst v63  }
0x45: {  	s17 =	rddreg [dreg:$0xd]  }
0x46: {  	[tilespmem:s1], [sflag:$0x3] =	stream.linear.gather [hbm4b:s17+s4], $0x78, $0x38;
	[tilespmem:$0x1F300] =	vst v63  }
0x47: {  	_ =	swait.ge [sflag:s5], $0x78  }
0x48: {  	[sflag:s5] =	ssyncset.done $0x0  }
0x49: {  	[sflag:s5] =	ssyncadd.s32 $0xFFFFFF88  }
0x4a: {  	_ =	swait.ge [sflag:s5], $0x78  }
0x4b: {  	[sflag:s5] =	ssyncset.done $0x0  }
0x4c: {  	[sflag:s5] =	ssyncadd.s32 $0xFFFFFF88  }
0x4d: {  	[tilespmem:s6], [sflag:$0x6] =	stream.indirect.gather [hbm4b:s2+s26], $0x80, s0, s26, $0xb8;
	[tilespmem:$0x1F300] =	vst v63  }
0x4e: {  	_ =	swait.ge [sflag:s8], $0x3C00  }
0x4f: {  	[sflag:s8] =	ssyncset.done $0x0  }
0x50: {  	[sflag:s8] =	ssyncadd.s32 $0xFFFFC400  }
0x51: {  	[spmem:s3] =	stream.indirect.scatter.add.f32 [tilespmem:s30], [sflag:$0x8], $0x80, s24, s26, $0xb8;
	[tilespmem:$0x1F300] =	vst v63  }
0x52: {  	_ =	swait.ge [sflag:s9], $0x3C00  }
0x53: {  	s18 =	rddreg [dreg:$0x4]  }
0x54: {  	s16 =	rddreg [dreg:$0x5];
	[sflag:s9] =	ssyncset.done $0x0;
	s15 =	sadd.s32 $0x0, s18  }
0x55: {  	[sflag:s9] =	ssyncadd.s32 $0xFFFFC400;
	s16 =	sadd.s32 $0x0, s16;
	s17 =	sadd.s32 $0x2D, s15  }
0x56: {  	[tilespmem:s21], [sflag:$0x1] =	stream.linear.gather [hbm4b:s17+s4], $0x78, $0x38;
	[tilespmem:$0x1F300] =	vst v63  }
0x57: {  	s19 =	sadd.s32 $0x2D, s16  }
0x58: {  	[tilespmem:s22], [sflag:$0x1] =	stream.linear.gather [hbm4b:s19+s4], $0x78, $0x38;
	[tilespmem:$0x1F300] =	vst v63  }
0x59: {  	_ =	swait.ge [sflag:s25], $0x78  }
0x5a: {  	[sflag:s25] =	ssyncset.done $0x0  }
0x5b: {  	[sflag:s25] =	ssyncadd.s32 $0xFFFFFF88  }
0x5c: {  	_ =	swait.ge [sflag:s25], $0x78  }
0x5d: {  	[sflag:s25] =	ssyncset.done $0x0  }
0x5e: {  	[sflag:s25] =	ssyncadd.s32 $0xFFFFFF88  }
0x5f: {  	[tilespmem:s28], [sflag:$0x4] =	stream.indirect.gather [hbm4b:s2+s26], $0x80, s21, s26, $0xb8;
	[tilespmem:$0x1F300] =	vst v63  }
0x60: {  	_ =	swait.ge [sflag:s10], $0x3C00  }
0x61: {  	[sflag:s10] =	ssyncset.done $0x0  }
0x62: {  	[sflag:s10] =	ssyncadd.s32 $0xFFFFC400  }
0x63: {  	[spmem:s3] =	stream.indirect.scatter.add.f32 [tilespmem:s6], [sflag:$0x9], $0x80, s1, s26, $0xb8;
	[tilespmem:$0x1F300] =	vst v63  }
0x64: {  	_ =	swait.ge [sflag:s11], $0x3C00  }
0x65: {  	[sflag:s11] =	ssyncset.done $0x0  }
0x66: {  	s18 =	sadd.s32 $0x3C, s15;
	[sflag:s11] =	ssyncadd.s32 $0xFFFFC400  }
0x67: {  	[tilespmem:s23], [sflag:$0x2] =	stream.linear.gather [hbm4b:s18+s4], $0x78, $0x38;
	[tilespmem:$0x1F300] =	vst v63  }
0x68: {  	s19 =	sadd.s32 $0x3C, s16  }
0x69: {  	[tilespmem:s24], [sflag:$0x2] =	stream.linear.gather [hbm4b:s19+s4], $0x78, $0x38;
	[tilespmem:$0x1F300] =	vst v63  }
0x6a: {  	_ =	swait.ge [sflag:s29], $0x78  }
0x6b: {  	[sflag:s29] =	ssyncset.done $0x0  }
0x6c: {  	[sflag:s29] =	ssyncadd.s32 $0xFFFFFF88  }
0x6d: {  	_ =	swait.ge [sflag:s29], $0x78  }
0x6e: {  	[sflag:s29] =	ssyncset.done $0x0  }
0x6f: {  	[sflag:s29] =	ssyncadd.s32 $0xFFFFFF88  }
0x70: {  	[tilespmem:s30], [sflag:$0x5] =	stream.indirect.gather [hbm4b:s2+s26], $0x80, s23, s26, $0xb8;
	[tilespmem:$0x1F300] =	vst v63  }
0x71: {  	_ =	swait.ge [sflag:s31], $0x3C00  }
0x72: {  	[sflag:s31] =	ssyncset.done $0x0  }
0x73: {  	[sflag:s31] =	ssyncadd.s32 $0xFFFFC400  }
0x74: {  	[spmem:s3] =	stream.indirect.scatter.add.f32 [tilespmem:s28], [sflag:$0x7], $0x80, s22, s26, $0xb8;
	[tilespmem:$0x1F300] =	vst v63  }
0x75: {  	_ =	swait.ge [sflag:s12], $0x3C00  }
0x76: {  	[sflag:s12] =	ssyncset.done $0x0  }
0x77: {  	s15 =	sadd.s32 $0x4B, s15;
	[sflag:s12] =	ssyncadd.s32 $0xFFFFC400  }
0x78: {  	[tilespmem:s0], [sflag:$0x3] =	stream.linear.gather [hbm4b:s15+s4], $0x78, $0x38;
	[tilespmem:$0x1F300] =	vst v63  }
0x79: {  	s16 =	sadd.s32 $0x4B, s16;
	s15 =	simm.s32 $0x2D  }
.LBB2_2:
0x7a: {  	[tilespmem:s1], [sflag:$0x3] =	stream.linear.gather [hbm4b:s16+s4], $0x78, $0x38;
	[tilespmem:$0x1F300] =	vst v63  }
0x7b: {  	_ =	swait.ge [sflag:s5], $0x78  }
0x7c: {  	[sflag:s5] =	ssyncset.done $0x0  }
0x7d: {  	[sflag:s5] =	ssyncadd.s32 $0xFFFFFF88  }
0x7e: {  	_ =	swait.ge [sflag:s5], $0x78  }
0x7f: {  	[sflag:s5] =	ssyncset.done $0x0  }
0x80: {  	[sflag:s5] =	ssyncadd.s32 $0xFFFFFF88  }
0x81: {  	[tilespmem:s6], [sflag:$0x6] =	stream.indirect.gather [hbm4b:s2+s26], $0x80, s0, s26, $0xb8;
	[tilespmem:$0x1F300] =	vst v63  }
0x82: {  	_ =	swait.ge [sflag:s8], $0x3C00  }
0x83: {  	[sflag:s8] =	ssyncset.done $0x0  }
0x84: {  	[sflag:s8] =	ssyncadd.s32 $0xFFFFC400  }
0x85: {  	[spmem:s3] =	stream.indirect.scatter.add.f32 [tilespmem:s30], [sflag:$0x8], $0x80, s24, s26, $0xb8;
	[tilespmem:$0x1F300] =	vst v63  }
0x86: {  	_ =	swait.ge [sflag:s9], $0x3C00  }
0x87: {  	s17 =	smov.u32 s15;
	s19 =	rddreg [dreg:$0x4]  }
0x88: {  	s18 =	rddreg [dreg:$0x5];
	[sflag:s9] =	ssyncset.done $0x0;
	s16 =	sadd.s32 s17, s19  }
0x89: {  	[sflag:s9] =	ssyncadd.s32 $0xFFFFC400;
	s17 =	sadd.s32 s17, s18;
	s19 =	sadd.s32 $0x2D, s16  }
0x8a: {  	[tilespmem:s21], [sflag:$0x1] =	stream.linear.gather [hbm4b:s19+s4], $0x78, $0x38;
	[tilespmem:$0x1F300] =	vst v63  }
0x8b: {  	s18 =	sadd.s32 $0x2D, s17  }
0x8c: {  	[tilespmem:s22], [sflag:$0x1] =	stream.linear.gather [hbm4b:s18+s4], $0x78, $0x38;
	[tilespmem:$0x1F300] =	vst v63  }
0x8d: {  	_ =	swait.ge [sflag:s25], $0x78  }
0x8e: {  	[sflag:s25] =	ssyncset.done $0x0  }
0x8f: {  	[sflag:s25] =	ssyncadd.s32 $0xFFFFFF88  }
0x90: {  	_ =	swait.ge [sflag:s25], $0x78  }
0x91: {  	[sflag:s25] =	ssyncset.done $0x0  }
0x92: {  	[sflag:s25] =	ssyncadd.s32 $0xFFFFFF88  }
0x93: {  	[tilespmem:s28], [sflag:$0x4] =	stream.indirect.gather [hbm4b:s2+s26], $0x80, s21, s26, $0xb8;
	[tilespmem:$0x1F300] =	vst v63  }
0x94: {  	_ =	swait.ge [sflag:s10], $0x3C00  }
0x95: {  	[sflag:s10] =	ssyncset.done $0x0  }
0x96: {  	[sflag:s10] =	ssyncadd.s32 $0xFFFFC400  }
0x97: {  	[spmem:s3] =	stream.indirect.scatter.add.f32 [tilespmem:s6], [sflag:$0x9], $0x80, s1, s26, $0xb8;
	[tilespmem:$0x1F300] =	vst v63  }
0x98: {  	_ =	swait.ge [sflag:s11], $0x3C00  }
0x99: {  	[sflag:s11] =	ssyncset.done $0x0  }
0x9a: {  	s18 =	sadd.s32 $0x3C, s16;
	[sflag:s11] =	ssyncadd.s32 $0xFFFFC400  }
0x9b: {  	[tilespmem:s23], [sflag:$0x2] =	stream.linear.gather [hbm4b:s18+s4], $0x78, $0x38;
	[tilespmem:$0x1F300] =	vst v63  }
0x9c: {  	s19 =	sadd.s32 $0x3C, s17  }
0x9d: {  	[tilespmem:s24], [sflag:$0x2] =	stream.linear.gather [hbm4b:s19+s4], $0x78, $0x38;
	[tilespmem:$0x1F300] =	vst v63  }
0x9e: {  	_ =	swait.ge [sflag:s29], $0x78  }
0x9f: {  	[sflag:s29] =	ssyncset.done $0x0  }
0xa0: {  	[sflag:s29] =	ssyncadd.s32 $0xFFFFFF88  }
0xa1: {  	_ =	swait.ge [sflag:s29], $0x78  }
0xa2: {  	[sflag:s29] =	ssyncset.done $0x0  }
0xa3: {  	[sflag:s29] =	ssyncadd.s32 $0xFFFFFF88  }
0xa4: {  	[tilespmem:s30], [sflag:$0x5] =	stream.indirect.gather [hbm4b:s2+s26], $0x80, s23, s26, $0xb8;
	[tilespmem:$0x1F300] =	vst v63  }
0xa5: {  	_ =	swait.ge [sflag:s31], $0x3C00  }
0xa6: {  	[sflag:s31] =	ssyncset.done $0x0  }
0xa7: {  	p0 =	sne.s32 s15, $0x492;
	[sflag:s31] =	ssyncadd.s32 $0xFFFFC400  }
0xa8: {  	[spmem:s3] =	stream.indirect.scatter.add.f32 [tilespmem:s28], [sflag:$0x7], $0x80, s22, s26, $0xb8;
	[tilespmem:$0x1F300] =	vst v63  }
.Ltmp0:
0xa9: {  	_ = 	snop;
	(pc) =	sbr.rel @p0 .LBB2_2-.Ltmp0, $4  }
0xaa: {  	_ =	swait.ge [sflag:s12], $0x3C00  }
0xab: {  	s15 =	sadd.s32 $0x2D, s15;
	[sflag:s12] =	ssyncset.done $0x0  }
0xac: {  	s19 =	sadd.s32 $0x4B, s16;
	s16 =	sadd.s32 $0x4B, s17;
	[sflag:s12] =	ssyncadd.s32 $0xFFFFC400  }
0xad: {  	[tilespmem:s0], [sflag:$0x3] =	stream.linear.gather [hbm4b:s19+s4], $0x78, $0x38;
	[tilespmem:$0x1F300] =	vst v63  }
0xae: {  	[tilespmem:s1], [sflag:$0x3] =	stream.linear.gather [hbm4b:s16+s4], $0x78, $0x38;
	[tilespmem:$0x1F300] =	vst v63  }
0xaf: {  	_ =	swait.ge [sflag:s5], $0x78  }
0xb0: {  	[sflag:s5] =	ssyncset.done $0x0  }
0xb1: {  	[sflag:s5] =	ssyncadd.s32 $0xFFFFFF88  }
0xb2: {  	_ =	swait.ge [sflag:s5], $0x78  }
0xb3: {  	[sflag:s5] =	ssyncset.done $0x0  }
0xb4: {  	[sflag:s5] =	ssyncadd.s32 $0xFFFFFF88  }
0xb5: {  	[tilespmem:s6], [sflag:$0x6] =	stream.indirect.gather [hbm4b:s2+s26], $0x80, s0, s26, $0xb8;
	[tilespmem:$0x1F300] =	vst v63  }
0xb6: {  	_ =	swait.ge [sflag:s8], $0x3C00  }
0xb7: {  	[sflag:s8] =	ssyncset.done $0x0  }
0xb8: {  	[sflag:s8] =	ssyncadd.s32 $0xFFFFC400  }
0xb9: {  	[spmem:s3] =	stream.indirect.scatter.add.f32 [tilespmem:s30], [sflag:$0x8], $0x80, s24, s26, $0xb8;
	[tilespmem:$0x1F300] =	vst v63  }
0xba: {  	_ =	swait.ge [sflag:s9], $0x3C00  }
0xbb: {  	[sflag:s9] =	ssyncset.done $0x0  }
0xbc: {  	s15 =	rddreg [dreg:$0xe];
	[sflag:s9] =	ssyncadd.s32 $0xFFFFC400  }
0xbd: {  	[tilespmem:s21], [sflag:$0x1] =	stream.linear.gather [hbm4b:s15+s4], $0x78, $0x38;
	[tilespmem:$0x1F300] =	vst v63  }
0xbe: {  	s19 =	rddreg [dreg:$0xf]  }
0xbf: {  	[tilespmem:s22], [sflag:$0x1] =	stream.linear.gather [hbm4b:s19+s4], $0x78, $0x38;
	[tilespmem:$0x1F300] =	vst v63  }
0xc0: {  	_ =	swait.ge [sflag:s25], $0x78  }
0xc1: {  	[sflag:s25] =	ssyncset.done $0x0  }
0xc2: {  	[sflag:s25] =	ssyncadd.s32 $0xFFFFFF88  }
0xc3: {  	_ =	swait.ge [sflag:s25], $0x78  }
0xc4: {  	[sflag:s25] =	ssyncset.done $0x0  }
0xc5: {  	[sflag:s25] =	ssyncadd.s32 $0xFFFFFF88  }
0xc6: {  	[tilespmem:s28], [sflag:$0x4] =	stream.indirect.gather [hbm4b:s2+s26], $0x80, s21, s26, $0xb8;
	[tilespmem:$0x1F300] =	vst v63  }
0xc7: {  	_ =	swait.ge [sflag:s10], $0x3C00  }
0xc8: {  	[sflag:s10] =	ssyncset.done $0x0  }
0xc9: {  	[sflag:s10] =	ssyncadd.s32 $0xFFFFC400  }
0xca: {  	[spmem:s3] =	stream.indirect.scatter.add.f32 [tilespmem:s6], [sflag:$0x9], $0x80, s1, s26, $0xb8;
	[tilespmem:$0x1F300] =	vst v63  }
0xcb: {  	_ =	swait.ge [sflag:s11], $0x3C00  }
0xcc: {  	[sflag:s11] =	ssyncset.done $0x0  }
0xcd: {  	s16 =	rddreg [dreg:$0x10];
	[sflag:s11] =	ssyncadd.s32 $0xFFFFC400  }
0xce: {  	[tilespmem:s23], [sflag:$0x2] =	stream.linear.gather [hbm4b:s16+s4], $0x78, $0x38;
	[tilespmem:$0x1F300] =	vst v63  }
0xcf: {  	s17 =	rddreg [dreg:$0x11]  }
0xd0: {  	[tilespmem:s24], [sflag:$0x2] =	stream.linear.gather [hbm4b:s17+s4], $0x78, $0x38;
	[tilespmem:$0x1F300] =	vst v63  }
0xd1: {  	_ =	swait.ge [sflag:s29], $0x78  }
0xd2: {  	[sflag:s29] =	ssyncset.done $0x0  }
0xd3: {  	[sflag:s29] =	ssyncadd.s32 $0xFFFFFF88  }
0xd4: {  	_ =	swait.ge [sflag:s29], $0x78  }
0xd5: {  	[sflag:s29] =	ssyncset.done $0x0  }
0xd6: {  	[sflag:s29] =	ssyncadd.s32 $0xFFFFFF88  }
0xd7: {  	[tilespmem:s30], [sflag:$0x5] =	stream.indirect.gather [hbm4b:s2+s26], $0x80, s23, s26, $0xb8;
	[tilespmem:$0x1F300] =	vst v63  }
0xd8: {  	_ =	swait.ge [sflag:s31], $0x3C00  }
0xd9: {  	[sflag:s31] =	ssyncset.done $0x0  }
0xda: {  	[sflag:s31] =	ssyncadd.s32 $0xFFFFC400  }
0xdb: {  	[spmem:s3] =	stream.indirect.scatter.add.f32 [tilespmem:s28], [sflag:$0x7], $0x80, s22, s26, $0xb8;
	[tilespmem:$0x1F300] =	vst v63  }
0xdc: {  	_ =	swait.ge [sflag:s12], $0x3C00  }
0xdd: {  	[sflag:s12] =	ssyncset.done $0x0  }
0xde: {  	[sflag:s12] =	ssyncadd.s32 $0xFFFFC400  }
0xdf: {  	_ =	swait.ge [sflag:s8], $0x3C00  }
0xe0: {  	[sflag:s8] =	ssyncset.done $0x0  }
0xe1: {  	[sflag:s8] =	ssyncadd.s32 $0xFFFFC400  }
0xe2: {  	[spmem:s3] =	stream.indirect.scatter.add.f32 [tilespmem:s30], [sflag:$0x8], $0x80, s24, s26, $0xb8;
	[tilespmem:$0x1F300] =	vst v63  }
0xe3: {  	_ =	swait.ge [sflag:s9], $0x3C00  }
0xe4: {  	[sflag:s9] =	ssyncset.done $0x0  }
0xe5: {  	[sflag:s9] =	ssyncadd.s32 $0xFFFFC400  }
0xe6: {  	_ =	swait.ge [sflag:s11], $0x3C00  }
0xe7: {  	[sflag:s11] =	ssyncset.done $0x0  }
0xe8: {  	[sflag:s11] =	ssyncadd.s32 $0xFFFFC400  }
0xe9: {  	[bflag:$0x0] =	sbarrier.arrive $0xFFFF  }
0xea: {  	s18 =	rddreg [dreg:$0x12]  }
0xeb: {  	[hbm:s18], [sflag:s7] =	dma.local [spmem:s14], $0x2780  }
0xec: {  	_ =	swait.ge [sflag:s20], $0x2780  }
0xed: {  	s13 =	sadd.s32 $0x1, s13;
	s19 =	rddreg [dreg:$0x13]  }
0xee: {  	p0 =	sne.s32 s13, s19  }
.Ltmp1:
0xef: {  	_ = 	snop;
	(pc) =	sbr.rel @p0 .LBB2_1-.Ltmp1, $3  }
0xf0: {  	_ =	sdelay $0x1  }
0xf1: {  	[sflag:s20] =	ssyncset.done $0x0  }
0xf2: {  	[sflag:s20] =	ssyncadd.s32 $0xFFFFD880  }
0xf3: {  	_ =	sfence.sel $0x180000  }
0xf4: {  	[bflag:$0x0] =	sbarrier.arrive $0xFFFF  }
0xf5: {  	_ =	strace $0x9000004D  }
0xf6: {  	s0 =	stileid.u32;
	[bflag:$0x2] =	sbarrier.arrive $0xFFFF  }
0xf7: {  	p0 =	sne.s32 s0, $0x0;
	s0 =	rddreg [dreg:$0x3]  }
0xf8: {  	s0 =	sadd.s32 @!p0 $0x100000, s0  }
0xf9: {  	[sflag:s0] =	ssyncadd.tile.s32 @!p0 $0x1;
	_ =	shalt  }
.Lfunc_end2:
_tile_overlayer_lowered:
.L_overlay_start_2:
0xfa: {  	(tag) =	ssettag $0x2  }
0xfb: {  	s0 =	rddreg [dreg:$0x0];
	s2 =	stileid.u32  }
0xfc: {  	s1 =	rddreg [dreg:$0x1];
	p0 =	sne.s32 s2, $0x0  }
0xfd: {  	s3 =	rddreg [dreg:$0x2];
	[bflag:$0x3] =	sbarrier.arrive $0xFFFF;
	s2 =	simm.s32 @!p0 $0x1C0A  }
0xfe: {  	[timem:s3], [sflag:s2] =	dma.local @!p0 [hbm:s0], s1  }
0xff: {  	s0 =	simm.s32 @!p0 $0xA  }
0x100: {  	_ =	swait.ge @!p0 [sflag:s0], s1  }
0x101: {  	s1 =	ssub.s32 @!p0 $0x0, s1;
	[sflag:s0] =	ssyncset.done @!p0 $0x0  }
0x102: {  	[sflag:s0] =	ssyncadd.s32 @!p0 s1  }
0x103: {  	[bflag:$0x3] =	sbarrier.arrive $0xFFFF  }
0x104: {  	_ =	shalt  }

// kernel: kernel.8.cloned.1.call-start
scs
__scs_entry_jumppad:
0x0: {  	(pc) =	sbr.rel $0x88, $3  }
0x1: {  	(tag) =	ssettag $0x0;
	lr =	simm.s32 $0x1  }
0x2: {  	[smem:$0x3F92] =	sst lr;
	_ =	strace $0xD0000000  }
0x3: {  	_ = 	snop  }
0x4: {  	_ = 	snop  }
0x5: {  	_ = 	snop  }
0x6: {  	_ = 	snop  }
0x7: {  	_ = 	snop  }
__scs_overlays_trampoline_lowered:
0x8: {  	[smem:$0x3FA1] =	sst s0  }
0x9: {  	[smem:$0x3FA2] =	sst s1  }
0xa: {  	[smem:$0x3FA3] =	sst s2  }
0xb: {  	[smem:$0x3FA4] =	sst s3  }
0xc: {  	[smem:$0x3FA5] =	sst s4  }
0xd: {  	[smem:$0x3FA6] =	sst s5  }
0xe: {  	[smem:$0x3FA7] =	sst s6  }
0xf: {  	[smem:$0x3FA8] =	sst s7  }
0x10: {  	[smem:$0x3FA9] =	sst s8  }
0x11: {  	[smem:$0x3FAA] =	sst s9;
	s0 =	simm.s32 @!p0 $0x0  }
0x12: {  	s1 =	sld [smem:$0x3F90];
	s0 =	simm.s32 @p0 $0x1  }
0x13: {  	[smem:$0x3FAB] =	sst s0;
	s0 =	simm.s32 @!p1 $0x0  }
0x14: {  	s2 =	sld [smem:$0x3F8F];
	s0 =	simm.s32 @p1 $0x1  }
0x15: {  	[smem:$0x3FAC] =	sst s0;
	s0 =	simm.s32 @!p2 $0x0  }
0x16: {  	s3 =	sld [smem:$0x3FDB];
	s0 =	simm.s32 @p2 $0x1  }
0x17: {  	s4 =	simm.s32 $0x1BF5;
	[smem:$0x3FAE] =	sst s0  }
0x18: {  	s0 =	sld [smem:$0x3F91];
	_ =	swait.ge [sflag:s4], $0x0  }
0x19: {  	s7 =	sld [smem:$0x3F92]  }
0x1a: {  	s8 =	sadd.s32 $0xFFFFE003, lr  }
0x1b: {  	s9 =	sadd.s32 $0xFFFFFEF7, lr;
	s5 =	simm.s32 $0xFFFFFFFF;
	p2 =	slt.u32 s8, $0xFFFFF086  }
0x1c: {  	p1 =	slt.u32 s9, $0xF7A;
	s5 =	simm.s32 @!p2 $0x0  }
0x1d: {  	s5 =	simm.s32 @p1 $0x1;
	p0 =	seq.s32 s7, s2  }
0x1e: {  	s7 =	smul.u32 @!p0 $0xF7A, s2;
	p2 =	seq.s32 @!p0 s5, $0x0  }
0x1f: {  	s9 =	smul.u32 $0xF7A, s1;
	s8 =	simm.s32 @!p0 $0x1BF5;
	p2 =	por !p2, p0  }
0x20: {  	[sflag:s8] =	ssyncset.s32 @!p0 $0xFFFFF086;
	s6 =	sadd.s32 @!p0 s3, s7;
	s7 =	simm.s32 @!p0 $0x108  }
0x21: {  	s3 =	sadd.s32 s3, s9;
	s6 =	sadd.s32 @!p0 $0x88, s6;
	s7 =	simm.s32 @p2 $0x1082  }
0x22: {  	[simem:s7], [sflag:s8] =	dma.local @!p0 [hbm:s6], $0xF7A  }
0x23: {  	s9 =	sor.u32 $0xD0000000, s2;
	s6 =	simm.s32 $0x108;
	_ =	swait.ge @!p0 [sflag:s8], $0x0  }
0x24: {  	s3 =	sadd.s32 $0x88, s3;
	s6 =	simm.s32 @!p1 $0x1082;
	[sflag:s4] =	ssyncset.s32 $0xFFFFF086  }
0x25: {  	[simem:s6], [sflag:s4] =	dma.local [hbm:s3], $0xF7A  }
0x26: {  	[smem:$0x3F92] =	sst s1;
	(tag) =	ssettag s2;
	_ =	strace s9  }
0x27: {  	s1 =	sld [smem:$0x3FA2]  }
0x28: {  	s2 =	sld [smem:$0x3FA3]  }
0x29: {  	s4 =	sld [smem:$0x3FA5]  }
0x2a: {  	p0 =	seq.s32 s5, $0x0;
	s5 =	sld [smem:$0x3FA6]  }
0x2b: {  	s6 =	sld [smem:$0x3FA7]  }
0x2c: {  	s7 =	sld [smem:$0x3FA8]  }
0x2d: {  	s3 =	simm.s32 $0x108;
	s8 =	sld [smem:$0x3FA9]  }
0x2e: {  	s3 =	simm.s32 @!p0 $0x1082;
	s9 =	sld [smem:$0x3FAA]  }
0x2f: {  	lr =	sadd.s32 s0, s3;
	s0 =	sld [smem:$0x3FA1]  }
0x30: {  	s3 =	sld [smem:$0x3FA4]  }
0x31: {  	[smem:$0x3FAD] =	sst s10  }
0x32: {  	s10 =	sld [smem:$0x3FAB];
	_ =	sdelay $0x3  }
0x33: {  	p0 =	seq.s32 s10, $0x1;
	s10 =	sld [smem:$0x3FAD];
	_ =	sdelay $0x3  }
0x34: {  	[smem:$0x3FAD] =	sst s10  }
0x35: {  	s10 =	sld [smem:$0x3FAC];
	_ =	sdelay $0x3  }
0x36: {  	p1 =	seq.s32 s10, $0x1;
	s10 =	sld [smem:$0x3FAD];
	_ =	sdelay $0x3  }
0x37: {  	[smem:$0x3FAD] =	sst s10  }
0x38: {  	s10 =	sld [smem:$0x3FAE]  }
0x39: {  	_ = 	snop;
	(pc) =	sbr.ind lr, $3  }
0x3a: {  	_ = 	snop  }
0x3b: {  	_ = 	snop  }
0x3c: {  	p2 =	seq.s32 s10, $0x1;
	s10 =	sld [smem:$0x3FAD]  }
0x3d: {  	_ =	shalt  }
0x3e: {  	_ =	shalt  }
0x3f: {  	_ =	shalt  }
0x40: {  	_ =	shalt  }
0x41: {  	_ =	shalt  }
0x42: {  	_ =	shalt  }
0x43: {  	_ =	shalt  }
0x44: {  	_ =	shalt  }
0x45: {  	_ =	shalt  }
0x46: {  	_ =	shalt  }
0x47: {  	_ =	shalt  }
0x48: {  	_ =	shalt  }
0x49: {  	_ =	shalt  }
0x4a: {  	_ =	shalt  }
0x4b: {  	_ =	shalt  }
0x4c: {  	_ =	shalt  }
0x4d: {  	_ =	shalt  }
0x4e: {  	_ =	shalt  }
0x4f: {  	_ =	shalt  }
0x50: {  	_ =	shalt  }
0x51: {  	_ =	shalt  }
0x52: {  	_ =	shalt  }
0x53: {  	_ =	shalt  }
0x54: {  	_ =	shalt  }
0x55: {  	_ =	shalt  }
0x56: {  	_ =	shalt  }
0x57: {  	_ =	shalt  }
0x58: {  	_ =	shalt  }
0x59: {  	_ =	shalt  }
0x5a: {  	_ =	shalt  }
0x5b: {  	_ =	shalt  }
0x5c: {  	_ =	shalt  }
0x5d: {  	_ =	shalt  }
0x5e: {  	_ =	shalt  }
0x5f: {  	_ =	shalt  }
0x60: {  	_ =	shalt  }
0x61: {  	_ =	shalt  }
0x62: {  	_ =	shalt  }
0x63: {  	_ =	shalt  }
0x64: {  	_ =	shalt  }
0x65: {  	_ =	shalt  }
0x66: {  	_ =	shalt  }
0x67: {  	_ =	shalt  }
0x68: {  	_ =	shalt  }
0x69: {  	_ =	shalt  }
0x6a: {  	_ =	shalt  }
0x6b: {  	_ =	shalt  }
0x6c: {  	_ =	shalt  }
0x6d: {  	_ =	shalt  }
0x6e: {  	_ =	shalt  }
0x6f: {  	_ =	shalt  }
0x70: {  	_ =	shalt  }
0x71: {  	_ =	shalt  }
0x72: {  	_ =	shalt  }
0x73: {  	_ =	shalt  }
0x74: {  	_ =	shalt  }
0x75: {  	_ =	shalt  }
0x76: {  	_ =	shalt  }
0x77: {  	_ =	shalt  }
0x78: {  	_ =	shalt  }
0x79: {  	_ =	shalt  }
0x7a: {  	_ =	shalt  }
0x7b: {  	_ =	shalt  }
0x7c: {  	_ =	shalt  }
0x7d: {  	_ =	shalt  }
0x7e: {  	_ =	shalt  }
0x7f: {  	_ =	shalt  }
0x80: {  	_ =	shalt  }
0x81: {  	_ =	shalt  }
0x82: {  	_ =	shalt  }
0x83: {  	_ =	shalt  }
0x84: {  	_ =	shalt  }
0x85: {  	_ =	shalt  }
0x86: {  	_ =	shalt  }
0x87: {  	_ =	shalt  }
.Lfunc_end0:
.L_simem_size_0:
called_computation_lowered:
.L_overlay_start_0:
0x88: {  	s2 =	sld [smem:$0x3FD9]  }
0x89: {  	s3 =	sld [smem:$0x3FFE];
	_ =	sdelay $0x1  }
0x8a: {  	s1 =	srdreg.scid  }
0x8b: {  	s0 =	sand.u32 $0x1, s1  }
0x8c: {  	s17 =	sshll.u32 s0, $0xA;
	s2 =	sadd.s32 s3, s2  }
0x8d: {  	s2 =	sadd.s32 s2, s17  }
0x8e: {  	[smem:$0x3FB9] =	sst s2  }
0x8f: {  	_ = 	snop  }
0x90: {  	s2 =	sld [smem:$0x3FC9]  }
0x91: {  	s18 =	sld [smem:$0x3FD0];
	(tm) =	ssettm $0x1  }
0x92: {  	s4 =	sld [smem:$0x3FFB];
	_ =	sdelay $0x3  }
0x93: {  	_ =	strace s4  }
0x94: {  	s4 =	sld [smem:$0x3FFC];
	_ =	sdelay $0x3  }
0x95: {  	_ =	strace s4  }
0x96: {  	s4 =	sld [smem:$0x3FFD];
	_ =	sdelay $0x3  }
0x97: {  	_ =	strace s4  }
0x98: {  	_ =	strace $0x8FFFFFFF  }
0x99: {  	s19 =	sld [smem:$0x3FDB];
	_ =	sdelay $0x1  }
0x9a: {  	s5 =	simm.s32 $_scs_section_size  }
0x9b: {  	s6 =	simm.s32 $_size__tile_overlayer_lowered;
	s7 =	simm.s32 $_tile_overlayer_lowered  }
0x9c: {  	s22 =	simm.s32 $0x1BFF;
	s21 =	sshll.u32 s7, $0x1;
	s4 =	sadd.s32 s5, s19  }
0x9d: {  	s8 =	simm.s32 $0x0;
	s20 =	sshll.u32 s6, $0x1;
	s6 =	sadd.s32 s21, s4  }
0x9e: {  	[timem:s8], [sflag:s22] =	dma.local [hbm:s6], s20  }
0x9f: {  	_ =	swait.ge [sflag:s22], s20  }
0xa0: {  	s5 =	ssub.s32 $0x0, s20;
	[sflag:s22] =	ssyncset.done $0x0  }
0xa1: {  	[sflag:s22] =	ssyncadd.s32 s5;
	_ =	sdelay $0x1  }
0xa2: {  	s23 =	simm.s32 $0x1B8B  }
0xa3: {  	_ =	swait.ge [sflag:s23], $0x1  }
0xa4: {  	[sflag:s23] =	ssyncset.done $0x0  }
0xa5: {  	s25 =	simm.s32 $0x1B8E;
	s24 =	sld [smem:$0x3FFE];
	[sflag:s23] =	ssyncadd.s32 $0xFFFFFFFF  }
0xa6: {  	s26 =	simm.s32 $execute0_lowered;
	[smem:$0x3FD2] =	sst s25  }
0xa7: {  	s6 =	sshll.u32 s26, $0x1;
	_ =	strace $0x80000046;
	[dreg:$0x1] =	wrdreg $0xFFFFFFFF  }
0xa8: {  	s28 =	simm.s32 $_size_execute0_lowered;
	s4 =	sadd.s32 s4, s6;
	[dreg:$0x0] =	wrdreg $0x0  }
0xa9: {  	s6 =	sshll.u32 s28, $0x1;
	[dreg:$0x2] =	wrdreg s4  }
0xaa: {  	[dreg:$0x3] =	wrdreg s6  }
0xab: {  	[dreg:$0x4] =	wrdreg $0xC0  }
0xac: {  	_ =	task [dreg:s8], $0x5FFFF  }
0xad: {  	[dreg:$0x1] =	wrdreg $0xFFFFFFFF  }
0xae: {  	[dreg:$0x0] =	wrdreg $0x60  }
0xaf: {  	[dreg:$0x2] =	wrdreg s2  }
0xb0: {  	[dreg:$0x3] =	wrdreg s24  }
0xb1: {  	[dreg:$0x4] =	wrdreg s18  }
0xb2: {  	[dreg:$0x5] =	wrdreg $0x0  }
0xb3: {  	[dreg:$0x6] =	wrdreg $0x13C000  }
0xb4: {  	[dreg:$0x7] =	wrdreg $0x9  }
0xb5: {  	_ =	task.clear_ibuf [dreg:s8], $0x8FFFF;
	_ =	strace $0x90000046  }
0xb6: {  	s29 =	simm.s32 $0x9;
	_ =	strace $0x80000048  }
0xb7: {  	_ =	swait.ge [sflag:s29], $0x1  }
0xb8: {  	[sflag:s29] =	ssyncadd.s32 $0xFFFFFFFF  }
0xb9: {  	_ =	strace $0x90000048  }
0xba: {  	_ =	sfence  }
0xbb: {  	s30 =	sld [smem:$0x0];
	_ =	sdelay $0x2  }
0xbc: {  	s31 =	sshll.u32 s1, $0xD;
	s1 =	sshrl.u32 s1, $0x2  }
0xbd: {  	s3 =	sand.u32 $0x4000, s31;
	s1 =	sadd.s32 s1, s30  }
0xbe: {  	s0 =	sor.u32 s3, s0;
	s1 =	sshll.u32 s1, $0x11  }
0xbf: {  	s0 =	sor.u32 s1, s0  }
0xc0: {  	s0 =	sadd.s32 $0x8F2B, s0  }
0xc1: {  	[sflag:s0] =	ssyncadd.remote.s32 $0x1  }
0xc2: {  	_ =	sfence.sel $0xFFFF  }
0xc3: {  	[dreg:$0x0] =	wrdreg $0xFFFFFFFF;
	(pc) =	sbr.abs _section_cstart, $3  }
0xc4: {  	[dreg:$0x1] =	wrdreg $0xFFFFFFFF  }
0xc5: {  	_ =	task.clear_ibuf [dreg:s8], $0x2FFFF;
	_ =	strace $0x9FFFFFFF  }
0xc6: {  	(tm) =	ssettm $0x7FFFFFFF  }
0xc7: {  	_ =	shalt  }
tec
execute0_lowered:
.L_overlay_start_1:
0x0: {  	(tag) =	ssettag $0x1  }
0x1: {  	s1 =	rddreg [dreg:$0x0]  }
0x2: {  	s0 =	rddreg [dreg:$0x1]  }
0x3: {  	s3 =	rddreg [dreg:$0x2]  }
0x4: {  	s2 =	rddreg [dreg:$0x3]  }
0x5: {  	s4 =	rddreg [dreg:$0x4];
	s5 =	simm.s32 $0x0;
	s18 =	stileid.u32  }
0x6: {  	s6 =	srdreg.scid;
	s28 =	simm.s32 $0x1F578;
	s7 =	smul.u32 $0x13C00, s18  }
0x7: {  	s29 =	simm.s32 $0x13E78;
	s30 =	simm.s32 $0x13FF8;
	s12 =	smul.u32 $0x278, s18  }
0x8: {  	s31 =	simm.s32 $0x13EF8;
	s6 =	sand.u32 $0x1, s6;
	s20 =	smul.u32 $0xA14, s18  }
0x9: {  	[smem:$0x7FF] =	sst s5;
	s8 =	sadd.s32 $0x3E00, s0;
	s10 =	smul.u32 $0x13C000, s6  }
0xa: {  	s9 =	sadd.s32 $0xE000, s0;
	s13 =	sshll.u32 s18, $0x1;
	s25 =	smul.u32 $0x2780, s6  }
0xb: {  	s13 =	sor.u32 s6, s13;
	s14 =	ssub.s32 $0x2, s6;
	s6 =	smul.u32 $0x50A, s6  }
0xc: {  	_ =	strace $0x80000047;
	s11 =	sshrl.u32 s7, $0x3;
	s15 =	smul.u32 $0x50A, s13  }
0xd: {  	s16 =	sshrl.u32 s14, $0x1;
	s17 =	sshrl.u32 s12, $0x3;
	s13 =	smul.u32 $0x2850, s13  }
0xe: {  	s24 =	sadd.s32 s20, s8;
	s7 =	sadd.s32 s7, s10;
	s10 =	sadd.s32 s12, s25  }
0xf: {  	s14 =	ssub.s32 s14, s16;
	s3 =	sadd.s32 s3, s17;
	s7 =	sshrl.u32 s7, $0x3  }
0x10: {  	[dreg:$0x8] =	wrdreg s3;
	s26 =	sadd.s32 s8, s15;
	s16 =	sadd.s32 s9, s15  }
0x11: {  	s17 =	sadd.s32 $0x78, s13;
	s19 =	sshrl.u32 s13, $0x3;
	[dreg:$0x9] =	wrdreg s26  }
0x12: {  	s13 =	sadd.s32 $0x27D8, s13;
	s10 =	sshrl.u32 s10, $0x3;
	[dreg:$0xa] =	wrdreg s16  }
0x13: {  	s3 =	sshrl.u32 s17, $0x3;
	s22 =	sadd.s32 $0x1E, s19;
	s15 =	sadd.s32 $0x4EC, s19  }
0x14: {  	s13 =	sshrl.u32 s13, $0x3;
	s16 =	smul.u32 $0x4F000, s18;
	s21 =	sadd.s32 s8, s3  }
0x15: {  	s7 =	sadd.s32 s7, s0;
	s3 =	sadd.s32 s9, s3;
	[dreg:$0xb] =	wrdreg s21  }
0x16: {  	s10 =	sadd.s32 s10, s0;
	s23 =	sadd.s32 s8, s22;
	[dreg:$0xc] =	wrdreg s3  }
0x17: {  	s17 =	sadd.s32 s9, s22;
	s25 =	sadd.s32 s8, s15;
	[dreg:$0xd] =	wrdreg s23  }
0x18: {  	s26 =	sadd.s32 s9, s15;
	s8 =	sadd.s32 s8, s13;
	[dreg:$0xe] =	wrdreg s17  }
0x19: {  	s13 =	sadd.s32 s9, s13;
	s15 =	sadd.s32 s20, s9;
	[dreg:$0xf] =	wrdreg s25  }
0x1a: {  	s22 =	sshll.u32 s18, $0x6;
	s9 =	simm.s32 $0x17D78;
	[dreg:$0x10] =	wrdreg s26  }
0x1b: {  	s18 =	simm.s32 $0x8;
	s3 =	sadd.s32 s6, s24;
	[dreg:$0x11] =	wrdreg s8  }
0x1c: {  	[dreg:$0x12] =	wrdreg s13;
	s17 =	sadd.s32 s11, s0;
	s0 =	sadd.s32 $0x18200, s0  }
0x1d: {  	s19 =	sshrl.u32 s16, $0x2;
	s20 =	sadd.s32 s6, s15;
	s21 =	sor.u32 $0x1C0A, s22  }
0x1e: {  	s24 =	sadd.s32 $0x3FC00, s7;
	s25 =	sadd.s32 $0x8EC00, s10;
	s26 =	smax.u32 s14, $0x1  }
0x1f: {  	s6 =	simm.s32 $0x78;
	s7 =	simm.s32 $0x14178;
	[dreg:$0x6] =	wrdreg s3  }
0x20: {  	s8 =	simm.s32 $0x2;
	s10 =	simm.s32 $0x4;
	[dreg:$0x13] =	wrdreg s0  }
0x21: {  	s11 =	simm.s32 $0x13F78;
	s13 =	simm.s32 $0x3;
	[dreg:$0x18] =	wrdreg s24  }
0x22: {  	s14 =	simm.s32 $0x1B978;
	s15 =	simm.s32 $0x5;
	[dreg:$0x19] =	wrdreg s25  }
0x23: {  	s16 =	simm.s32 $0x7;
	s22 =	simm.s32 $0x0;
	[dreg:$0x1a] =	wrdreg s26  }
0x24: {  	s0 =	sadd.s32 s19, s2;
	s23 =	sadd.s32 $0x18400, s17;
	[dreg:$0x7] =	wrdreg s20  }
0x25: {  	s25 =	simm.s32 $0xA;
	s24 =	simm.s32 $0x1F5F8;
	[dreg:$0x16] =	wrdreg s21  }
0x26: {  	s3 =	simm.s32 $0x1;
	s17 =	simm.s32 $0x6;
	[dreg:$0x14] =	wrdreg s0  }
0x27: {  	s19 =	simm.s32 $0x9;
	[dreg:$0x15] =	wrdreg s23;
	s23 =	sadd.s32 s12, s4  }
0x28: {  	s0 =	simm.s32 $0x14078;
	s12 =	simm.s32 $0x140F8;
	[dreg:$0x17] =	wrdreg s23  }
.LBB2_1:
0x29: {  	s20 =	rddreg [dreg:$0x14]  }
0x2a: {  	s26 =	sshrl.u32 s20, $0x3;
	s20 =	rddreg [dreg:$0x15]  }
0x2b: {  	[dreg:$0x1b] =	wrdreg s26  }
0x2c: {  	[spmem:s26], [sflag:s21] =	dma.local [hbm:s20], $0x2780  }
0x2d: {  	_ =	swait.ge [sflag:s25], $0x2780  }
0x2e: {  	[sflag:s25] =	ssyncset.done $0x0  }
0x2f: {  	s21 =	rddreg [dreg:$0x8];
	[sflag:s25] =	ssyncadd.s32 $0xFFFFD880  }
0x30: {  	[tilespmem:s24], [sflag:$0xA] =	stream.linear.gather [hbm4b:s21+s5], $0x278, $0x38;
	[tilespmem:$0x1F878] =	vst v63  }
0x31: {  	_ =	swait.ge [sflag:s25], $0x278  }
0x32: {  	[sflag:s25] =	ssyncset.done $0x0  }
0x33: {  	[sflag:s25] =	ssyncadd.s32 $0xFFFFFD88  }
0x34: {  	[spmem:s23] =	stream.linear.scatter [tilespmem:s24], [sflag:$0xA], $0x278, $0x38;
	[tilespmem:$0x1F878] =	vst v63  }
0x35: {  	_ =	swait.ge [sflag:s25], $0x278  }
0x36: {  	[sflag:s25] =	ssyncset.done $0x0  }
0x37: {  	s26 =	rddreg [dreg:$0x13];
	[sflag:s25] =	ssyncadd.s32 $0xFFFFFD88  }
0x38: {  	[tilespmem:s28], [sflag:$0xA] =	stream.linear.gather [hbm4b:s26+s5], $0x80, $0x38;
	[tilespmem:$0x1F878] =	vst v63  }
0x39: {  	_ =	swait.ge [sflag:s25], $0x80  }
0x3a: {  	[sflag:s25] =	ssyncset.done $0x0  }
0x3b: {  	[sflag:s25] =	ssyncadd.s32 $0xFFFFFF80  }
0x3c: {  	[bflag:$0x0] =	sbarrier.arrive $0xFFFF  }
0x3d: {  	s21 =	rddreg [dreg:$0x9]  }
0x3e: {  	[tilespmem:s29], [sflag:$0x1] =	stream.linear.gather [hbm4b:s21+s5], $0x78, $0x38;
	[tilespmem:$0x1F878] =	vst v63  }
0x3f: {  	s23 =	rddreg [dreg:$0xa]  }
0x40: {  	[tilespmem:s30], [sflag:$0x1] =	stream.linear.gather [hbm4b:s23+s5], $0x78, $0x38;
	[tilespmem:$0x1F878] =	vst v63  }
0x41: {  	s24 =	rddreg [dreg:$0xb]  }
0x42: {  	[tilespmem:s31], [sflag:$0x2] =	stream.linear.gather [hbm4b:s24+s5], $0x78, $0x38;
	[tilespmem:$0x1F878] =	vst v63  }
0x43: {  	s26 =	rddreg [dreg:$0xc]  }
0x44: {  	[tilespmem:s0], [sflag:$0x2] =	stream.linear.gather [hbm4b:s26+s5], $0x78, $0x38;
	[tilespmem:$0x1F878] =	vst v63  }
0x45: {  	_ =	swait.ge [sflag:s3], $0x78  }
0x46: {  	[sflag:s3] =	ssyncset.done $0x0  }
0x47: {  	[sflag:s3] =	ssyncadd.s32 $0xFFFFFF88  }
0x48: {  	_ =	swait.ge [sflag:s3], $0x78  }
0x49: {  	[sflag:s3] =	ssyncset.done $0x0  }
0x4a: {  	[sflag:s3] =	ssyncadd.s32 $0xFFFFFF88  }
0x4b: {  	[tilespmem:s7], [sflag:$0x4] =	stream.indirect.gather [hbm4b:s1+s6], $0x80, s29, s6, $0xb8;
	[tilespmem:$0x1F878] =	vst v63  }
0x4c: {  	_ =	swait.ge [sflag:s8], $0x78  }
0x4d: {  	[sflag:s8] =	ssyncset.done $0x0  }
0x4e: {  	[sflag:s8] =	ssyncadd.s32 $0xFFFFFF88  }
0x4f: {  	_ =	swait.ge [sflag:s8], $0x78  }
0x50: {  	[sflag:s8] =	ssyncset.done $0x0  }
0x51: {  	[sflag:s8] =	ssyncadd.s32 $0xFFFFFF88  }
0x52: {  	[tilespmem:s9], [sflag:$0x5] =	stream.indirect.gather [hbm4b:s1+s6], $0x80, s31, s6, $0xb8;
	[tilespmem:$0x1F878] =	vst v63  }
0x53: {  	_ =	swait.ge [sflag:s10], $0x3C00  }
0x54: {  	[sflag:s10] =	ssyncset.done $0x0  }
0x55: {  	[sflag:s10] =	ssyncadd.s32 $0xFFFFC400  }
0x56: {  	[spmem:s2] =	stream.indirect.scatter.add.f32 [tilespmem:s7], [sflag:$0x7], $0x80, s30, s6, $0xb8;
	[tilespmem:$0x1F878] =	vst v63  }
0x57: {  	_ = 	snop  }
0x58: {  	[spmem:s4] =	stream.indirect.scatter.add.f32 [tilespmem:s28], [sflag:$0x7], $0x1, s30, s6, $0xb8;
	[tilespmem:$0x1F878] =	vst v63  }
0x59: {  	s21 =	rddreg [dreg:$0xd]  }
0x5a: {  	[tilespmem:s11], [sflag:$0x3] =	stream.linear.gather [hbm4b:s21+s5], $0x78, $0x38;
	[tilespmem:$0x1F878] =	vst v63  }
0x5b: {  	s23 =	rddreg [dreg:$0xe]  }
0x5c: {  	[tilespmem:s12], [sflag:$0x3] =	stream.linear.gather [hbm4b:s23+s5], $0x78, $0x38;
	[tilespmem:$0x1F878] =	vst v63  }
0x5d: {  	_ =	swait.ge [sflag:s13], $0x78  }
0x5e: {  	[sflag:s13] =	ssyncset.done $0x0  }
0x5f: {  	[sflag:s13] =	ssyncadd.s32 $0xFFFFFF88  }
0x60: {  	_ =	swait.ge [sflag:s13], $0x78  }
0x61: {  	[sflag:s13] =	ssyncset.done $0x0  }
0x62: {  	[sflag:s13] =	ssyncadd.s32 $0xFFFFFF88  }
0x63: {  	[tilespmem:s14], [sflag:$0x6] =	stream.indirect.gather [hbm4b:s1+s6], $0x80, s11, s6, $0xb8;
	[tilespmem:$0x1F878] =	vst v63  }
0x64: {  	_ =	swait.ge [sflag:s15], $0x3C00  }
0x65: {  	[sflag:s15] =	ssyncset.done $0x0  }
0x66: {  	[sflag:s15] =	ssyncadd.s32 $0xFFFFC400  }
0x67: {  	[spmem:s2] =	stream.indirect.scatter.add.f32 [tilespmem:s9], [sflag:$0x8], $0x80, s0, s6, $0xb8;
	[tilespmem:$0x1F878] =	vst v63  }
0x68: {  	_ = 	snop  }
0x69: {  	[spmem:s4] =	stream.indirect.scatter.add.f32 [tilespmem:s28], [sflag:$0x8], $0x1, s0, s6, $0xb8;
	[tilespmem:$0x1F878] =	vst v63  }
0x6a: {  	_ =	swait.ge [sflag:s16], $0x3C00  }
0x6b: {  	[sflag:s16] =	ssyncset.done $0x0  }
0x6c: {  	[sflag:s16] =	ssyncadd.s32 $0xFFFFC400  }
0x6d: {  	_ =	swait.ge [sflag:s16], $0x78  }
0x6e: {  	s24 =	rddreg [dreg:$0x6]  }
0x6f: {  	s26 =	rddreg [dreg:$0x7];
	[sflag:s16] =	ssyncset.done $0x0;
	s20 =	sadd.s32 $0x0, s24  }
0x70: {  	[sflag:s16] =	ssyncadd.s32 $0xFFFFFF88;
	s21 =	sadd.s32 $0x0, s26;
	s23 =	sadd.s32 $0x2D, s20  }
0x71: {  	[tilespmem:s29], [sflag:$0x1] =	stream.linear.gather [hbm4b:s23+s5], $0x78, $0x38;
	[tilespmem:$0x1F878] =	vst v63  }
0x72: {  	s26 =	sadd.s32 $0x2D, s21  }
0x73: {  	[tilespmem:s30], [sflag:$0x1] =	stream.linear.gather [hbm4b:s26+s5], $0x78, $0x38;
	[tilespmem:$0x1F878] =	vst v63  }
0x74: {  	_ =	swait.ge [sflag:s3], $0x78  }
0x75: {  	[sflag:s3] =	ssyncset.done $0x0  }
0x76: {  	[sflag:s3] =	ssyncadd.s32 $0xFFFFFF88  }
0x77: {  	_ =	swait.ge [sflag:s3], $0x78  }
0x78: {  	[sflag:s3] =	ssyncset.done $0x0  }
0x79: {  	[sflag:s3] =	ssyncadd.s32 $0xFFFFFF88  }
0x7a: {  	[tilespmem:s7], [sflag:$0x4] =	stream.indirect.gather [hbm4b:s1+s6], $0x80, s29, s6, $0xb8;
	[tilespmem:$0x1F878] =	vst v63  }
0x7b: {  	_ =	swait.ge [sflag:s17], $0x3C00  }
0x7c: {  	[sflag:s17] =	ssyncset.done $0x0  }
0x7d: {  	[sflag:s17] =	ssyncadd.s32 $0xFFFFC400  }
0x7e: {  	[spmem:s2] =	stream.indirect.scatter.add.f32 [tilespmem:s14], [sflag:$0x9], $0x80, s12, s6, $0xb8;
	[tilespmem:$0x1F878] =	vst v63  }
0x7f: {  	_ = 	snop  }
0x80: {  	[spmem:s4] =	stream.indirect.scatter.add.f32 [tilespmem:s28], [sflag:$0x9], $0x1, s12, s6, $0xb8;
	[tilespmem:$0x1F878] =	vst v63  }
0x81: {  	_ =	swait.ge [sflag:s18], $0x3C00  }
0x82: {  	[sflag:s18] =	ssyncset.done $0x0  }
0x83: {  	[sflag:s18] =	ssyncadd.s32 $0xFFFFC400  }
0x84: {  	_ =	swait.ge [sflag:s18], $0x78  }
0x85: {  	[sflag:s18] =	ssyncset.done $0x0  }
0x86: {  	s23 =	sadd.s32 $0x3C, s20;
	[sflag:s18] =	ssyncadd.s32 $0xFFFFFF88  }
0x87: {  	[tilespmem:s31], [sflag:$0x2] =	stream.linear.gather [hbm4b:s23+s5], $0x78, $0x38;
	[tilespmem:$0x1F878] =	vst v63  }
0x88: {  	s26 =	sadd.s32 $0x3C, s21  }
0x89: {  	[tilespmem:s0], [sflag:$0x2] =	stream.linear.gather [hbm4b:s26+s5], $0x78, $0x38;
	[tilespmem:$0x1F878] =	vst v63  }
0x8a: {  	_ =	swait.ge [sflag:s8], $0x78  }
0x8b: {  	[sflag:s8] =	ssyncset.done $0x0  }
0x8c: {  	[sflag:s8] =	ssyncadd.s32 $0xFFFFFF88  }
0x8d: {  	_ =	swait.ge [sflag:s8], $0x78  }
0x8e: {  	[sflag:s8] =	ssyncset.done $0x0  }
0x8f: {  	[sflag:s8] =	ssyncadd.s32 $0xFFFFFF88  }
0x90: {  	[tilespmem:s9], [sflag:$0x5] =	stream.indirect.gather [hbm4b:s1+s6], $0x80, s31, s6, $0xb8;
	[tilespmem:$0x1F878] =	vst v63  }
0x91: {  	_ =	swait.ge [sflag:s10], $0x3C00  }
0x92: {  	[sflag:s10] =	ssyncset.done $0x0  }
0x93: {  	[sflag:s10] =	ssyncadd.s32 $0xFFFFC400  }
0x94: {  	[spmem:s2] =	stream.indirect.scatter.add.f32 [tilespmem:s7], [sflag:$0x7], $0x80, s30, s6, $0xb8;
	[tilespmem:$0x1F878] =	vst v63  }
0x95: {  	_ = 	snop  }
0x96: {  	[spmem:s4] =	stream.indirect.scatter.add.f32 [tilespmem:s28], [sflag:$0x7], $0x1, s30, s6, $0xb8;
	[tilespmem:$0x1F878] =	vst v63  }
0x97: {  	_ =	swait.ge [sflag:s19], $0x3C00  }
0x98: {  	[sflag:s19] =	ssyncset.done $0x0  }
0x99: {  	[sflag:s19] =	ssyncadd.s32 $0xFFFFC400  }
0x9a: {  	_ =	swait.ge [sflag:s19], $0x78  }
0x9b: {  	[sflag:s19] =	ssyncset.done $0x0  }
0x9c: {  	s20 =	sadd.s32 $0x4B, s20;
	[sflag:s19] =	ssyncadd.s32 $0xFFFFFF88  }
0x9d: {  	[tilespmem:s11], [sflag:$0x3] =	stream.linear.gather [hbm4b:s20+s5], $0x78, $0x38;
	[tilespmem:$0x1F878] =	vst v63  }
0x9e: {  	s24 =	simm.s32 $0x2D;
	s20 =	sadd.s32 $0x4B, s21  }
.LBB2_2:
0x9f: {  	[tilespmem:s12], [sflag:$0x3] =	stream.linear.gather [hbm4b:s20+s5], $0x78, $0x38;
	[tilespmem:$0x1F878] =	vst v63  }
0xa0: {  	_ =	swait.ge [sflag:s13], $0x78  }
0xa1: {  	[sflag:s13] =	ssyncset.done $0x0  }
0xa2: {  	[sflag:s13] =	ssyncadd.s32 $0xFFFFFF88  }
0xa3: {  	_ =	swait.ge [sflag:s13], $0x78  }
0xa4: {  	[sflag:s13] =	ssyncset.done $0x0  }
0xa5: {  	[sflag:s13] =	ssyncadd.s32 $0xFFFFFF88  }
0xa6: {  	[tilespmem:s14], [sflag:$0x6] =	stream.indirect.gather [hbm4b:s1+s6], $0x80, s11, s6, $0xb8;
	[tilespmem:$0x1F878] =	vst v63  }
0xa7: {  	_ =	swait.ge [sflag:s15], $0x3C00  }
0xa8: {  	[sflag:s15] =	ssyncset.done $0x0  }
0xa9: {  	[sflag:s15] =	ssyncadd.s32 $0xFFFFC400  }
0xaa: {  	[spmem:s2] =	stream.indirect.scatter.add.f32 [tilespmem:s9], [sflag:$0x8], $0x80, s0, s6, $0xb8;
	[tilespmem:$0x1F878] =	vst v63  }
0xab: {  	_ = 	snop  }
0xac: {  	[spmem:s4] =	stream.indirect.scatter.add.f32 [tilespmem:s28], [sflag:$0x8], $0x1, s0, s6, $0xb8;
	[tilespmem:$0x1F878] =	vst v63  }
0xad: {  	_ =	swait.ge [sflag:s16], $0x3C00  }
0xae: {  	[sflag:s16] =	ssyncset.done $0x0  }
0xaf: {  	[sflag:s16] =	ssyncadd.s32 $0xFFFFC400  }
0xb0: {  	_ =	swait.ge [sflag:s16], $0x78  }
0xb1: {  	s21 =	smov.u32 s24;
	s23 =	rddreg [dreg:$0x6]  }
0xb2: {  	s26 =	rddreg [dreg:$0x7];
	[sflag:s16] =	ssyncset.done $0x0;
	s20 =	sadd.s32 s21, s23  }
0xb3: {  	[sflag:s16] =	ssyncadd.s32 $0xFFFFFF88;
	s21 =	sadd.s32 s21, s26;
	s23 =	sadd.s32 $0x2D, s20  }
0xb4: {  	[tilespmem:s29], [sflag:$0x1] =	stream.linear.gather [hbm4b:s23+s5], $0x78, $0x38;
	[tilespmem:$0x1F878] =	vst v63  }
0xb5: {  	s26 =	sadd.s32 $0x2D, s21  }
0xb6: {  	[tilespmem:s30], [sflag:$0x1] =	stream.linear.gather [hbm4b:s26+s5], $0x78, $0x38;
	[tilespmem:$0x1F878] =	vst v63  }
0xb7: {  	_ =	swait.ge [sflag:s3], $0x78  }
0xb8: {  	[sflag:s3] =	ssyncset.done $0x0  }
0xb9: {  	[sflag:s3] =	ssyncadd.s32 $0xFFFFFF88  }
0xba: {  	_ =	swait.ge [sflag:s3], $0x78  }
0xbb: {  	[sflag:s3] =	ssyncset.done $0x0  }
0xbc: {  	[sflag:s3] =	ssyncadd.s32 $0xFFFFFF88  }
0xbd: {  	[tilespmem:s7], [sflag:$0x4] =	stream.indirect.gather [hbm4b:s1+s6], $0x80, s29, s6, $0xb8;
	[tilespmem:$0x1F878] =	vst v63  }
0xbe: {  	_ =	swait.ge [sflag:s17], $0x3C00  }
0xbf: {  	[sflag:s17] =	ssyncset.done $0x0  }
0xc0: {  	[sflag:s17] =	ssyncadd.s32 $0xFFFFC400  }
0xc1: {  	[spmem:s2] =	stream.indirect.scatter.add.f32 [tilespmem:s14], [sflag:$0x9], $0x80, s12, s6, $0xb8;
	[tilespmem:$0x1F878] =	vst v63  }
0xc2: {  	_ = 	snop  }
0xc3: {  	[spmem:s4] =	stream.indirect.scatter.add.f32 [tilespmem:s28], [sflag:$0x9], $0x1, s12, s6, $0xb8;
	[tilespmem:$0x1F878] =	vst v63  }
0xc4: {  	_ =	swait.ge [sflag:s18], $0x3C00  }
0xc5: {  	[sflag:s18] =	ssyncset.done $0x0  }
0xc6: {  	[sflag:s18] =	ssyncadd.s32 $0xFFFFC400  }
0xc7: {  	_ =	swait.ge [sflag:s18], $0x78  }
0xc8: {  	[sflag:s18] =	ssyncset.done $0x0  }
0xc9: {  	s23 =	sadd.s32 $0x3C, s20;
	[sflag:s18] =	ssyncadd.s32 $0xFFFFFF88  }
0xca: {  	[tilespmem:s31], [sflag:$0x2] =	stream.linear.gather [hbm4b:s23+s5], $0x78, $0x38;
	[tilespmem:$0x1F878] =	vst v63  }
0xcb: {  	s26 =	sadd.s32 $0x3C, s21  }
0xcc: {  	[tilespmem:s0], [sflag:$0x2] =	stream.linear.gather [hbm4b:s26+s5], $0x78, $0x38;
	[tilespmem:$0x1F878] =	vst v63  }
0xcd: {  	_ =	swait.ge [sflag:s8], $0x78  }
0xce: {  	[sflag:s8] =	ssyncset.done $0x0  }
0xcf: {  	[sflag:s8] =	ssyncadd.s32 $0xFFFFFF88  }
0xd0: {  	_ =	swait.ge [sflag:s8], $0x78  }
0xd1: {  	[sflag:s8] =	ssyncset.done $0x0  }
0xd2: {  	[sflag:s8] =	ssyncadd.s32 $0xFFFFFF88  }
0xd3: {  	[tilespmem:s9], [sflag:$0x5] =	stream.indirect.gather [hbm4b:s1+s6], $0x80, s31, s6, $0xb8;
	[tilespmem:$0x1F878] =	vst v63  }
0xd4: {  	_ =	swait.ge [sflag:s10], $0x3C00  }
0xd5: {  	[sflag:s10] =	ssyncset.done $0x0  }
0xd6: {  	[sflag:s10] =	ssyncadd.s32 $0xFFFFC400  }
0xd7: {  	[spmem:s2] =	stream.indirect.scatter.add.f32 [tilespmem:s7], [sflag:$0x7], $0x80, s30, s6, $0xb8;
	[tilespmem:$0x1F878] =	vst v63  }
0xd8: {  	_ = 	snop  }
0xd9: {  	[spmem:s4] =	stream.indirect.scatter.add.f32 [tilespmem:s28], [sflag:$0x7], $0x1, s30, s6, $0xb8;
	[tilespmem:$0x1F878] =	vst v63  }
0xda: {  	_ =	swait.ge [sflag:s19], $0x3C00  }
0xdb: {  	p0 =	sne.s32 s24, $0x492;
	[sflag:s19] =	ssyncset.done $0x0  }
.Ltmp0:
0xdc: {  	[sflag:s19] =	ssyncadd.s32 $0xFFFFC400;
	(pc) =	sbr.rel @p0 .LBB2_2-.Ltmp0, $4  }
0xdd: {  	_ =	swait.ge [sflag:s19], $0x78  }
0xde: {  	s24 =	sadd.s32 $0x2D, s24;
	[sflag:s19] =	ssyncset.done $0x0  }
0xdf: {  	s26 =	sadd.s32 $0x4B, s20;
	s20 =	sadd.s32 $0x4B, s21;
	[sflag:s19] =	ssyncadd.s32 $0xFFFFFF88  }
0xe0: {  	[tilespmem:s11], [sflag:$0x3] =	stream.linear.gather [hbm4b:s26+s5], $0x78, $0x38;
	[tilespmem:$0x1F878] =	vst v63  }
0xe1: {  	[tilespmem:s12], [sflag:$0x3] =	stream.linear.gather [hbm4b:s20+s5], $0x78, $0x38;
	[tilespmem:$0x1F878] =	vst v63  }
0xe2: {  	_ =	swait.ge [sflag:s13], $0x78  }
0xe3: {  	[sflag:s13] =	ssyncset.done $0x0  }
0xe4: {  	[sflag:s13] =	ssyncadd.s32 $0xFFFFFF88  }
0xe5: {  	_ =	swait.ge [sflag:s13], $0x78  }
0xe6: {  	[sflag:s13] =	ssyncset.done $0x0  }
0xe7: {  	[sflag:s13] =	ssyncadd.s32 $0xFFFFFF88  }
0xe8: {  	[tilespmem:s14], [sflag:$0x6] =	stream.indirect.gather [hbm4b:s1+s6], $0x80, s11, s6, $0xb8;
	[tilespmem:$0x1F878] =	vst v63  }
0xe9: {  	_ =	swait.ge [sflag:s15], $0x3C00  }
0xea: {  	[sflag:s15] =	ssyncset.done $0x0  }
0xeb: {  	[sflag:s15] =	ssyncadd.s32 $0xFFFFC400  }
0xec: {  	[spmem:s2] =	stream.indirect.scatter.add.f32 [tilespmem:s9], [sflag:$0x8], $0x80, s0, s6, $0xb8;
	[tilespmem:$0x1F878] =	vst v63  }
0xed: {  	_ = 	snop  }
0xee: {  	[spmem:s4] =	stream.indirect.scatter.add.f32 [tilespmem:s28], [sflag:$0x8], $0x1, s0, s6, $0xb8;
	[tilespmem:$0x1F878] =	vst v63  }
0xef: {  	_ =	swait.ge [sflag:s16], $0x3C00  }
0xf0: {  	[sflag:s16] =	ssyncset.done $0x0  }
0xf1: {  	[sflag:s16] =	ssyncadd.s32 $0xFFFFC400  }
0xf2: {  	_ =	swait.ge [sflag:s16], $0x78  }
0xf3: {  	[sflag:s16] =	ssyncset.done $0x0  }
0xf4: {  	s24 =	rddreg [dreg:$0xf];
	[sflag:s16] =	ssyncadd.s32 $0xFFFFFF88  }
0xf5: {  	[tilespmem:s29], [sflag:$0x1] =	stream.linear.gather [hbm4b:s24+s5], $0x78, $0x38;
	[tilespmem:$0x1F878] =	vst v63  }
0xf6: {  	s26 =	rddreg [dreg:$0x10]  }
0xf7: {  	[tilespmem:s30], [sflag:$0x1] =	stream.linear.gather [hbm4b:s26+s5], $0x78, $0x38;
	[tilespmem:$0x1F878] =	vst v63  }
0xf8: {  	_ =	swait.ge [sflag:s3], $0x78  }
0xf9: {  	[sflag:s3] =	ssyncset.done $0x0  }
0xfa: {  	[sflag:s3] =	ssyncadd.s32 $0xFFFFFF88  }
0xfb: {  	_ =	swait.ge [sflag:s3], $0x78  }
0xfc: {  	[sflag:s3] =	ssyncset.done $0x0  }
0xfd: {  	[sflag:s3] =	ssyncadd.s32 $0xFFFFFF88  }
0xfe: {  	[tilespmem:s7], [sflag:$0x4] =	stream.indirect.gather [hbm4b:s1+s6], $0x80, s29, s6, $0xb8;
	[tilespmem:$0x1F878] =	vst v63  }
0xff: {  	_ =	swait.ge [sflag:s17], $0x3C00  }
0x100: {  	[sflag:s17] =	ssyncset.done $0x0  }
0x101: {  	[sflag:s17] =	ssyncadd.s32 $0xFFFFC400  }
0x102: {  	[spmem:s2] =	stream.indirect.scatter.add.f32 [tilespmem:s14], [sflag:$0x9], $0x80, s12, s6, $0xb8;
	[tilespmem:$0x1F878] =	vst v63  }
0x103: {  	_ = 	snop  }
0x104: {  	[spmem:s4] =	stream.indirect.scatter.add.f32 [tilespmem:s28], [sflag:$0x9], $0x1, s12, s6, $0xb8;
	[tilespmem:$0x1F878] =	vst v63  }
0x105: {  	_ =	swait.ge [sflag:s18], $0x3C00  }
0x106: {  	[sflag:s18] =	ssyncset.done $0x0  }
0x107: {  	[sflag:s18] =	ssyncadd.s32 $0xFFFFC400  }
0x108: {  	_ =	swait.ge [sflag:s18], $0x78  }
0x109: {  	[sflag:s18] =	ssyncset.done $0x0  }
0x10a: {  	s21 =	rddreg [dreg:$0x11];
	[sflag:s18] =	ssyncadd.s32 $0xFFFFFF88  }
0x10b: {  	[tilespmem:s31], [sflag:$0x2] =	stream.linear.gather [hbm4b:s21+s5], $0x78, $0x38;
	[tilespmem:$0x1F878] =	vst v63  }
0x10c: {  	s23 =	rddreg [dreg:$0x12]  }
0x10d: {  	[tilespmem:s0], [sflag:$0x2] =	stream.linear.gather [hbm4b:s23+s5], $0x78, $0x38;
	[tilespmem:$0x1F878] =	vst v63  }
0x10e: {  	_ =	swait.ge [sflag:s8], $0x78  }
0x10f: {  	[sflag:s8] =	ssyncset.done $0x0  }
0x110: {  	[sflag:s8] =	ssyncadd.s32 $0xFFFFFF88  }
0x111: {  	_ =	swait.ge [sflag:s8], $0x78  }
0x112: {  	[sflag:s8] =	ssyncset.done $0x0  }
0x113: {  	[sflag:s8] =	ssyncadd.s32 $0xFFFFFF88  }
0x114: {  	[tilespmem:s9], [sflag:$0x5] =	stream.indirect.gather [hbm4b:s1+s6], $0x80, s31, s6, $0xb8;
	[tilespmem:$0x1F878] =	vst v63  }
0x115: {  	_ =	swait.ge [sflag:s10], $0x3C00  }
0x116: {  	[sflag:s10] =	ssyncset.done $0x0  }
0x117: {  	[sflag:s10] =	ssyncadd.s32 $0xFFFFC400  }
0x118: {  	[spmem:s2] =	stream.indirect.scatter.add.f32 [tilespmem:s7], [sflag:$0x7], $0x80, s30, s6, $0xb8;
	[tilespmem:$0x1F878] =	vst v63  }
0x119: {  	_ = 	snop  }
0x11a: {  	[spmem:s4] =	stream.indirect.scatter.add.f32 [tilespmem:s28], [sflag:$0x7], $0x1, s30, s6, $0xb8;
	[tilespmem:$0x1F878] =	vst v63  }
0x11b: {  	_ =	swait.ge [sflag:s19], $0x3C00  }
0x11c: {  	[sflag:s19] =	ssyncset.done $0x0  }
0x11d: {  	[sflag:s19] =	ssyncadd.s32 $0xFFFFC400  }
0x11e: {  	_ =	swait.ge [sflag:s19], $0x78  }
0x11f: {  	[sflag:s19] =	ssyncset.done $0x0  }
0x120: {  	[sflag:s19] =	ssyncadd.s32 $0xFFFFFF88  }
0x121: {  	_ =	swait.ge [sflag:s15], $0x3C00  }
0x122: {  	[sflag:s15] =	ssyncset.done $0x0  }
0x123: {  	[sflag:s15] =	ssyncadd.s32 $0xFFFFC400  }
0x124: {  	[spmem:s2] =	stream.indirect.scatter.add.f32 [tilespmem:s9], [sflag:$0x8], $0x80, s0, s6, $0xb8;
	[tilespmem:$0x1F878] =	vst v63  }
0x125: {  	_ = 	snop  }
0x126: {  	[spmem:s4] =	stream.indirect.scatter.add.f32 [tilespmem:s28], [sflag:$0x8], $0x1, s0, s6, $0xb8;
	[tilespmem:$0x1F878] =	vst v63  }
0x127: {  	_ =	swait.ge [sflag:s16], $0x3C00  }
0x128: {  	[sflag:s16] =	ssyncset.done $0x0  }
0x129: {  	[sflag:s16] =	ssyncadd.s32 $0xFFFFC400  }
0x12a: {  	_ =	swait.ge [sflag:s16], $0x78  }
0x12b: {  	[sflag:s16] =	ssyncset.done $0x0  }
0x12c: {  	[sflag:s16] =	ssyncadd.s32 $0xFFFFFF88  }
0x12d: {  	_ =	swait.ge [sflag:s18], $0x3C00  }
0x12e: {  	[sflag:s18] =	ssyncset.done $0x0  }
0x12f: {  	[sflag:s18] =	ssyncadd.s32 $0xFFFFC400  }
0x130: {  	_ =	swait.ge [sflag:s18], $0x78  }
0x131: {  	[sflag:s18] =	ssyncset.done $0x0  }
0x132: {  	[sflag:s18] =	ssyncadd.s32 $0xFFFFFF88  }
0x133: {  	[bflag:$0x0] =	sbarrier.arrive $0xFFFF  }
0x134: {  	s21 =	rddreg [dreg:$0x16]  }
0x135: {  	s24 =	rddreg [dreg:$0x18]  }
0x136: {  	s23 =	rddreg [dreg:$0x1b]  }
0x137: {  	[hbm:s24], [sflag:s21] =	dma.local [spmem:s23], $0x2780  }
0x138: {  	_ =	swait.ge [sflag:s25], $0x2780  }
0x139: {  	[sflag:s25] =	ssyncset.done $0x0  }
0x13a: {  	s24 =	simm.s32 $0x1F5F8;
	s23 =	rddreg [dreg:$0x17];
	[sflag:s25] =	ssyncadd.s32 $0xFFFFD880  }
0x13b: {  	[tilespmem:s24], [sflag:$0xA] =	stream.linear.gather [spmem:s23], $0x278, $0x38;
	[tilespmem:$0x1F878] =	vst v63  }
0x13c: {  	_ =	swait.ge [sflag:s25], $0x278  }
0x13d: {  	[sflag:s25] =	ssyncset.done $0x0  }
0x13e: {  	s26 =	rddreg [dreg:$0x19];
	[sflag:s25] =	ssyncadd.s32 $0xFFFFFD88  }
0x13f: {  	[hbm4b:s26+s5] =	stream.linear.scatter [tilespmem:s24], [sflag:$0xA], $0x278, $0x38;
	[tilespmem:$0x1F878] =	vst v63  }
0x140: {  	_ =	swait.ge [sflag:s25], $0x278  }
0x141: {  	s22 =	sadd.s32 $0x1, s22;
	s26 =	rddreg [dreg:$0x1a]  }
0x142: {  	p0 =	sne.s32 s22, s26  }
.Ltmp1:
0x143: {  	_ = 	snop;
	(pc) =	sbr.rel @p0 .LBB2_1-.Ltmp1, $3  }
0x144: {  	_ =	sdelay $0x1  }
0x145: {  	[sflag:s25] =	ssyncset.done $0x0  }
0x146: {  	[sflag:s25] =	ssyncadd.s32 $0xFFFFFD88  }
0x147: {  	_ =	sfence.sel $0x180000  }
0x148: {  	[bflag:$0x0] =	sbarrier.arrive $0xFFFF  }
0x149: {  	_ =	strace $0x90000047  }
0x14a: {  	s0 =	stileid.u32;
	[bflag:$0x2] =	sbarrier.arrive $0xFFFF  }
0x14b: {  	p0 =	sne.s32 s0, $0x0;
	s0 =	rddreg [dreg:$0x5]  }
0x14c: {  	s0 =	sadd.s32 @!p0 $0x100000, s0  }
0x14d: {  	[sflag:s0] =	ssyncadd.tile.s32 @!p0 $0x1;
	_ =	shalt  }
.Lfunc_end2:
_tile_overlayer_lowered:
.L_overlay_start_2:
0x14e: {  	(tag) =	ssettag $0x2  }
0x14f: {  	s0 =	rddreg [dreg:$0x0];
	s2 =	stileid.u32  }
0x150: {  	s1 =	rddreg [dreg:$0x1];
	p0 =	sne.s32 s2, $0x0  }
0x151: {  	s3 =	rddreg [dreg:$0x2];
	[bflag:$0x3] =	sbarrier.arrive $0xFFFF;
	s2 =	simm.s32 @!p0 $0x1C0A  }
0x152: {  	[timem:s3], [sflag:s2] =	dma.local @!p0 [hbm:s0], s1  }
0x153: {  	s0 =	simm.s32 @!p0 $0xA  }
0x154: {  	_ =	swait.ge @!p0 [sflag:s0], s1  }
0x155: {  	s1 =	ssub.s32 @!p0 $0x0, s1;
	[sflag:s0] =	ssyncset.done @!p0 $0x0  }
0x156: {  	[sflag:s0] =	ssyncadd.s32 @!p0 s1  }
0x157: {  	[bflag:$0x3] =	sbarrier.arrive $0xFFFF  }
0x158: {  	_ =	shalt  }

</sc_bundles>
